<compile_context>
chip_gen: v7x
topology: tpu7x:2x2x1
jax: 0.10.2.dev20260603
libtpu: 0.0.44.dev20260713+nightly
codegen_flags: <defaults>
</compile_context>

<pallas_src>
import functools

import jax
import jax.numpy as jnp
from jax import lax
from jax.experimental import pallas as pl
from jax.experimental.pallas import tpu as pltpu
from jax.experimental.pallas import tpu_sc as plsc

N_NODES = 10000
N_PAD = 10240
E_TOTAL = 160000
T0 = 24

F_CHUNK = 128
N_CHUNKS = 3
F_PAD = F_CHUNK * N_CHUNKS

_NSUB = 16
_ROWS_PER_SUB = N_PAD // _NSUB

_SP_KB = 100
_SP_IT = E_TOTAL // (2 * _NSUB) // _SP_KB

_DG_E = 5008
_DG_IT = _DG_E // 16
_DG_PAD = 2 * _NSUB * _DG_E - E_TOTAL



def _tconv_big(W, b, t_in):
    ks, ci, co = W.shape
    t_out = t_in - ks + 1
    big = jnp.zeros((t_in * ci, t_out * co), jnp.float32)
    for t in range(t_out):
        for k in range(ks):
            big = big.at[(t + k) * ci:(t + k + 1) * ci, t * co:(t + 1) * co].add(W[k])
    bigb = jnp.tile(b, (t_out,))[None, :]
    return big, bigb


def _gcn_big(W, b, t):
    big = jnp.kron(jnp.eye(t, dtype=jnp.float32), W)
    bigb = jnp.tile(b, (t,))[None, :]
    return big, bigb


def _pad_to(a, rows, cols):
    return jnp.pad(a, ((0, rows - a.shape[0]), (0, cols - a.shape[1])))



def _deg_call(dst2, zero_hbm):
    mesh = plsc.VectorSubcoreMesh(core_axis_name="c", subcore_axis_name="s",
                                  num_cores=2, num_subcores=_NSUB)

    @functools.partial(
        pl.kernel,
        out_type=(jax.ShapeDtypeStruct((N_PAD,), jnp.float32),
                  jax.ShapeDtypeStruct((N_PAD,), jnp.float32)),
        mesh=mesh,
        compiler_params=pltpu.CompilerParams(needs_layout_passes=False),
        scratch_types=[
            pltpu.VMEM((_DG_E,), jnp.int32),
            pltpu.VMEM((1, N_PAD), jnp.float32),
            pltpu.VMEM((_NSUB, 1, _ROWS_PER_SUB), jnp.float32),
            pltpu.VMEM((_ROWS_PER_SUB,), jnp.float32),
            pltpu.VMEM_SHARED((_NSUB, 1, N_PAD), jnp.float32),
        ],
    )
    def deg_kernel(dst_hbm, zero_h, outa, outb,
                   idx_v, hist_v, stripe_v, red_v, red_sh):
        c = lax.axis_index("c")
        s = lax.axis_index("s")
        w = c * _NSUB + s
        row0 = s * _ROWS_PER_SUB
        pltpu.sync_copy(zero_h, hist_v)
        pltpu.sync_copy(dst_hbm.at[w], idx_v)
        ones = jnp.ones((16,), jnp.float32)

        zero16 = jnp.zeros((16,), jnp.int32)

        def it(i, carry):
            idx = idx_v[pl.ds(i * 16, 16)]
            plsc.addupdate_scatter(hist_v, [zero16, idx], ones)
            return carry

        lax.fori_loop(0, _DG_IT, it, 0)
        pltpu.sync_copy(hist_v, red_sh.at[s])
        plsc.subcore_barrier()
        pltpu.sync_copy(red_sh.at[:, :, pl.ds(row0, _ROWS_PER_SUB)], stripe_v)

        def red(j, carry):
            col = pl.ds(j * 16, 16)
            acc = stripe_v[0, 0, col]
            for r in range(1, _NSUB):
                acc = acc + stripe_v[r, 0, col]
            red_v[col] = acc
            return carry

        lax.fori_loop(0, _ROWS_PER_SUB // 16, red, 0)

        @pl.when(c == 0)
        def _():
            pltpu.sync_copy(red_v, outa.at[pl.ds(row0, _ROWS_PER_SUB)])

        @pl.when(c == 1)
        def _():
            pltpu.sync_copy(red_v, outb.at[pl.ds(row0, _ROWS_PER_SUB)])

    return deg_kernel(dst2, zero_hbm)


def _spmm_call(h0, h1, h2, src3, dst3, zero_hbm):
    mesh = plsc.VectorSubcoreMesh(core_axis_name="c", subcore_axis_name="s",
                                  num_cores=2, num_subcores=_NSUB)

    @functools.partial(
        pl.kernel,
        out_type=tuple(jax.ShapeDtypeStruct((N_PAD, F_CHUNK), jnp.float32)
                       for _ in range(2 * N_CHUNKS)),
        mesh=mesh,
        scratch_types=[
            pltpu.VMEM((_SP_IT, _SP_KB), jnp.int32),
            pltpu.VMEM((_SP_IT, _SP_KB), jnp.int32),
            pltpu.VMEM((_SP_KB, F_CHUNK), jnp.float32),
            pltpu.VMEM((_SP_KB, F_CHUNK), jnp.float32),
            pltpu.VMEM_SHARED((N_PAD, F_CHUNK), jnp.float32),
            pltpu.SemaphoreType.DMA,
            pltpu.SemaphoreType.DMA,
        ],
    )
    def spmm_kernel(ha, hb, hc, src_h, dst_h, zero_h,
                    oa0, oa1, oa2, ob0, ob1, ob2,
                    src_v, dst_v, rows0_v, rows1_v, agg_sh, sem0, sem1):
        c = lax.axis_index("c")
        s = lax.axis_index("s")
        w = c * _NSUB + s
        row0 = s * _ROWS_PER_SUB
        stripe = pl.ds(row0, _ROWS_PER_SUB)
        pltpu.sync_copy(src_h.at[w], src_v)
        pltpu.sync_copy(dst_h.at[w], dst_v)
        pltpu.sync_copy(zero_h, agg_sh.at[stripe])
        plsc.subcore_barrier()

        def run_chunk(h_hbm, out_a, out_b, last):
            def it(j, carry):
                i0 = 2 * j
                i1 = 2 * j + 1
                cp0 = pltpu.async_copy(h_hbm.at[src_v.at[i0]], rows0_v, sem0)
                cp0.wait()
                cp1 = pltpu.async_copy(h_hbm.at[src_v.at[i1]], rows1_v, sem1)
                pltpu.sync_copy(rows0_v, agg_sh.at[dst_v.at[i0]], add=True)
                cp1.wait()
                pltpu.sync_copy(rows1_v, agg_sh.at[dst_v.at[i1]], add=True)
                return carry

            lax.fori_loop(0, _SP_IT // 2, it, 0)
            plsc.subcore_barrier()

            @pl.when(c == 0)
            def _():
                pltpu.sync_copy(agg_sh.at[stripe], out_a.at[stripe])

            @pl.when(c == 1)
            def _():
                pltpu.sync_copy(agg_sh.at[stripe], out_b.at[stripe])

            if not last:
                pltpu.sync_copy(zero_h, agg_sh.at[stripe])
                plsc.subcore_barrier()

        run_chunk(ha, oa0, ob0, False)
        run_chunk(hb, oa1, ob1, False)
        run_chunk(hc, oa2, ob2, True)

    return spmm_kernel(h0, h1, h2, src3, dst3, zero_hbm)



_NB = 512
_MB = 80


def _norm_of(dega, degb):
    deg = dega[...] + degb[...]
    return lax.rsqrt(jnp.maximum(deg, 1.0))


def _mm1_body(x_ref, dega_ref, degb_ref, w_ref, b_ref,
              out0_ref, out1_ref, out2_ref):
    h = jnp.dot(x_ref[...], w_ref[...], preferred_element_type=jnp.float32)
    h = jnp.maximum(h + b_ref[...], 0.0)
    h = h * _norm_of(dega_ref[...], degb_ref[...])
    out0_ref[...] = h[:, :F_CHUNK]
    out1_ref[...] = h[:, F_CHUNK:2 * F_CHUNK]
    out2_ref[...] = h[:, 2 * F_CHUNK:]


def _mm1_call(x2d, dega, degb, w_big, b_big):
    grid = (N_PAD // _NB,)
    return pl.pallas_call(
        _mm1_body,
        grid=grid,
        in_specs=[
            pl.BlockSpec((_NB, T0), lambda i: (i, 0)),
            pl.BlockSpec((_NB, 1), lambda i: (i, 0)),
            pl.BlockSpec((_NB, 1), lambda i: (i, 0)),
            pl.BlockSpec((T0, F_PAD), lambda i: (0, 0)),
            pl.BlockSpec((1, F_PAD), lambda i: (0, 0)),
        ],
        out_specs=[
            pl.BlockSpec((_NB, F_CHUNK), lambda i: (i, 0)),
            pl.BlockSpec((_NB, F_CHUNK), lambda i: (i, 0)),
            pl.BlockSpec((_NB, F_CHUNK), lambda i: (i, 0)),
        ],
        out_shape=[jax.ShapeDtypeStruct((N_PAD, F_CHUNK), jnp.float32)] * 3,
    )(x2d, dega, degb, w_big, b_big)


def _combine(parts, norm):
    a0 = parts[0][...] + parts[3][...]
    a1 = parts[1][...] + parts[4][...]
    a2 = parts[2][...] + parts[5][...]
    return jnp.concatenate([a0, a1, a2], axis=1) * norm


def _mm2_body(p0, p1, p2, p3, p4, p5, dega_ref, degb_ref,
              wg_ref, bg_ref, wb_ref, bb_ref, wa2_ref, ba2_ref,
              out0_ref, out1_ref, out2_ref):
    norm = _norm_of(dega_ref[...], degb_ref[...])
    a = _combine((p0, p1, p2, p3, p4, p5), norm)
    g = jnp.maximum(jnp.dot(a, wg_ref[...], preferred_element_type=jnp.float32)
                    + bg_ref[...], 0.0)
    h = jnp.dot(g, wb_ref[...], preferred_element_type=jnp.float32) + bb_ref[...]
    h = jnp.where(h > 0.0, h, jnp.exp(jnp.minimum(h, 0.0)) - 1.0)
    t = jnp.maximum(jnp.dot(h, wa2_ref[...], preferred_element_type=jnp.float32)
                    + ba2_ref[...], 0.0)
    t = t * norm
    out0_ref[...] = t[:, :F_CHUNK]
    out1_ref[...] = t[:, F_CHUNK:2 * F_CHUNK]
    out2_ref[...] = t[:, 2 * F_CHUNK:]


def _mm2_call(parts, dega, degb, wg, bg, wb, bb, wa2, ba2):
    f_mid = wb.shape[1]
    grid = (N_PAD // _NB,)
    part_spec = pl.BlockSpec((_NB, F_CHUNK), lambda i: (i, 0))
    return pl.pallas_call(
        _mm2_body,
        grid=grid,
        in_specs=[part_spec] * 6 + [
            pl.BlockSpec((_NB, 1), lambda i: (i, 0)),
            pl.BlockSpec((_NB, 1), lambda i: (i, 0)),
            pl.BlockSpec((F_PAD, F_PAD), lambda i: (0, 0)),
            pl.BlockSpec((1, F_PAD), lambda i: (0, 0)),
            pl.BlockSpec((F_PAD, f_mid), lambda i: (0, 0)),
            pl.BlockSpec((1, f_mid), lambda i: (0, 0)),
            pl.BlockSpec((f_mid, F_PAD), lambda i: (0, 0)),
            pl.BlockSpec((1, F_PAD), lambda i: (0, 0)),
        ],
        out_specs=[
            pl.BlockSpec((_NB, F_CHUNK), lambda i: (i, 0)),
            pl.BlockSpec((_NB, F_CHUNK), lambda i: (i, 0)),
            pl.BlockSpec((_NB, F_CHUNK), lambda i: (i, 0)),
        ],
        out_shape=[jax.ShapeDtypeStruct((N_PAD, F_CHUNK), jnp.float32)] * 3,
    )(*parts, dega, degb, wg, bg, wb, bb, wa2, ba2)


def _mlp_body(p0, p1, p2, p3, p4, p5, dega_ref, degb_ref,
              wg_ref, bg_ref, wb_ref, bb_ref,
              w1_ref, b1_ref, out_ref):
    norm = _norm_of(dega_ref[...], degb_ref[...])
    a = _combine((p0, p1, p2, p3, p4, p5), norm)
    g = jnp.maximum(jnp.dot(a, wg_ref[...], preferred_element_type=jnp.float32)
                    + bg_ref[...], 0.0)
    feat = jnp.dot(g, wb_ref[...], preferred_element_type=jnp.float32) + bb_ref[...]
    hid = lax.dot_general(feat, w1_ref[...], (((1,), (2,)), ((0,), (0,))),
                          preferred_element_type=jnp.float32) + b1_ref[...]
    hid = jnp.maximum(hid, 0.0)
    out_ref[...] = hid


def _mlp_call(parts, dega, degb, wg, bg, wb, bb, w1, b1):
    f_feat = wb.shape[1]
    f_hid = w1.shape[1]
    grid = (N_NODES // _MB,)
    part_spec = pl.BlockSpec((_MB, F_CHUNK), lambda i: (i, 0))
    return pl.pallas_call(
        _mlp_body,
        grid=grid,
        in_specs=[part_spec] * 6 + [
            pl.BlockSpec((_MB, 1), lambda i: (i, 0)),
            pl.BlockSpec((_MB, 1), lambda i: (i, 0)),
            pl.BlockSpec((F_PAD, F_PAD), lambda i: (0, 0)),
            pl.BlockSpec((1, F_PAD), lambda i: (0, 0)),
            pl.BlockSpec((F_PAD, f_feat), lambda i: (0, 0)),
            pl.BlockSpec((1, f_feat), lambda i: (0, 0)),
            pl.BlockSpec((_MB, f_hid, f_feat), lambda i: (i, 0, 0)),
            pl.BlockSpec((_MB, f_hid), lambda i: (i, 0)),
        ],
        out_specs=pl.BlockSpec((_MB, f_hid), lambda i: (i, 0)),
        out_shape=jax.ShapeDtypeStruct((N_NODES, f_hid), jnp.float32),
    )(*parts, dega, degb, wg, bg, wb, bb, w1, b1)


def _w2_body(hid_t_ref, w2v_ref, b2t_ref, out_ref):
    h = hid_t_ref[...]
    for o in range(12):
        out_ref[o, :] = jnp.sum(w2v_ref[o] * h, axis=0) + b2t_ref[o, :]


def _w2_call(hid, w2v, b2t):
    f_hid = hid.shape[1]
    hid_t = jnp.transpose(hid)
    return pl.pallas_call(
        _w2_body,
        grid=(1,),
        in_specs=[
            pl.BlockSpec((f_hid, N_NODES), lambda i: (0, 0)),
            pl.BlockSpec((12, f_hid, N_NODES), lambda i: (0, 0, 0)),
            pl.BlockSpec((12, N_NODES), lambda i: (0, 0)),
        ],
        out_specs=pl.BlockSpec((12, N_NODES), lambda i: (0, 0)),
        out_shape=jax.ShapeDtypeStruct((12, N_NODES), jnp.float32),
    )(hid_t, w2v, b2t)



def kernel(x, edge_index, Wt1a, bt1a, Wg1, bg1, Wt1b, bt1b,
           Wt2a, bt2a, Wg2, bg2, Wt2b, bt2b, W1, b1, W2, b2):
    w1a_big, b1a_big = _tconv_big(Wt1a, bt1a, 24)
    wg1_big, bg1_big = _gcn_big(Wg1, bg1, 22)
    w1b_big, b1b_big = _tconv_big(Wt1b, bt1b, 22)
    w2a_big, b2a_big = _tconv_big(Wt2a, bt2a, 20)
    wg2_big, bg2_big = _gcn_big(Wg2, bg2, 18)
    w2b_big, b2b_big = _tconv_big(Wt2b, bt2b, 18)

    w1a_big = _pad_to(w1a_big, T0, F_PAD)
    b1a_big = _pad_to(b1a_big, 1, F_PAD)
    wg1_big = _pad_to(wg1_big, F_PAD, F_PAD)
    bg1_big = _pad_to(bg1_big, 1, F_PAD)
    w1b_big = _pad_to(w1b_big, F_PAD, 640)
    w2a_big = _pad_to(w2a_big, 640, F_PAD)
    b2a_big = _pad_to(b2a_big, 1, F_PAD)
    wg2_big = _pad_to(wg2_big, F_PAD, F_PAD)
    bg2_big = _pad_to(bg2_big, 1, F_PAD)
    w2b_big = _pad_to(w2b_big, F_PAD, 512)

    x2d = jnp.pad(jnp.transpose(x[0]), ((0, N_PAD - N_NODES), (0, 0)))
    src = edge_index[0]
    dst = edge_index[1]
    dst2_dg = jnp.concatenate(
        [dst, jnp.full((_DG_PAD,), N_PAD - 1, jnp.int32)]).reshape(
            2 * _NSUB, _DG_E)
    src3_sp = src.reshape(2 * _NSUB, _SP_IT, _SP_KB)
    dst3_sp = dst.reshape(2 * _NSUB, _SP_IT, _SP_KB)

    zero_dg = jnp.zeros((1, N_PAD), jnp.float32)
    zero_sp = jnp.zeros((_ROWS_PER_SUB, F_CHUNK), jnp.float32)

    dega, degb = _deg_call(dst2_dg, zero_dg)
    dega = dega[:, None]
    degb = degb[:, None]

    hp = _mm1_call(x2d, dega, degb, w1a_big, b1a_big)

    agg1 = _spmm_call(hp[0], hp[1], hp[2], src3_sp, dst3_sp, zero_sp)

    hq = _mm2_call(agg1, dega, degb,
                   wg1_big, bg1_big, w1b_big, b1b_big, w2a_big, b2a_big)

    agg2 = _spmm_call(hq[0], hq[1], hq[2], src3_sp, dst3_sp, zero_sp)

    hid = _mlp_call(agg2, dega, degb,
                    wg2_big, bg2_big, w2b_big, b2b_big,
                    jnp.swapaxes(W1, 1, 2), b1)

    out_t = _w2_call(hid, jnp.transpose(W2, (2, 1, 0)), jnp.transpose(b2))

    return jnp.transpose(out_t)[:, None, :]

# --- scband reference (transcript-rebuilt; emitter-appended) ---
"""Pipeline reference for scband-st-sme-gcn-mlp-22153441313333 (READ-ONLY COPY).

The authoritative reference and input builder live on the scoring server;
editing this copy changes nothing except your own understanding.
"""

import jax, jax.numpy as jnp
import numpy as np

N = 10000
E = 160000
B = 1
T = 24
OUT = 12
KS = 3

def _init(key, shape, scale=0.05):
    return jax.random.normal(key, shape, dtype=jnp.float32) * scale

def setup_inputs(seed: int = 0):
    key = jax.random.key(seed)
    ks = jax.random.split(key, 12)
    inp = {}
    inp['x'] = jax.random.normal(ks[0], (B, T, N), dtype=jnp.float32)
    inp['edge_index'] = jax.random.randint(ks[1], (2, E), 0, N, dtype=jnp.int32)
    inp['Wt1a'] = _init(ks[2], (KS, 1, 16)); inp['bt1a'] = jnp.zeros((16,), jnp.float32)
    inp['Wg1'] = _init(ks[3], (16, 16)); inp['bg1'] = jnp.zeros((16,), jnp.float32)
    inp['Wt1b'] = _init(ks[4], (KS, 16, 32)); inp['bt1b'] = jnp.zeros((32,), jnp.float32)
    inp['Wt2a'] = _init(ks[5], (KS, 32, 16)); inp['bt2a'] = jnp.zeros((16,), jnp.float32)
    inp['Wg2'] = _init(ks[6], (16, 16)); inp['bg2'] = jnp.zeros((16,), jnp.float32)
    inp['Wt2b'] = _init(ks[7], (KS, 16, 32)); inp['bt2b'] = jnp.zeros((32,), jnp.float32)
    inp['W1'] = _init(ks[8], (N, 512, 64)); inp['b1'] = jnp.zeros((N, 64), jnp.float32)
    inp['W2'] = _init(ks[9], (N, 64, OUT)); inp['b2'] = jnp.zeros((N, OUT), jnp.float32)
    return inp

def _tconv(x, W, b):
    ksz = W.shape[0]
    To = x.shape[1] - ksz + 1
    out = jnp.einsum('btnc,co->btno', x[:, 0:To], W[0])
    for k in range(1, ksz):
        out = out + jnp.einsum('btnc,co->btno', x[:, k:k + To], W[k])
    return out + b

def _gcn(x, src, dst, W, b):
    deg = jnp.zeros((N,), x.dtype).at[dst].add(1.0)
    norm = jax.lax.rsqrt(jnp.maximum(deg, 1.0))
    coef = (norm[src] * norm[dst])[None, None, :, None]
    msgs = x[:, :, src, :] * coef
    agg = jnp.zeros_like(x).at[:, :, dst, :].add(msgs)
    return jnp.einsum('btnc,co->btno', agg, W) + b

def _st_conv(x, src, dst, Wta, bta, Wg, bg, Wtb, btb):
    h = jax.nn.relu(_tconv(x, Wta, bta))
    h = jax.nn.relu(_gcn(h, src, dst, Wg, bg))
    return _tconv(h, Wtb, btb)

def reference(x, edge_index, Wt1a, bt1a, Wg1, bg1, Wt1b, bt1b, Wt2a, bt2a, Wg2, bg2, Wt2b, bt2b, W1, b1, W2, b2):
    src = edge_index[0]
    dst = edge_index[1]
    h = x[..., None]
    h = jax.nn.elu(_st_conv(h, src, dst, Wt1a, bt1a, Wg1, bg1, Wt1b, bt1b))
    h = _st_conv(h, src, dst, Wt2a, bt2a, Wg2, bg2, Wt2b, bt2b)
    feat = jnp.transpose(h, (0, 2, 1, 3)).reshape(h.shape[0], N, -1)
    hid = jax.nn.relu(jnp.einsum('bnf,nfo->bno', feat, W1) + b1[None])
    out = jnp.einsum('bnf,nfo->bno', hid, W2) + b2[None]
    return jnp.transpose(out, (1, 0, 2))

if __name__ == "__main__":
    import jax
    _d = setup_inputs()
    print(jax.jit(kernel)(*tuple(_d.values())))

</pallas_src>

<mosaic_0001>
#map = affine_map<(d0, d1) -> (0, 0)>
#map1 = affine_map<(d0, d1) -> (0, 0, 0)>
module attributes {stable_mosaic.version = 14 : i64} {
  func.func @spmm_kernel(%arg0: i32, %arg1: i32, %arg2: memref<10240x128xf32, #tpu.memory_space<hbm>>, %arg3: memref<10240x128xf32, #tpu.memory_space<hbm>>, %arg4: memref<10240x128xf32, #tpu.memory_space<hbm>>, %arg5: memref<32x50x100xi32, #tpu.memory_space<hbm>>, %arg6: memref<32x50x100xi32, #tpu.memory_space<hbm>>, %arg7: memref<640x128xf32, #tpu.memory_space<hbm>>, %arg8: memref<10240x128xf32, #tpu.memory_space<hbm>>, %arg9: memref<10240x128xf32, #tpu.memory_space<hbm>>, %arg10: memref<10240x128xf32, #tpu.memory_space<hbm>>, %arg11: memref<10240x128xf32, #tpu.memory_space<hbm>>, %arg12: memref<10240x128xf32, #tpu.memory_space<hbm>>, %arg13: memref<10240x128xf32, #tpu.memory_space<hbm>>, %arg14: memref<50x100xi32, #tpu.memory_space<vmem>>, %arg15: memref<50x100xi32, #tpu.memory_space<vmem>>, %arg16: memref<100x128xf32, #tpu.memory_space<vmem>>, %arg17: memref<100x128xf32, #tpu.memory_space<vmem>>, %arg18: memref<10240x128xf32, #tpu.memory_space<vmem_shared>>, %arg19: memref<!tpu.dma_semaphore, #tpu.memory_space<semaphore_mem>>, %arg20: memref<!tpu.dma_semaphore, #tpu.memory_space<semaphore_mem>>) attributes {dimension_semantics = [#tpu.dimension_semantics<core_parallel>, #tpu.dimension_semantics<subcore_parallel>], iteration_bounds = array<i64: 2, 16>, scalar_prefetch = 0 : i64, scratch_operands = 7 : i64, tpu.core_type = #tpu.core_type<sc_vector_subcore>, window_params = [{transform_indices = #map}, {transform_indices = #map}, {transform_indices = #map}, {transform_indices = #map1}, {transform_indices = #map1}, {transform_indices = #map}, {transform_indices = #map}, {transform_indices = #map}, {transform_indices = #map}, {transform_indices = #map}, {transform_indices = #map}, {transform_indices = #map}]} {
    %mul3A = arith.constant 16 : i32
    %mul3A_0 = arith.muli %arg0, %mul3A : i32
    %add3A = arith.addi %mul3A_0, %arg1 : i32
    %mul3A_1 = arith.constant 640 : i32
    %mul3A_2 = arith.muli %arg1, %mul3A_1 : i32
    "tpu.region"() ({
      %run_scoped3A = tpu.sem_alloc : memref<!tpu.dma_semaphore, #tpu.memory_space<semaphore_mem>>
      %dma_start3A = arith.constant 0 : i32
      %dma_start3A_52 = arith.constant 0 : i32
      %dma_start3A_53 = tpu.memref_slice %arg5[%add3A, %dma_start3A, %dma_start3A_52] : memref<32x50x100xi32, #tpu.memory_space<hbm>> -> memref<1x50x100xi32, #tpu.memory_space<hbm>>
      %dma_start3A_54 = tpu.memref_squeeze %dma_start3A_53 : memref<1x50x100xi32, #tpu.memory_space<hbm>> -> memref<50x100xi32, #tpu.memory_space<hbm>>
      %dma_start3A_55 = arith.constant 0 : i32
      %dma_start3A_56 = arith.constant 0 : i32
      %dma_start3A_57 = tpu.memref_slice %arg5[%add3A, %dma_start3A_55, %dma_start3A_56] : memref<32x50x100xi32, #tpu.memory_space<hbm>> -> memref<1x50x100xi32, #tpu.memory_space<hbm>>
      %dma_start3A_58 = tpu.memref_squeeze %dma_start3A_57 : memref<1x50x100xi32, #tpu.memory_space<hbm>> -> memref<50x100xi32, #tpu.memory_space<hbm>>
      tpu.enqueue_dma source(%dma_start3A_58 : memref<50x100xi32, #tpu.memory_space<hbm>>) target(%arg14 : memref<50x100xi32, #tpu.memory_space<vmem>>) target_semaphore(%run_scoped3A : memref<!tpu.dma_semaphore, #tpu.memory_space<semaphore_mem>>)
      %dma_wait3A = arith.constant 0 : i32
      %dma_wait3A_59 = arith.constant 0 : i32
      %dma_wait3A_60 = tpu.memref_slice %arg5[%add3A, %dma_wait3A, %dma_wait3A_59] : memref<32x50x100xi32, #tpu.memory_space<hbm>> -> memref<1x50x100xi32, #tpu.memory_space<hbm>>
      %dma_wait3A_61 = tpu.memref_squeeze %dma_wait3A_60 : memref<1x50x100xi32, #tpu.memory_space<hbm>> -> memref<50x100xi32, #tpu.memory_space<hbm>>
      %dma_wait3A_62 = arith.constant 0 : i32
      %dma_wait3A_63 = arith.constant 0 : i32
      %dma_wait3A_64 = tpu.memref_slice %arg5[%add3A, %dma_wait3A_62, %dma_wait3A_63] : memref<32x50x100xi32, #tpu.memory_space<hbm>> -> memref<1x50x100xi32, #tpu.memory_space<hbm>>
      %dma_wait3A_65 = tpu.memref_squeeze %dma_wait3A_64 : memref<1x50x100xi32, #tpu.memory_space<hbm>> -> memref<50x100xi32, #tpu.memory_space<hbm>>
      tpu.wait_dma2 semaphore(%run_scoped3A : memref<!tpu.dma_semaphore, #tpu.memory_space<semaphore_mem>>) src(%dma_wait3A_65 : memref<50x100xi32, #tpu.memory_space<hbm>>) dst(%arg14 : memref<50x100xi32, #tpu.memory_space<vmem>>)
      tpu.yield
    }) : () -> ()
    "tpu.region"() ({
      %run_scoped3A = tpu.sem_alloc : memref<!tpu.dma_semaphore, #tpu.memory_space<semaphore_mem>>
      %dma_start3A = arith.constant 0 : i32
      %dma_start3A_52 = arith.constant 0 : i32
      %dma_start3A_53 = tpu.memref_slice %arg6[%add3A, %dma_start3A, %dma_start3A_52] : memref<32x50x100xi32, #tpu.memory_space<hbm>> -> memref<1x50x100xi32, #tpu.memory_space<hbm>>
      %dma_start3A_54 = tpu.memref_squeeze %dma_start3A_53 : memref<1x50x100xi32, #tpu.memory_space<hbm>> -> memref<50x100xi32, #tpu.memory_space<hbm>>
      %dma_start3A_55 = arith.constant 0 : i32
      %dma_start3A_56 = arith.constant 0 : i32
      %dma_start3A_57 = tpu.memref_slice %arg6[%add3A, %dma_start3A_55, %dma_start3A_56] : memref<32x50x100xi32, #tpu.memory_space<hbm>> -> memref<1x50x100xi32, #tpu.memory_space<hbm>>
      %dma_start3A_58 = tpu.memref_squeeze %dma_start3A_57 : memref<1x50x100xi32, #tpu.memory_space<hbm>> -> memref<50x100xi32, #tpu.memory_space<hbm>>
      tpu.enqueue_dma source(%dma_start3A_58 : memref<50x100xi32, #tpu.memory_space<hbm>>) target(%arg15 : memref<50x100xi32, #tpu.memory_space<vmem>>) target_semaphore(%run_scoped3A : memref<!tpu.dma_semaphore, #tpu.memory_space<semaphore_mem>>)
      %dma_wait3A = arith.constant 0 : i32
      %dma_wait3A_59 = arith.constant 0 : i32
      %dma_wait3A_60 = tpu.memref_slice %arg6[%add3A, %dma_wait3A, %dma_wait3A_59] : memref<32x50x100xi32, #tpu.memory_space<hbm>> -> memref<1x50x100xi32, #tpu.memory_space<hbm>>
      %dma_wait3A_61 = tpu.memref_squeeze %dma_wait3A_60 : memref<1x50x100xi32, #tpu.memory_space<hbm>> -> memref<50x100xi32, #tpu.memory_space<hbm>>
      %dma_wait3A_62 = arith.constant 0 : i32
      %dma_wait3A_63 = arith.constant 0 : i32
      %dma_wait3A_64 = tpu.memref_slice %arg6[%add3A, %dma_wait3A_62, %dma_wait3A_63] : memref<32x50x100xi32, #tpu.memory_space<hbm>> -> memref<1x50x100xi32, #tpu.memory_space<hbm>>
      %dma_wait3A_65 = tpu.memref_squeeze %dma_wait3A_64 : memref<1x50x100xi32, #tpu.memory_space<hbm>> -> memref<50x100xi32, #tpu.memory_space<hbm>>
      tpu.wait_dma2 semaphore(%run_scoped3A : memref<!tpu.dma_semaphore, #tpu.memory_space<semaphore_mem>>) src(%dma_wait3A_65 : memref<50x100xi32, #tpu.memory_space<hbm>>) dst(%arg15 : memref<50x100xi32, #tpu.memory_space<vmem>>)
      tpu.yield
    }) : () -> ()
    "tpu.region"() ({
      %run_scoped3A = tpu.sem_alloc : memref<!tpu.dma_semaphore, #tpu.memory_space<semaphore_mem>>
      %dma_start3A = arith.constant 0 : i32
      %dma_start3A_52 = tpu.memref_slice %arg18[%mul3A_2, %dma_start3A] : memref<10240x128xf32, #tpu.memory_space<vmem_shared>> -> memref<640x128xf32, #tpu.memory_space<vmem_shared>>
      tpu.enqueue_dma source(%arg7 : memref<640x128xf32, #tpu.memory_space<hbm>>) target(%dma_start3A_52 : memref<640x128xf32, #tpu.memory_space<vmem_shared>>) target_semaphore(%run_scoped3A : memref<!tpu.dma_semaphore, #tpu.memory_space<semaphore_mem>>)
      %dma_wait3A = arith.constant 0 : i32
      %dma_wait3A_53 = tpu.memref_slice %arg18[%mul3A_2, %dma_wait3A] : memref<10240x128xf32, #tpu.memory_space<vmem_shared>> -> memref<640x128xf32, #tpu.memory_space<vmem_shared>>
      tpu.wait_dma2 semaphore(%run_scoped3A : memref<!tpu.dma_semaphore, #tpu.memory_space<semaphore_mem>>) src(%arg7 : memref<640x128xf32, #tpu.memory_space<hbm>>) dst(%dma_wait3A_53 : memref<640x128xf32, #tpu.memory_space<vmem_shared>>)
      tpu.yield
    }) : () -> ()
    %barrier3A = arith.constant 0 : index
    tpu.barrier barrier_id(%barrier3A)
    %scan3A = arith.constant 0 : i32
    %scan3A_3 = arith.constant 0 : i32
    %scan3A_4 = arith.constant 25 : i32
    %scan3A_5 = arith.addi %scan3A_3, %scan3A_4 : i32
    %scan3A_6 = arith.constant 1 : i32
    scf.for %scan3A_52 = %scan3A_3 to %scan3A_5 step %scan3A_6  : i32 {
      %mul3A_53 = arith.constant 2 : i32
      %mul3A_54 = arith.muli %mul3A_53, %scan3A_52 : i32
      %mul3A_55 = arith.constant 2 : i32
      %mul3A_56 = arith.muli %mul3A_55, %scan3A_52 : i32
      %add3A_57 = arith.constant 1 : i32
      %add3A_58 = arith.addi %mul3A_56, %add3A_57 : i32
      %dma_start3A = arith.constant 0 : i32
      %dma_start3A_59 = tpu.memref_slice %arg14[%mul3A_54, %dma_start3A] : memref<50x100xi32, #tpu.memory_space<vmem>> -> memref<1x100xi32, #tpu.memory_space<vmem>>
      %dma_start3A_60 = tpu.memref_squeeze %dma_start3A_59 : memref<1x100xi32, #tpu.memory_space<vmem>> -> memref<100xi32, #tpu.memory_space<vmem>>
      %dma_start3A_61 = arith.constant 0 : i32
      %dma_start3A_62 = arith.constant 0 : i32
      %dma_start3A_63 = tpu.memref_slice %arg2[%dma_start3A_61, %dma_start3A_62] : memref<10240x128xf32, #tpu.memory_space<hbm>> -> memref<10240x128xf32, #tpu.memory_space<hbm>>
      tpu.enqueue_indirect_dma source(%dma_start3A_63 : memref<10240x128xf32, #tpu.memory_space<hbm>>) target(%arg16 : memref<100x128xf32, #tpu.memory_space<vmem>>) offsets(%dma_start3A_60 : memref<100xi32, #tpu.memory_space<vmem>>) semaphore(%arg19 : memref<!tpu.dma_semaphore, #tpu.memory_space<semaphore_mem>>)
      %dma_wait3A = arith.constant 0 : i32
      %dma_wait3A_64 = tpu.memref_slice %arg14[%mul3A_54, %dma_wait3A] : memref<50x100xi32, #tpu.memory_space<vmem>> -> memref<1x100xi32, #tpu.memory_space<vmem>>
      %dma_wait3A_65 = tpu.memref_squeeze %dma_wait3A_64 : memref<1x100xi32, #tpu.memory_space<vmem>> -> memref<100xi32, #tpu.memory_space<vmem>>
      %dma_wait3A_66 = arith.constant 0 : i32
      %dma_wait3A_67 = arith.constant 0 : i32
      %dma_wait3A_68 = tpu.memref_slice %arg2[%dma_wait3A_66, %dma_wait3A_67] : memref<10240x128xf32, #tpu.memory_space<hbm>> -> memref<10240x128xf32, #tpu.memory_space<hbm>>
      tpu.wait_indirect_dma semaphore(%arg19 : memref<!tpu.dma_semaphore, #tpu.memory_space<semaphore_mem>>) src(%dma_wait3A_68 : memref<10240x128xf32, #tpu.memory_space<hbm>>) dst(%arg16 : memref<100x128xf32, #tpu.memory_space<vmem>>)
      %dma_start3A_69 = arith.constant 0 : i32
      %dma_start3A_70 = tpu.memref_slice %arg14[%add3A_58, %dma_start3A_69] : memref<50x100xi32, #tpu.memory_space<vmem>> -> memref<1x100xi32, #tpu.memory_space<vmem>>
      %dma_start3A_71 = tpu.memref_squeeze %dma_start3A_70 : memref<1x100xi32, #tpu.memory_space<vmem>> -> memref<100xi32, #tpu.memory_space<vmem>>
      %dma_start3A_72 = arith.constant 0 : i32
      %dma_start3A_73 = arith.constant 0 : i32
      %dma_start3A_74 = tpu.memref_slice %arg2[%dma_start3A_72, %dma_start3A_73] : memref<10240x128xf32, #tpu.memory_space<hbm>> -> memref<10240x128xf32, #tpu.memory_space<hbm>>
      tpu.enqueue_indirect_dma source(%dma_start3A_74 : memref<10240x128xf32, #tpu.memory_space<hbm>>) target(%arg17 : memref<100x128xf32, #tpu.memory_space<vmem>>) offsets(%dma_start3A_71 : memref<100xi32, #tpu.memory_space<vmem>>) semaphore(%arg20 : memref<!tpu.dma_semaphore, #tpu.memory_space<semaphore_mem>>)
      "tpu.region"() ({
        %run_scoped3A = tpu.sem_alloc : memref<!tpu.dma_semaphore, #tpu.memory_space<semaphore_mem>>
        %dma_start3A_81 = arith.constant 0 : i32
        %dma_start3A_82 = tpu.memref_slice %arg15[%mul3A_54, %dma_start3A_81] : memref<50x100xi32, #tpu.memory_space<vmem>> -> memref<1x100xi32, #tpu.memory_space<vmem>>
        %dma_start3A_83 = tpu.memref_squeeze %dma_start3A_82 : memref<1x100xi32, #tpu.memory_space<vmem>> -> memref<100xi32, #tpu.memory_space<vmem>>
        %dma_start3A_84 = arith.constant 0 : i32
        %dma_start3A_85 = arith.constant 0 : i32
        %dma_start3A_86 = tpu.memref_slice %arg18[%dma_start3A_84, %dma_start3A_85] : memref<10240x128xf32, #tpu.memory_space<vmem_shared>> -> memref<10240x128xf32, #tpu.memory_space<vmem_shared>>
        tpu.enqueue_indirect_dma source(%arg16 : memref<100x128xf32, #tpu.memory_space<vmem>>) target(%dma_start3A_86 : memref<10240x128xf32, #tpu.memory_space<vmem_shared>>) offsets(%dma_start3A_83 : memref<100xi32, #tpu.memory_space<vmem>>) semaphore(%run_scoped3A : memref<!tpu.dma_semaphore, #tpu.memory_space<semaphore_mem>>) {add = true}
        %dma_wait3A_87 = arith.constant 0 : i32
        %dma_wait3A_88 = tpu.memref_slice %arg15[%mul3A_54, %dma_wait3A_87] : memref<50x100xi32, #tpu.memory_space<vmem>> -> memref<1x100xi32, #tpu.memory_space<vmem>>
        %dma_wait3A_89 = tpu.memref_squeeze %dma_wait3A_88 : memref<1x100xi32, #tpu.memory_space<vmem>> -> memref<100xi32, #tpu.memory_space<vmem>>
        %dma_wait3A_90 = arith.constant 0 : i32
        %dma_wait3A_91 = arith.constant 0 : i32
        %dma_wait3A_92 = tpu.memref_slice %arg18[%dma_wait3A_90, %dma_wait3A_91] : memref<10240x128xf32, #tpu.memory_space<vmem_shared>> -> memref<10240x128xf32, #tpu.memory_space<vmem_shared>>
        tpu.wait_indirect_dma semaphore(%run_scoped3A : memref<!tpu.dma_semaphore, #tpu.memory_space<semaphore_mem>>) src(%arg16 : memref<100x128xf32, #tpu.memory_space<vmem>>) dst(%dma_wait3A_92 : memref<10240x128xf32, #tpu.memory_space<vmem_shared>>)
        tpu.yield
      }) : () -> ()
      %dma_wait3A_75 = arith.constant 0 : i32
      %dma_wait3A_76 = tpu.memref_slice %arg14[%add3A_58, %dma_wait3A_75] : memref<50x100xi32, #tpu.memory_space<vmem>> -> memref<1x100xi32, #tpu.memory_space<vmem>>
      %dma_wait3A_77 = tpu.memref_squeeze %dma_wait3A_76 : memref<1x100xi32, #tpu.memory_space<vmem>> -> memref<100xi32, #tpu.memory_space<vmem>>
      %dma_wait3A_78 = arith.constant 0 : i32
      %dma_wait3A_79 = arith.constant 0 : i32
      %dma_wait3A_80 = tpu.memref_slice %arg2[%dma_wait3A_78, %dma_wait3A_79] : memref<10240x128xf32, #tpu.memory_space<hbm>> -> memref<10240x128xf32, #tpu.memory_space<hbm>>
      tpu.wait_indirect_dma semaphore(%arg20 : memref<!tpu.dma_semaphore, #tpu.memory_space<semaphore_mem>>) src(%dma_wait3A_80 : memref<10240x128xf32, #tpu.memory_space<hbm>>) dst(%arg17 : memref<100x128xf32, #tpu.memory_space<vmem>>)
      "tpu.region"() ({
        %run_scoped3A = tpu.sem_alloc : memref<!tpu.dma_semaphore, #tpu.memory_space<semaphore_mem>>
        %dma_start3A_81 = arith.constant 0 : i32
        %dma_start3A_82 = tpu.memref_slice %arg15[%add3A_58, %dma_start3A_81] : memref<50x100xi32, #tpu.memory_space<vmem>> -> memref<1x100xi32, #tpu.memory_space<vmem>>
        %dma_start3A_83 = tpu.memref_squeeze %dma_start3A_82 : memref<1x100xi32, #tpu.memory_space<vmem>> -> memref<100xi32, #tpu.memory_space<vmem>>
        %dma_start3A_84 = arith.constant 0 : i32
        %dma_start3A_85 = arith.constant 0 : i32
        %dma_start3A_86 = tpu.memref_slice %arg18[%dma_start3A_84, %dma_start3A_85] : memref<10240x128xf32, #tpu.memory_space<vmem_shared>> -> memref<10240x128xf32, #tpu.memory_space<vmem_shared>>
        tpu.enqueue_indirect_dma source(%arg17 : memref<100x128xf32, #tpu.memory_space<vmem>>) target(%dma_start3A_86 : memref<10240x128xf32, #tpu.memory_space<vmem_shared>>) offsets(%dma_start3A_83 : memref<100xi32, #tpu.memory_space<vmem>>) semaphore(%run_scoped3A : memref<!tpu.dma_semaphore, #tpu.memory_space<semaphore_mem>>) {add = true}
        %dma_wait3A_87 = arith.constant 0 : i32
        %dma_wait3A_88 = tpu.memref_slice %arg15[%add3A_58, %dma_wait3A_87] : memref<50x100xi32, #tpu.memory_space<vmem>> -> memref<1x100xi32, #tpu.memory_space<vmem>>
        %dma_wait3A_89 = tpu.memref_squeeze %dma_wait3A_88 : memref<1x100xi32, #tpu.memory_space<vmem>> -> memref<100xi32, #tpu.memory_space<vmem>>
        %dma_wait3A_90 = arith.constant 0 : i32
        %dma_wait3A_91 = arith.constant 0 : i32
        %dma_wait3A_92 = tpu.memref_slice %arg18[%dma_wait3A_90, %dma_wait3A_91] : memref<10240x128xf32, #tpu.memory_space<vmem_shared>> -> memref<10240x128xf32, #tpu.memory_space<vmem_shared>>
        tpu.wait_indirect_dma semaphore(%run_scoped3A : memref<!tpu.dma_semaphore, #tpu.memory_space<semaphore_mem>>) src(%arg17 : memref<100x128xf32, #tpu.memory_space<vmem>>) dst(%dma_wait3A_92 : memref<10240x128xf32, #tpu.memory_space<vmem_shared>>)
        tpu.yield
      }) : () -> ()
    }
    %scan3A_7 = arith.constant 25 : i32
    %barrier3A_8 = arith.constant 0 : index
    tpu.barrier barrier_id(%barrier3A_8)
    %eq3A = arith.constant 0 : i32
    %eq3A_9 = arith.cmpi eq, %arg0, %eq3A : i32
    %convert_element_type3A = arith.extui %eq3A_9 : i1 to i32
    %cond3A = arith.constant 0 : i32
    %cond3A_10 = arith.cmpi ne, %convert_element_type3A, %cond3A : i32
    scf.if %cond3A_10 {
      "tpu.region"() ({
        %run_scoped3A = tpu.sem_alloc : memref<!tpu.dma_semaphore, #tpu.memory_space<semaphore_mem>>
        %dma_start3A = arith.constant 0 : i32
        %dma_start3A_52 = tpu.memref_slice %arg8[%mul3A_2, %dma_start3A] : memref<10240x128xf32, #tpu.memory_space<hbm>> -> memref<640x128xf32, #tpu.memory_space<hbm>>
        %dma_start3A_53 = arith.constant 0 : i32
        %dma_start3A_54 = tpu.memref_slice %arg18[%mul3A_2, %dma_start3A_53] : memref<10240x128xf32, #tpu.memory_space<vmem_shared>> -> memref<640x128xf32, #tpu.memory_space<vmem_shared>>
        tpu.enqueue_dma source(%dma_start3A_54 : memref<640x128xf32, #tpu.memory_space<vmem_shared>>) target(%dma_start3A_52 : memref<640x128xf32, #tpu.memory_space<hbm>>) target_semaphore(%run_scoped3A : memref<!tpu.dma_semaphore, #tpu.memory_space<semaphore_mem>>)
        %dma_wait3A = arith.constant 0 : i32
        %dma_wait3A_55 = tpu.memref_slice %arg8[%mul3A_2, %dma_wait3A] : memref<10240x128xf32, #tpu.memory_space<hbm>> -> memref<640x128xf32, #tpu.memory_space<hbm>>
        %dma_wait3A_56 = arith.constant 0 : i32
        %dma_wait3A_57 = tpu.memref_slice %arg18[%mul3A_2, %dma_wait3A_56] : memref<10240x128xf32, #tpu.memory_space<vmem_shared>> -> memref<640x128xf32, #tpu.memory_space<vmem_shared>>
        tpu.wait_dma2 semaphore(%run_scoped3A : memref<!tpu.dma_semaphore, #tpu.memory_space<semaphore_mem>>) src(%dma_wait3A_57 : memref<640x128xf32, #tpu.memory_space<vmem_shared>>) dst(%dma_wait3A_55 : memref<640x128xf32, #tpu.memory_space<hbm>>)
        tpu.yield
      }) : () -> ()
    } else {
    }
    %eq3A_11 = arith.constant 1 : i32
    %eq3A_12 = arith.cmpi eq, %arg0, %eq3A_11 : i32
    %convert_element_type3A_13 = arith.extui %eq3A_12 : i1 to i32
    %cond3A_14 = arith.constant 0 : i32
    %cond3A_15 = arith.cmpi ne, %convert_element_type3A_13, %cond3A_14 : i32
    scf.if %cond3A_15 {
      "tpu.region"() ({
        %run_scoped3A = tpu.sem_alloc : memref<!tpu.dma_semaphore, #tpu.memory_space<semaphore_mem>>
        %dma_start3A = arith.constant 0 : i32
        %dma_start3A_52 = tpu.memref_slice %arg11[%mul3A_2, %dma_start3A] : memref<10240x128xf32, #tpu.memory_space<hbm>> -> memref<640x128xf32, #tpu.memory_space<hbm>>
        %dma_start3A_53 = arith.constant 0 : i32
        %dma_start3A_54 = tpu.memref_slice %arg18[%mul3A_2, %dma_start3A_53] : memref<10240x128xf32, #tpu.memory_space<vmem_shared>> -> memref<640x128xf32, #tpu.memory_space<vmem_shared>>
        tpu.enqueue_dma source(%dma_start3A_54 : memref<640x128xf32, #tpu.memory_space<vmem_shared>>) target(%dma_start3A_52 : memref<640x128xf32, #tpu.memory_space<hbm>>) target_semaphore(%run_scoped3A : memref<!tpu.dma_semaphore, #tpu.memory_space<semaphore_mem>>)
        %dma_wait3A = arith.constant 0 : i32
        %dma_wait3A_55 = tpu.memref_slice %arg11[%mul3A_2, %dma_wait3A] : memref<10240x128xf32, #tpu.memory_space<hbm>> -> memref<640x128xf32, #tpu.memory_space<hbm>>
        %dma_wait3A_56 = arith.constant 0 : i32
        %dma_wait3A_57 = tpu.memref_slice %arg18[%mul3A_2, %dma_wait3A_56] : memref<10240x128xf32, #tpu.memory_space<vmem_shared>> -> memref<640x128xf32, #tpu.memory_space<vmem_shared>>
        tpu.wait_dma2 semaphore(%run_scoped3A : memref<!tpu.dma_semaphore, #tpu.memory_space<semaphore_mem>>) src(%dma_wait3A_57 : memref<640x128xf32, #tpu.memory_space<vmem_shared>>) dst(%dma_wait3A_55 : memref<640x128xf32, #tpu.memory_space<hbm>>)
        tpu.yield
      }) : () -> ()
    } else {
    }
    "tpu.region"() ({
      %run_scoped3A = tpu.sem_alloc : memref<!tpu.dma_semaphore, #tpu.memory_space<semaphore_mem>>
      %dma_start3A = arith.constant 0 : i32
      %dma_start3A_52 = tpu.memref_slice %arg18[%mul3A_2, %dma_start3A] : memref<10240x128xf32, #tpu.memory_space<vmem_shared>> -> memref<640x128xf32, #tpu.memory_space<vmem_shared>>
      tpu.enqueue_dma source(%arg7 : memref<640x128xf32, #tpu.memory_space<hbm>>) target(%dma_start3A_52 : memref<640x128xf32, #tpu.memory_space<vmem_shared>>) target_semaphore(%run_scoped3A : memref<!tpu.dma_semaphore, #tpu.memory_space<semaphore_mem>>)
      %dma_wait3A = arith.constant 0 : i32
      %dma_wait3A_53 = tpu.memref_slice %arg18[%mul3A_2, %dma_wait3A] : memref<10240x128xf32, #tpu.memory_space<vmem_shared>> -> memref<640x128xf32, #tpu.memory_space<vmem_shared>>
      tpu.wait_dma2 semaphore(%run_scoped3A : memref<!tpu.dma_semaphore, #tpu.memory_space<semaphore_mem>>) src(%arg7 : memref<640x128xf32, #tpu.memory_space<hbm>>) dst(%dma_wait3A_53 : memref<640x128xf32, #tpu.memory_space<vmem_shared>>)
      tpu.yield
    }) : () -> ()
    %barrier3A_16 = arith.constant 0 : index
    tpu.barrier barrier_id(%barrier3A_16)
    %scan3A_17 = arith.constant 0 : i32
    %scan3A_18 = arith.constant 0 : i32
    %scan3A_19 = arith.constant 25 : i32
    %scan3A_20 = arith.addi %scan3A_18, %scan3A_19 : i32
    %scan3A_21 = arith.constant 1 : i32
    scf.for %scan3A_52 = %scan3A_18 to %scan3A_20 step %scan3A_21  : i32 {
      %mul3A_53 = arith.constant 2 : i32
      %mul3A_54 = arith.muli %mul3A_53, %scan3A_52 : i32
      %mul3A_55 = arith.constant 2 : i32
      %mul3A_56 = arith.muli %mul3A_55, %scan3A_52 : i32
      %add3A_57 = arith.constant 1 : i32
      %add3A_58 = arith.addi %mul3A_56, %add3A_57 : i32
      %dma_start3A = arith.constant 0 : i32
      %dma_start3A_59 = tpu.memref_slice %arg14[%mul3A_54, %dma_start3A] : memref<50x100xi32, #tpu.memory_space<vmem>> -> memref<1x100xi32, #tpu.memory_space<vmem>>
      %dma_start3A_60 = tpu.memref_squeeze %dma_start3A_59 : memref<1x100xi32, #tpu.memory_space<vmem>> -> memref<100xi32, #tpu.memory_space<vmem>>
      %dma_start3A_61 = arith.constant 0 : i32
      %dma_start3A_62 = arith.constant 0 : i32
      %dma_start3A_63 = tpu.memref_slice %arg3[%dma_start3A_61, %dma_start3A_62] : memref<10240x128xf32, #tpu.memory_space<hbm>> -> memref<10240x128xf32, #tpu.memory_space<hbm>>
      tpu.enqueue_indirect_dma source(%dma_start3A_63 : memref<10240x128xf32, #tpu.memory_space<hbm>>) target(%arg16 : memref<100x128xf32, #tpu.memory_space<vmem>>) offsets(%dma_start3A_60 : memref<100xi32, #tpu.memory_space<vmem>>) semaphore(%arg19 : memref<!tpu.dma_semaphore, #tpu.memory_space<semaphore_mem>>)
      %dma_wait3A = arith.constant 0 : i32
      %dma_wait3A_64 = tpu.memref_slice %arg14[%mul3A_54, %dma_wait3A] : memref<50x100xi32, #tpu.memory_space<vmem>> -> memref<1x100xi32, #tpu.memory_space<vmem>>
      %dma_wait3A_65 = tpu.memref_squeeze %dma_wait3A_64 : memref<1x100xi32, #tpu.memory_space<vmem>> -> memref<100xi32, #tpu.memory_space<vmem>>
      %dma_wait3A_66 = arith.constant 0 : i32
      %dma_wait3A_67 = arith.constant 0 : i32
      %dma_wait3A_68 = tpu.memref_slice %arg3[%dma_wait3A_66, %dma_wait3A_67] : memref<10240x128xf32, #tpu.memory_space<hbm>> -> memref<10240x128xf32, #tpu.memory_space<hbm>>
      tpu.wait_indirect_dma semaphore(%arg19 : memref<!tpu.dma_semaphore, #tpu.memory_space<semaphore_mem>>) src(%dma_wait3A_68 : memref<10240x128xf32, #tpu.memory_space<hbm>>) dst(%arg16 : memref<100x128xf32, #tpu.memory_space<vmem>>)
      %dma_start3A_69 = arith.constant 0 : i32
      %dma_start3A_70 = tpu.memref_slice %arg14[%add3A_58, %dma_start3A_69] : memref<50x100xi32, #tpu.memory_space<vmem>> -> memref<1x100xi32, #tpu.memory_space<vmem>>
      %dma_start3A_71 = tpu.memref_squeeze %dma_start3A_70 : memref<1x100xi32, #tpu.memory_space<vmem>> -> memref<100xi32, #tpu.memory_space<vmem>>
      %dma_start3A_72 = arith.constant 0 : i32
      %dma_start3A_73 = arith.constant 0 : i32
      %dma_start3A_74 = tpu.memref_slice %arg3[%dma_start3A_72, %dma_start3A_73] : memref<10240x128xf32, #tpu.memory_space<hbm>> -> memref<10240x128xf32, #tpu.memory_space<hbm>>
      tpu.enqueue_indirect_dma source(%dma_start3A_74 : memref<10240x128xf32, #tpu.memory_space<hbm>>) target(%arg17 : memref<100x128xf32, #tpu.memory_space<vmem>>) offsets(%dma_start3A_71 : memref<100xi32, #tpu.memory_space<vmem>>) semaphore(%arg20 : memref<!tpu.dma_semaphore, #tpu.memory_space<semaphore_mem>>)
      "tpu.region"() ({
        %run_scoped3A = tpu.sem_alloc : memref<!tpu.dma_semaphore, #tpu.memory_space<semaphore_mem>>
        %dma_start3A_81 = arith.constant 0 : i32
        %dma_start3A_82 = tpu.memref_slice %arg15[%mul3A_54, %dma_start3A_81] : memref<50x100xi32, #tpu.memory_space<vmem>> -> memref<1x100xi32, #tpu.memory_space<vmem>>
        %dma_start3A_83 = tpu.memref_squeeze %dma_start3A_82 : memref<1x100xi32, #tpu.memory_space<vmem>> -> memref<100xi32, #tpu.memory_space<vmem>>
        %dma_start3A_84 = arith.constant 0 : i32
        %dma_start3A_85 = arith.constant 0 : i32
        %dma_start3A_86 = tpu.memref_slice %arg18[%dma_start3A_84, %dma_start3A_85] : memref<10240x128xf32, #tpu.memory_space<vmem_shared>> -> memref<10240x128xf32, #tpu.memory_space<vmem_shared>>
        tpu.enqueue_indirect_dma source(%arg16 : memref<100x128xf32, #tpu.memory_space<vmem>>) target(%dma_start3A_86 : memref<10240x128xf32, #tpu.memory_space<vmem_shared>>) offsets(%dma_start3A_83 : memref<100xi32, #tpu.memory_space<vmem>>) semaphore(%run_scoped3A : memref<!tpu.dma_semaphore, #tpu.memory_space<semaphore_mem>>) {add = true}
        %dma_wait3A_87 = arith.constant 0 : i32
        %dma_wait3A_88 = tpu.memref_slice %arg15[%mul3A_54, %dma_wait3A_87] : memref<50x100xi32, #tpu.memory_space<vmem>> -> memref<1x100xi32, #tpu.memory_space<vmem>>
        %dma_wait3A_89 = tpu.memref_squeeze %dma_wait3A_88 : memref<1x100xi32, #tpu.memory_space<vmem>> -> memref<100xi32, #tpu.memory_space<vmem>>
        %dma_wait3A_90 = arith.constant 0 : i32
        %dma_wait3A_91 = arith.constant 0 : i32
        %dma_wait3A_92 = tpu.memref_slice %arg18[%dma_wait3A_90, %dma_wait3A_91] : memref<10240x128xf32, #tpu.memory_space<vmem_shared>> -> memref<10240x128xf32, #tpu.memory_space<vmem_shared>>
        tpu.wait_indirect_dma semaphore(%run_scoped3A : memref<!tpu.dma_semaphore, #tpu.memory_space<semaphore_mem>>) src(%arg16 : memref<100x128xf32, #tpu.memory_space<vmem>>) dst(%dma_wait3A_92 : memref<10240x128xf32, #tpu.memory_space<vmem_shared>>)
        tpu.yield
      }) : () -> ()
      %dma_wait3A_75 = arith.constant 0 : i32
      %dma_wait3A_76 = tpu.memref_slice %arg14[%add3A_58, %dma_wait3A_75] : memref<50x100xi32, #tpu.memory_space<vmem>> -> memref<1x100xi32, #tpu.memory_space<vmem>>
      %dma_wait3A_77 = tpu.memref_squeeze %dma_wait3A_76 : memref<1x100xi32, #tpu.memory_space<vmem>> -> memref<100xi32, #tpu.memory_space<vmem>>
      %dma_wait3A_78 = arith.constant 0 : i32
      %dma_wait3A_79 = arith.constant 0 : i32
      %dma_wait3A_80 = tpu.memref_slice %arg3[%dma_wait3A_78, %dma_wait3A_79] : memref<10240x128xf32, #tpu.memory_space<hbm>> -> memref<10240x128xf32, #tpu.memory_space<hbm>>
      tpu.wait_indirect_dma semaphore(%arg20 : memref<!tpu.dma_semaphore, #tpu.memory_space<semaphore_mem>>) src(%dma_wait3A_80 : memref<10240x128xf32, #tpu.memory_space<hbm>>) dst(%arg17 : memref<100x128xf32, #tpu.memory_space<vmem>>)
      "tpu.region"() ({
        %run_scoped3A = tpu.sem_alloc : memref<!tpu.dma_semaphore, #tpu.memory_space<semaphore_mem>>
        %dma_start3A_81 = arith.constant 0 : i32
        %dma_start3A_82 = tpu.memref_slice %arg15[%add3A_58, %dma_start3A_81] : memref<50x100xi32, #tpu.memory_space<vmem>> -> memref<1x100xi32, #tpu.memory_space<vmem>>
        %dma_start3A_83 = tpu.memref_squeeze %dma_start3A_82 : memref<1x100xi32, #tpu.memory_space<vmem>> -> memref<100xi32, #tpu.memory_space<vmem>>
        %dma_start3A_84 = arith.constant 0 : i32
        %dma_start3A_85 = arith.constant 0 : i32
        %dma_start3A_86 = tpu.memref_slice %arg18[%dma_start3A_84, %dma_start3A_85] : memref<10240x128xf32, #tpu.memory_space<vmem_shared>> -> memref<10240x128xf32, #tpu.memory_space<vmem_shared>>
        tpu.enqueue_indirect_dma source(%arg17 : memref<100x128xf32, #tpu.memory_space<vmem>>) target(%dma_start3A_86 : memref<10240x128xf32, #tpu.memory_space<vmem_shared>>) offsets(%dma_start3A_83 : memref<100xi32, #tpu.memory_space<vmem>>) semaphore(%run_scoped3A : memref<!tpu.dma_semaphore, #tpu.memory_space<semaphore_mem>>) {add = true}
        %dma_wait3A_87 = arith.constant 0 : i32
        %dma_wait3A_88 = tpu.memref_slice %arg15[%add3A_58, %dma_wait3A_87] : memref<50x100xi32, #tpu.memory_space<vmem>> -> memref<1x100xi32, #tpu.memory_space<vmem>>
        %dma_wait3A_89 = tpu.memref_squeeze %dma_wait3A_88 : memref<1x100xi32, #tpu.memory_space<vmem>> -> memref<100xi32, #tpu.memory_space<vmem>>
        %dma_wait3A_90 = arith.constant 0 : i32
        %dma_wait3A_91 = arith.constant 0 : i32
        %dma_wait3A_92 = tpu.memref_slice %arg18[%dma_wait3A_90, %dma_wait3A_91] : memref<10240x128xf32, #tpu.memory_space<vmem_shared>> -> memref<10240x128xf32, #tpu.memory_space<vmem_shared>>
        tpu.wait_indirect_dma semaphore(%run_scoped3A : memref<!tpu.dma_semaphore, #tpu.memory_space<semaphore_mem>>) src(%arg17 : memref<100x128xf32, #tpu.memory_space<vmem>>) dst(%dma_wait3A_92 : memref<10240x128xf32, #tpu.memory_space<vmem_shared>>)
        tpu.yield
      }) : () -> ()
    }
    %scan3A_22 = arith.constant 25 : i32
    %barrier3A_23 = arith.constant 0 : index
    tpu.barrier barrier_id(%barrier3A_23)
    %eq3A_24 = arith.constant 0 : i32
    %eq3A_25 = arith.cmpi eq, %arg0, %eq3A_24 : i32
    %convert_element_type3A_26 = arith.extui %eq3A_25 : i1 to i32
    %cond3A_27 = arith.constant 0 : i32
    %cond3A_28 = arith.cmpi ne, %convert_element_type3A_26, %cond3A_27 : i32
    scf.if %cond3A_28 {
      "tpu.region"() ({
        %run_scoped3A = tpu.sem_alloc : memref<!tpu.dma_semaphore, #tpu.memory_space<semaphore_mem>>
        %dma_start3A = arith.constant 0 : i32
        %dma_start3A_52 = tpu.memref_slice %arg9[%mul3A_2, %dma_start3A] : memref<10240x128xf32, #tpu.memory_space<hbm>> -> memref<640x128xf32, #tpu.memory_space<hbm>>
        %dma_start3A_53 = arith.constant 0 : i32
        %dma_start3A_54 = tpu.memref_slice %arg18[%mul3A_2, %dma_start3A_53] : memref<10240x128xf32, #tpu.memory_space<vmem_shared>> -> memref<640x128xf32, #tpu.memory_space<vmem_shared>>
        tpu.enqueue_dma source(%dma_start3A_54 : memref<640x128xf32, #tpu.memory_space<vmem_shared>>) target(%dma_start3A_52 : memref<640x128xf32, #tpu.memory_space<hbm>>) target_semaphore(%run_scoped3A : memref<!tpu.dma_semaphore, #tpu.memory_space<semaphore_mem>>)
        %dma_wait3A = arith.constant 0 : i32
        %dma_wait3A_55 = tpu.memref_slice %arg9[%mul3A_2, %dma_wait3A] : memref<10240x128xf32, #tpu.memory_space<hbm>> -> memref<640x128xf32, #tpu.memory_space<hbm>>
        %dma_wait3A_56 = arith.constant 0 : i32
        %dma_wait3A_57 = tpu.memref_slice %arg18[%mul3A_2, %dma_wait3A_56] : memref<10240x128xf32, #tpu.memory_space<vmem_shared>> -> memref<640x128xf32, #tpu.memory_space<vmem_shared>>
        tpu.wait_dma2 semaphore(%run_scoped3A : memref<!tpu.dma_semaphore, #tpu.memory_space<semaphore_mem>>) src(%dma_wait3A_57 : memref<640x128xf32, #tpu.memory_space<vmem_shared>>) dst(%dma_wait3A_55 : memref<640x128xf32, #tpu.memory_space<hbm>>)
        tpu.yield
      }) : () -> ()
    } else {
    }
    %eq3A_29 = arith.constant 1 : i32
    %eq3A_30 = arith.cmpi eq, %arg0, %eq3A_29 : i32
    %convert_element_type3A_31 = arith.extui %eq3A_30 : i1 to i32
    %cond3A_32 = arith.constant 0 : i32
    %cond3A_33 = arith.cmpi ne, %convert_element_type3A_31, %cond3A_32 : i32
    scf.if %cond3A_33 {
      "tpu.region"() ({
        %run_scoped3A = tpu.sem_alloc : memref<!tpu.dma_semaphore, #tpu.memory_space<semaphore_mem>>
        %dma_start3A = arith.constant 0 : i32
        %dma_start3A_52 = tpu.memref_slice %arg12[%mul3A_2, %dma_start3A] : memref<10240x128xf32, #tpu.memory_space<hbm>> -> memref<640x128xf32, #tpu.memory_space<hbm>>
        %dma_start3A_53 = arith.constant 0 : i32
        %dma_start3A_54 = tpu.memref_slice %arg18[%mul3A_2, %dma_start3A_53] : memref<10240x128xf32, #tpu.memory_space<vmem_shared>> -> memref<640x128xf32, #tpu.memory_space<vmem_shared>>
        tpu.enqueue_dma source(%dma_start3A_54 : memref<640x128xf32, #tpu.memory_space<vmem_shared>>) target(%dma_start3A_52 : memref<640x128xf32, #tpu.memory_space<hbm>>) target_semaphore(%run_scoped3A : memref<!tpu.dma_semaphore, #tpu.memory_space<semaphore_mem>>)
        %dma_wait3A = arith.constant 0 : i32
        %dma_wait3A_55 = tpu.memref_slice %arg12[%mul3A_2, %dma_wait3A] : memref<10240x128xf32, #tpu.memory_space<hbm>> -> memref<640x128xf32, #tpu.memory_space<hbm>>
        %dma_wait3A_56 = arith.constant 0 : i32
        %dma_wait3A_57 = tpu.memref_slice %arg18[%mul3A_2, %dma_wait3A_56] : memref<10240x128xf32, #tpu.memory_space<vmem_shared>> -> memref<640x128xf32, #tpu.memory_space<vmem_shared>>
        tpu.wait_dma2 semaphore(%run_scoped3A : memref<!tpu.dma_semaphore, #tpu.memory_space<semaphore_mem>>) src(%dma_wait3A_57 : memref<640x128xf32, #tpu.memory_space<vmem_shared>>) dst(%dma_wait3A_55 : memref<640x128xf32, #tpu.memory_space<hbm>>)
        tpu.yield
      }) : () -> ()
    } else {
    }
    "tpu.region"() ({
      %run_scoped3A = tpu.sem_alloc : memref<!tpu.dma_semaphore, #tpu.memory_space<semaphore_mem>>
      %dma_start3A = arith.constant 0 : i32
      %dma_start3A_52 = tpu.memref_slice %arg18[%mul3A_2, %dma_start3A] : memref<10240x128xf32, #tpu.memory_space<vmem_shared>> -> memref<640x128xf32, #tpu.memory_space<vmem_shared>>
      tpu.enqueue_dma source(%arg7 : memref<640x128xf32, #tpu.memory_space<hbm>>) target(%dma_start3A_52 : memref<640x128xf32, #tpu.memory_space<vmem_shared>>) target_semaphore(%run_scoped3A : memref<!tpu.dma_semaphore, #tpu.memory_space<semaphore_mem>>)
      %dma_wait3A = arith.constant 0 : i32
      %dma_wait3A_53 = tpu.memref_slice %arg18[%mul3A_2, %dma_wait3A] : memref<10240x128xf32, #tpu.memory_space<vmem_shared>> -> memref<640x128xf32, #tpu.memory_space<vmem_shared>>
      tpu.wait_dma2 semaphore(%run_scoped3A : memref<!tpu.dma_semaphore, #tpu.memory_space<semaphore_mem>>) src(%arg7 : memref<640x128xf32, #tpu.memory_space<hbm>>) dst(%dma_wait3A_53 : memref<640x128xf32, #tpu.memory_space<vmem_shared>>)
      tpu.yield
    }) : () -> ()
    %barrier3A_34 = arith.constant 0 : index
    tpu.barrier barrier_id(%barrier3A_34)
    %scan3A_35 = arith.constant 0 : i32
    %scan3A_36 = arith.constant 0 : i32
    %scan3A_37 = arith.constant 25 : i32
    %scan3A_38 = arith.addi %scan3A_36, %scan3A_37 : i32
    %scan3A_39 = arith.constant 1 : i32
    scf.for %scan3A_52 = %scan3A_36 to %scan3A_38 step %scan3A_39  : i32 {
      %mul3A_53 = arith.constant 2 : i32
      %mul3A_54 = arith.muli %mul3A_53, %scan3A_52 : i32
      %mul3A_55 = arith.constant 2 : i32
      %mul3A_56 = arith.muli %mul3A_55, %scan3A_52 : i32
      %add3A_57 = arith.constant 1 : i32
      %add3A_58 = arith.addi %mul3A_56, %add3A_57 : i32
      %dma_start3A = arith.constant 0 : i32
      %dma_start3A_59 = tpu.memref_slice %arg14[%mul3A_54, %dma_start3A] : memref<50x100xi32, #tpu.memory_space<vmem>> -> memref<1x100xi32, #tpu.memory_space<vmem>>
      %dma_start3A_60 = tpu.memref_squeeze %dma_start3A_59 : memref<1x100xi32, #tpu.memory_space<vmem>> -> memref<100xi32, #tpu.memory_space<vmem>>
      %dma_start3A_61 = arith.constant 0 : i32
      %dma_start3A_62 = arith.constant 0 : i32
      %dma_start3A_63 = tpu.memref_slice %arg4[%dma_start3A_61, %dma_start3A_62] : memref<10240x128xf32, #tpu.memory_space<hbm>> -> memref<10240x128xf32, #tpu.memory_space<hbm>>
      tpu.enqueue_indirect_dma source(%dma_start3A_63 : memref<10240x128xf32, #tpu.memory_space<hbm>>) target(%arg16 : memref<100x128xf32, #tpu.memory_space<vmem>>) offsets(%dma_start3A_60 : memref<100xi32, #tpu.memory_space<vmem>>) semaphore(%arg19 : memref<!tpu.dma_semaphore, #tpu.memory_space<semaphore_mem>>)
      %dma_wait3A = arith.constant 0 : i32
      %dma_wait3A_64 = tpu.memref_slice %arg14[%mul3A_54, %dma_wait3A] : memref<50x100xi32, #tpu.memory_space<vmem>> -> memref<1x100xi32, #tpu.memory_space<vmem>>
      %dma_wait3A_65 = tpu.memref_squeeze %dma_wait3A_64 : memref<1x100xi32, #tpu.memory_space<vmem>> -> memref<100xi32, #tpu.memory_space<vmem>>
      %dma_wait3A_66 = arith.constant 0 : i32
      %dma_wait3A_67 = arith.constant 0 : i32
      %dma_wait3A_68 = tpu.memref_slice %arg4[%dma_wait3A_66, %dma_wait3A_67] : memref<10240x128xf32, #tpu.memory_space<hbm>> -> memref<10240x128xf32, #tpu.memory_space<hbm>>
      tpu.wait_indirect_dma semaphore(%arg19 : memref<!tpu.dma_semaphore, #tpu.memory_space<semaphore_mem>>) src(%dma_wait3A_68 : memref<10240x128xf32, #tpu.memory_space<hbm>>) dst(%arg16 : memref<100x128xf32, #tpu.memory_space<vmem>>)
      %dma_start3A_69 = arith.constant 0 : i32
      %dma_start3A_70 = tpu.memref_slice %arg14[%add3A_58, %dma_start3A_69] : memref<50x100xi32, #tpu.memory_space<vmem>> -> memref<1x100xi32, #tpu.memory_space<vmem>>
      %dma_start3A_71 = tpu.memref_squeeze %dma_start3A_70 : memref<1x100xi32, #tpu.memory_space<vmem>> -> memref<100xi32, #tpu.memory_space<vmem>>
      %dma_start3A_72 = arith.constant 0 : i32
      %dma_start3A_73 = arith.constant 0 : i32
      %dma_start3A_74 = tpu.memref_slice %arg4[%dma_start3A_72, %dma_start3A_73] : memref<10240x128xf32, #tpu.memory_space<hbm>> -> memref<10240x128xf32, #tpu.memory_space<hbm>>
      tpu.enqueue_indirect_dma source(%dma_start3A_74 : memref<10240x128xf32, #tpu.memory_space<hbm>>) target(%arg17 : memref<100x128xf32, #tpu.memory_space<vmem>>) offsets(%dma_start3A_71 : memref<100xi32, #tpu.memory_space<vmem>>) semaphore(%arg20 : memref<!tpu.dma_semaphore, #tpu.memory_space<semaphore_mem>>)
      "tpu.region"() ({
        %run_scoped3A = tpu.sem_alloc : memref<!tpu.dma_semaphore, #tpu.memory_space<semaphore_mem>>
        %dma_start3A_81 = arith.constant 0 : i32
        %dma_start3A_82 = tpu.memref_slice %arg15[%mul3A_54, %dma_start3A_81] : memref<50x100xi32, #tpu.memory_space<vmem>> -> memref<1x100xi32, #tpu.memory_space<vmem>>
        %dma_start3A_83 = tpu.memref_squeeze %dma_start3A_82 : memref<1x100xi32, #tpu.memory_space<vmem>> -> memref<100xi32, #tpu.memory_space<vmem>>
        %dma_start3A_84 = arith.constant 0 : i32
        %dma_start3A_85 = arith.constant 0 : i32
        %dma_start3A_86 = tpu.memref_slice %arg18[%dma_start3A_84, %dma_start3A_85] : memref<10240x128xf32, #tpu.memory_space<vmem_shared>> -> memref<10240x128xf32, #tpu.memory_space<vmem_shared>>
        tpu.enqueue_indirect_dma source(%arg16 : memref<100x128xf32, #tpu.memory_space<vmem>>) target(%dma_start3A_86 : memref<10240x128xf32, #tpu.memory_space<vmem_shared>>) offsets(%dma_start3A_83 : memref<100xi32, #tpu.memory_space<vmem>>) semaphore(%run_scoped3A : memref<!tpu.dma_semaphore, #tpu.memory_space<semaphore_mem>>) {add = true}
        %dma_wait3A_87 = arith.constant 0 : i32
        %dma_wait3A_88 = tpu.memref_slice %arg15[%mul3A_54, %dma_wait3A_87] : memref<50x100xi32, #tpu.memory_space<vmem>> -> memref<1x100xi32, #tpu.memory_space<vmem>>
        %dma_wait3A_89 = tpu.memref_squeeze %dma_wait3A_88 : memref<1x100xi32, #tpu.memory_space<vmem>> -> memref<100xi32, #tpu.memory_space<vmem>>
        %dma_wait3A_90 = arith.constant 0 : i32
        %dma_wait3A_91 = arith.constant 0 : i32
        %dma_wait3A_92 = tpu.memref_slice %arg18[%dma_wait3A_90, %dma_wait3A_91] : memref<10240x128xf32, #tpu.memory_space<vmem_shared>> -> memref<10240x128xf32, #tpu.memory_space<vmem_shared>>
        tpu.wait_indirect_dma semaphore(%run_scoped3A : memref<!tpu.dma_semaphore, #tpu.memory_space<semaphore_mem>>) src(%arg16 : memref<100x128xf32, #tpu.memory_space<vmem>>) dst(%dma_wait3A_92 : memref<10240x128xf32, #tpu.memory_space<vmem_shared>>)
        tpu.yield
      }) : () -> ()
      %dma_wait3A_75 = arith.constant 0 : i32
      %dma_wait3A_76 = tpu.memref_slice %arg14[%add3A_58, %dma_wait3A_75] : memref<50x100xi32, #tpu.memory_space<vmem>> -> memref<1x100xi32, #tpu.memory_space<vmem>>
      %dma_wait3A_77 = tpu.memref_squeeze %dma_wait3A_76 : memref<1x100xi32, #tpu.memory_space<vmem>> -> memref<100xi32, #tpu.memory_space<vmem>>
      %dma_wait3A_78 = arith.constant 0 : i32
      %dma_wait3A_79 = arith.constant 0 : i32
      %dma_wait3A_80 = tpu.memref_slice %arg4[%dma_wait3A_78, %dma_wait3A_79] : memref<10240x128xf32, #tpu.memory_space<hbm>> -> memref<10240x128xf32, #tpu.memory_space<hbm>>
      tpu.wait_indirect_dma semaphore(%arg20 : memref<!tpu.dma_semaphore, #tpu.memory_space<semaphore_mem>>) src(%dma_wait3A_80 : memref<10240x128xf32, #tpu.memory_space<hbm>>) dst(%arg17 : memref<100x128xf32, #tpu.memory_space<vmem>>)
      "tpu.region"() ({
        %run_scoped3A = tpu.sem_alloc : memref<!tpu.dma_semaphore, #tpu.memory_space<semaphore_mem>>
        %dma_start3A_81 = arith.constant 0 : i32
        %dma_start3A_82 = tpu.memref_slice %arg15[%add3A_58, %dma_start3A_81] : memref<50x100xi32, #tpu.memory_space<vmem>> -> memref<1x100xi32, #tpu.memory_space<vmem>>
        %dma_start3A_83 = tpu.memref_squeeze %dma_start3A_82 : memref<1x100xi32, #tpu.memory_space<vmem>> -> memref<100xi32, #tpu.memory_space<vmem>>
        %dma_start3A_84 = arith.constant 0 : i32
        %dma_start3A_85 = arith.constant 0 : i32
        %dma_start3A_86 = tpu.memref_slice %arg18[%dma_start3A_84, %dma_start3A_85] : memref<10240x128xf32, #tpu.memory_space<vmem_shared>> -> memref<10240x128xf32, #tpu.memory_space<vmem_shared>>
        tpu.enqueue_indirect_dma source(%arg17 : memref<100x128xf32, #tpu.memory_space<vmem>>) target(%dma_start3A_86 : memref<10240x128xf32, #tpu.memory_space<vmem_shared>>) offsets(%dma_start3A_83 : memref<100xi32, #tpu.memory_space<vmem>>) semaphore(%run_scoped3A : memref<!tpu.dma_semaphore, #tpu.memory_space<semaphore_mem>>) {add = true}
        %dma_wait3A_87 = arith.constant 0 : i32
        %dma_wait3A_88 = tpu.memref_slice %arg15[%add3A_58, %dma_wait3A_87] : memref<50x100xi32, #tpu.memory_space<vmem>> -> memref<1x100xi32, #tpu.memory_space<vmem>>
        %dma_wait3A_89 = tpu.memref_squeeze %dma_wait3A_88 : memref<1x100xi32, #tpu.memory_space<vmem>> -> memref<100xi32, #tpu.memory_space<vmem>>
        %dma_wait3A_90 = arith.constant 0 : i32
        %dma_wait3A_91 = arith.constant 0 : i32
        %dma_wait3A_92 = tpu.memref_slice %arg18[%dma_wait3A_90, %dma_wait3A_91] : memref<10240x128xf32, #tpu.memory_space<vmem_shared>> -> memref<10240x128xf32, #tpu.memory_space<vmem_shared>>
        tpu.wait_indirect_dma semaphore(%run_scoped3A : memref<!tpu.dma_semaphore, #tpu.memory_space<semaphore_mem>>) src(%arg17 : memref<100x128xf32, #tpu.memory_space<vmem>>) dst(%dma_wait3A_92 : memref<10240x128xf32, #tpu.memory_space<vmem_shared>>)
        tpu.yield
      }) : () -> ()
    }
    %scan3A_40 = arith.constant 25 : i32
    %barrier3A_41 = arith.constant 0 : index
    tpu.barrier barrier_id(%barrier3A_41)
    %eq3A_42 = arith.constant 0 : i32
    %eq3A_43 = arith.cmpi eq, %arg0, %eq3A_42 : i32
    %convert_element_type3A_44 = arith.extui %eq3A_43 : i1 to i32
    %cond3A_45 = arith.constant 0 : i32
    %cond3A_46 = arith.cmpi ne, %convert_element_type3A_44, %cond3A_45 : i32
    scf.if %cond3A_46 {
      "tpu.region"() ({
        %run_scoped3A = tpu.sem_alloc : memref<!tpu.dma_semaphore, #tpu.memory_space<semaphore_mem>>
        %dma_start3A = arith.constant 0 : i32
        %dma_start3A_52 = tpu.memref_slice %arg10[%mul3A_2, %dma_start3A] : memref<10240x128xf32, #tpu.memory_space<hbm>> -> memref<640x128xf32, #tpu.memory_space<hbm>>
        %dma_start3A_53 = arith.constant 0 : i32
        %dma_start3A_54 = tpu.memref_slice %arg18[%mul3A_2, %dma_start3A_53] : memref<10240x128xf32, #tpu.memory_space<vmem_shared>> -> memref<640x128xf32, #tpu.memory_space<vmem_shared>>
        tpu.enqueue_dma source(%dma_start3A_54 : memref<640x128xf32, #tpu.memory_space<vmem_shared>>) target(%dma_start3A_52 : memref<640x128xf32, #tpu.memory_space<hbm>>) target_semaphore(%run_scoped3A : memref<!tpu.dma_semaphore, #tpu.memory_space<semaphore_mem>>)
        %dma_wait3A = arith.constant 0 : i32
        %dma_wait3A_55 = tpu.memref_slice %arg10[%mul3A_2, %dma_wait3A] : memref<10240x128xf32, #tpu.memory_space<hbm>> -> memref<640x128xf32, #tpu.memory_space<hbm>>
        %dma_wait3A_56 = arith.constant 0 : i32
        %dma_wait3A_57 = tpu.memref_slice %arg18[%mul3A_2, %dma_wait3A_56] : memref<10240x128xf32, #tpu.memory_space<vmem_shared>> -> memref<640x128xf32, #tpu.memory_space<vmem_shared>>
        tpu.wait_dma2 semaphore(%run_scoped3A : memref<!tpu.dma_semaphore, #tpu.memory_space<semaphore_mem>>) src(%dma_wait3A_57 : memref<640x128xf32, #tpu.memory_space<vmem_shared>>) dst(%dma_wait3A_55 : memref<640x128xf32, #tpu.memory_space<hbm>>)
        tpu.yield
      }) : () -> ()
    } else {
    }
    %eq3A_47 = arith.constant 1 : i32
    %eq3A_48 = arith.cmpi eq, %arg0, %eq3A_47 : i32
    %convert_element_type3A_49 = arith.extui %eq3A_48 : i1 to i32
    %cond3A_50 = arith.constant 0 : i32
    %cond3A_51 = arith.cmpi ne, %convert_element_type3A_49, %cond3A_50 : i32
    scf.if %cond3A_51 {
      "tpu.region"() ({
        %run_scoped3A = tpu.sem_alloc : memref<!tpu.dma_semaphore, #tpu.memory_space<semaphore_mem>>
        %dma_start3A = arith.constant 0 : i32
        %dma_start3A_52 = tpu.memref_slice %arg13[%mul3A_2, %dma_start3A] : memref<10240x128xf32, #tpu.memory_space<hbm>> -> memref<640x128xf32, #tpu.memory_space<hbm>>
        %dma_start3A_53 = arith.constant 0 : i32
        %dma_start3A_54 = tpu.memref_slice %arg18[%mul3A_2, %dma_start3A_53] : memref<10240x128xf32, #tpu.memory_space<vmem_shared>> -> memref<640x128xf32, #tpu.memory_space<vmem_shared>>
        tpu.enqueue_dma source(%dma_start3A_54 : memref<640x128xf32, #tpu.memory_space<vmem_shared>>) target(%dma_start3A_52 : memref<640x128xf32, #tpu.memory_space<hbm>>) target_semaphore(%run_scoped3A : memref<!tpu.dma_semaphore, #tpu.memory_space<semaphore_mem>>)
        %dma_wait3A = arith.constant 0 : i32
        %dma_wait3A_55 = tpu.memref_slice %arg13[%mul3A_2, %dma_wait3A] : memref<10240x128xf32, #tpu.memory_space<hbm>> -> memref<640x128xf32, #tpu.memory_space<hbm>>
        %dma_wait3A_56 = arith.constant 0 : i32
        %dma_wait3A_57 = tpu.memref_slice %arg18[%mul3A_2, %dma_wait3A_56] : memref<10240x128xf32, #tpu.memory_space<vmem_shared>> -> memref<640x128xf32, #tpu.memory_space<vmem_shared>>
        tpu.wait_dma2 semaphore(%run_scoped3A : memref<!tpu.dma_semaphore, #tpu.memory_space<semaphore_mem>>) src(%dma_wait3A_57 : memref<640x128xf32, #tpu.memory_space<vmem_shared>>) dst(%dma_wait3A_55 : memref<640x128xf32, #tpu.memory_space<hbm>>)
        tpu.yield
      }) : () -> ()
    } else {
    }
    return
  }
}

#map = affine_map<(d0, d1) -> (0, 0)>
#map1 = affine_map<(d0, d1) -> (0, 0, 0)>
module attributes {stable_mosaic.version = 14 : i64} {
  func.func @spmm_kernel(%arg0: i32, %arg1: i32, %arg2: memref<10240x128xf32, #tpu.memory_space<hbm>>, %arg3: memref<10240x128xf32, #tpu.memory_space<hbm>>, %arg4: memref<10240x128xf32, #tpu.memory_space<hbm>>, %arg5: memref<32x50x100xi32, #tpu.memory_space<hbm>>, %arg6: memref<32x50x100xi32, #tpu.memory_space<hbm>>, %arg7: memref<640x128xf32, #tpu.memory_space<hbm>>, %arg8: memref<10240x128xf32, #tpu.memory_space<hbm>>, %arg9: memref<10240x128xf32, #tpu.memory_space<hbm>>, %arg10: memref<10240x128xf32, #tpu.memory_space<hbm>>, %arg11: memref<10240x128xf32, #tpu.memory_space<hbm>>, %arg12: memref<10240x128xf32, #tpu.memory_space<hbm>>, %arg13: memref<10240x128xf32, #tpu.memory_space<hbm>>, %arg14: memref<50x100xi32, #tpu.memory_space<vmem>>, %arg15: memref<50x100xi32, #tpu.memory_space<vmem>>, %arg16: memref<100x128xf32, #tpu.memory_space<vmem>>, %arg17: memref<100x128xf32, #tpu.memory_space<vmem>>, %arg18: memref<10240x128xf32, #tpu.memory_space<vmem_shared>>, %arg19: memref<!tpu.dma_semaphore, #tpu.memory_space<semaphore_mem>>, %arg20: memref<!tpu.dma_semaphore, #tpu.memory_space<semaphore_mem>>) attributes {dimension_semantics = [#tpu.dimension_semantics<core_parallel>, #tpu.dimension_semantics<subcore_parallel>], iteration_bounds = array<i64: 2, 16>, scalar_prefetch = 0 : i64, scratch_operands = 7 : i64, tpu.core_type = #tpu.core_type<sc_vector_subcore>, window_params = [{transform_indices = #map}, {transform_indices = #map}, {transform_indices = #map}, {transform_indices = #map1}, {transform_indices = #map1}, {transform_indices = #map}, {transform_indices = #map}, {transform_indices = #map}, {transform_indices = #map}, {transform_indices = #map}, {transform_indices = #map}, {transform_indices = #map}]} {
    %mul3A = arith.constant 16 : i32
    %mul3A_0 = arith.muli %arg0, %mul3A : i32
    %add3A = arith.addi %mul3A_0, %arg1 : i32
    %mul3A_1 = arith.constant 640 : i32
    %mul3A_2 = arith.muli %arg1, %mul3A_1 : i32
    "tpu.region"() ({
      %run_scoped3A = tpu.sem_alloc : memref<!tpu.dma_semaphore, #tpu.memory_space<semaphore_mem>>
      %dma_start3A = arith.constant 0 : i32
      %dma_start3A_52 = arith.constant 0 : i32
      %dma_start3A_53 = tpu.memref_slice %arg5[%add3A, %dma_start3A, %dma_start3A_52] : memref<32x50x100xi32, #tpu.memory_space<hbm>> -> memref<1x50x100xi32, #tpu.memory_space<hbm>>
      %dma_start3A_54 = tpu.memref_squeeze %dma_start3A_53 : memref<1x50x100xi32, #tpu.memory_space<hbm>> -> memref<50x100xi32, #tpu.memory_space<hbm>>
      %dma_start3A_55 = arith.constant 0 : i32
      %dma_start3A_56 = arith.constant 0 : i32
      %dma_start3A_57 = tpu.memref_slice %arg5[%add3A, %dma_start3A_55, %dma_start3A_56] : memref<32x50x100xi32, #tpu.memory_space<hbm>> -> memref<1x50x100xi32, #tpu.memory_space<hbm>>
      %dma_start3A_58 = tpu.memref_squeeze %dma_start3A_57 : memref<1x50x100xi32, #tpu.memory_space<hbm>> -> memref<50x100xi32, #tpu.memory_space<hbm>>
      tpu.enqueue_dma source(%dma_start3A_58 : memref<50x100xi32, #tpu.memory_space<hbm>>) target(%arg14 : memref<50x100xi32, #tpu.memory_space<vmem>>) target_semaphore(%run_scoped3A : memref<!tpu.dma_semaphore, #tpu.memory_space<semaphore_mem>>)
      %dma_wait3A = arith.constant 0 : i32
      %dma_wait3A_59 = arith.constant 0 : i32
      %dma_wait3A_60 = tpu.memref_slice %arg5[%add3A, %dma_wait3A, %dma_wait3A_59] : memref<32x50x100xi32, #tpu.memory_space<hbm>> -> memref<1x50x100xi32, #tpu.memory_space<hbm>>
      %dma_wait3A_61 = tpu.memref_squeeze %dma_wait3A_60 : memref<1x50x100xi32, #tpu.memory_space<hbm>> -> memref<50x100xi32, #tpu.memory_space<hbm>>
      %dma_wait3A_62 = arith.constant 0 : i32
      %dma_wait3A_63 = arith.constant 0 : i32
      %dma_wait3A_64 = tpu.memref_slice %arg5[%add3A, %dma_wait3A_62, %dma_wait3A_63] : memref<32x50x100xi32, #tpu.memory_space<hbm>> -> memref<1x50x100xi32, #tpu.memory_space<hbm>>
      %dma_wait3A_65 = tpu.memref_squeeze %dma_wait3A_64 : memref<1x50x100xi32, #tpu.memory_space<hbm>> -> memref<50x100xi32, #tpu.memory_space<hbm>>
      tpu.wait_dma2 semaphore(%run_scoped3A : memref<!tpu.dma_semaphore, #tpu.memory_space<semaphore_mem>>) src(%dma_wait3A_65 : memref<50x100xi32, #tpu.memory_space<hbm>>) dst(%arg14 : memref<50x100xi32, #tpu.memory_space<vmem>>)
      tpu.yield
    }) : () -> ()
    "tpu.region"() ({
      %run_scoped3A = tpu.sem_alloc : memref<!tpu.dma_semaphore, #tpu.memory_space<semaphore_mem>>
      %dma_start3A = arith.constant 0 : i32
      %dma_start3A_52 = arith.constant 0 : i32
      %dma_start3A_53 = tpu.memref_slice %arg6[%add3A, %dma_start3A, %dma_start3A_52] : memref<32x50x100xi32, #tpu.memory_space<hbm>> -> memref<1x50x100xi32, #tpu.memory_space<hbm>>
      %dma_start3A_54 = tpu.memref_squeeze %dma_start3A_53 : memref<1x50x100xi32, #tpu.memory_space<hbm>> -> memref<50x100xi32, #tpu.memory_space<hbm>>
      %dma_start3A_55 = arith.constant 0 : i32
      %dma_start3A_56 = arith.constant 0 : i32
      %dma_start3A_57 = tpu.memref_slice %arg6[%add3A, %dma_start3A_55, %dma_start3A_56] : memref<32x50x100xi32, #tpu.memory_space<hbm>> -> memref<1x50x100xi32, #tpu.memory_space<hbm>>
      %dma_start3A_58 = tpu.memref_squeeze %dma_start3A_57 : memref<1x50x100xi32, #tpu.memory_space<hbm>> -> memref<50x100xi32, #tpu.memory_space<hbm>>
      tpu.enqueue_dma source(%dma_start3A_58 : memref<50x100xi32, #tpu.memory_space<hbm>>) target(%arg15 : memref<50x100xi32, #tpu.memory_space<vmem>>) target_semaphore(%run_scoped3A : memref<!tpu.dma_semaphore, #tpu.memory_space<semaphore_mem>>)
      %dma_wait3A = arith.constant 0 : i32
      %dma_wait3A_59 = arith.constant 0 : i32
      %dma_wait3A_60 = tpu.memref_slice %arg6[%add3A, %dma_wait3A, %dma_wait3A_59] : memref<32x50x100xi32, #tpu.memory_space<hbm>> -> memref<1x50x100xi32, #tpu.memory_space<hbm>>
      %dma_wait3A_61 = tpu.memref_squeeze %dma_wait3A_60 : memref<1x50x100xi32, #tpu.memory_space<hbm>> -> memref<50x100xi32, #tpu.memory_space<hbm>>
      %dma_wait3A_62 = arith.constant 0 : i32
      %dma_wait3A_63 = arith.constant 0 : i32
      %dma_wait3A_64 = tpu.memref_slice %arg6[%add3A, %dma_wait3A_62, %dma_wait3A_63] : memref<32x50x100xi32, #tpu.memory_space<hbm>> -> memref<1x50x100xi32, #tpu.memory_space<hbm>>
      %dma_wait3A_65 = tpu.memref_squeeze %dma_wait3A_64 : memref<1x50x100xi32, #tpu.memory_space<hbm>> -> memref<50x100xi32, #tpu.memory_space<hbm>>
      tpu.wait_dma2 semaphore(%run_scoped3A : memref<!tpu.dma_semaphore, #tpu.memory_space<semaphore_mem>>) src(%dma_wait3A_65 : memref<50x100xi32, #tpu.memory_space<hbm>>) dst(%arg15 : memref<50x100xi32, #tpu.memory_space<vmem>>)
      tpu.yield
    }) : () -> ()
    "tpu.region"() ({
      %run_scoped3A = tpu.sem_alloc : memref<!tpu.dma_semaphore, #tpu.memory_space<semaphore_mem>>
      %dma_start3A = arith.constant 0 : i32
      %dma_start3A_52 = tpu.memref_slice %arg18[%mul3A_2, %dma_start3A] : memref<10240x128xf32, #tpu.memory_space<vmem_shared>> -> memref<640x128xf32, #tpu.memory_space<vmem_shared>>
      tpu.enqueue_dma source(%arg7 : memref<640x128xf32, #tpu.memory_space<hbm>>) target(%dma_start3A_52 : memref<640x128xf32, #tpu.memory_space<vmem_shared>>) target_semaphore(%run_scoped3A : memref<!tpu.dma_semaphore, #tpu.memory_space<semaphore_mem>>)
      %dma_wait3A = arith.constant 0 : i32
      %dma_wait3A_53 = tpu.memref_slice %arg18[%mul3A_2, %dma_wait3A] : memref<10240x128xf32, #tpu.memory_space<vmem_shared>> -> memref<640x128xf32, #tpu.memory_space<vmem_shared>>
      tpu.wait_dma2 semaphore(%run_scoped3A : memref<!tpu.dma_semaphore, #tpu.memory_space<semaphore_mem>>) src(%arg7 : memref<640x128xf32, #tpu.memory_space<hbm>>) dst(%dma_wait3A_53 : memref<640x128xf32, #tpu.memory_space<vmem_shared>>)
      tpu.yield
    }) : () -> ()
    %barrier3A = arith.constant 0 : index
    tpu.barrier barrier_id(%barrier3A)
    %scan3A = arith.constant 0 : i32
    %scan3A_3 = arith.constant 0 : i32
    %scan3A_4 = arith.constant 25 : i32
    %scan3A_5 = arith.addi %scan3A_3, %scan3A_4 : i32
    %scan3A_6 = arith.constant 1 : i32
    scf.for %scan3A_52 = %scan3A_3 to %scan3A_5 step %scan3A_6  : i32 {
      %mul3A_53 = arith.constant 2 : i32
      %mul3A_54 = arith.muli %mul3A_53, %scan3A_52 : i32
      %mul3A_55 = arith.constant 2 : i32
      %mul3A_56 = arith.muli %mul3A_55, %scan3A_52 : i32
      %add3A_57 = arith.constant 1 : i32
      %add3A_58 = arith.addi %mul3A_56, %add3A_57 : i32
      %dma_start3A = arith.constant 0 : i32
      %dma_start3A_59 = tpu.memref_slice %arg14[%mul3A_54, %dma_start3A] : memref<50x100xi32, #tpu.memory_space<vmem>> -> memref<1x100xi32, #tpu.memory_space<vmem>>
      %dma_start3A_60 = tpu.memref_squeeze %dma_start3A_59 : memref<1x100xi32, #tpu.memory_space<vmem>> -> memref<100xi32, #tpu.memory_space<vmem>>
      %dma_start3A_61 = arith.constant 0 : i32
      %dma_start3A_62 = arith.constant 0 : i32
      %dma_start3A_63 = tpu.memref_slice %arg2[%dma_start3A_61, %dma_start3A_62] : memref<10240x128xf32, #tpu.memory_space<hbm>> -> memref<10240x128xf32, #tpu.memory_space<hbm>>
      tpu.enqueue_indirect_dma source(%dma_start3A_63 : memref<10240x128xf32, #tpu.memory_space<hbm>>) target(%arg16 : memref<100x128xf32, #tpu.memory_space<vmem>>) offsets(%dma_start3A_60 : memref<100xi32, #tpu.memory_space<vmem>>) semaphore(%arg19 : memref<!tpu.dma_semaphore, #tpu.memory_space<semaphore_mem>>)
      %dma_wait3A = arith.constant 0 : i32
      %dma_wait3A_64 = tpu.memref_slice %arg14[%mul3A_54, %dma_wait3A] : memref<50x100xi32, #tpu.memory_space<vmem>> -> memref<1x100xi32, #tpu.memory_space<vmem>>
      %dma_wait3A_65 = tpu.memref_squeeze %dma_wait3A_64 : memref<1x100xi32, #tpu.memory_space<vmem>> -> memref<100xi32, #tpu.memory_space<vmem>>
      %dma_wait3A_66 = arith.constant 0 : i32
      %dma_wait3A_67 = arith.constant 0 : i32
      %dma_wait3A_68 = tpu.memref_slice %arg2[%dma_wait3A_66, %dma_wait3A_67] : memref<10240x128xf32, #tpu.memory_space<hbm>> -> memref<10240x128xf32, #tpu.memory_space<hbm>>
      tpu.wait_indirect_dma semaphore(%arg19 : memref<!tpu.dma_semaphore, #tpu.memory_space<semaphore_mem>>) src(%dma_wait3A_68 : memref<10240x128xf32, #tpu.memory_space<hbm>>) dst(%arg16 : memref<100x128xf32, #tpu.memory_space<vmem>>)
      %dma_start3A_69 = arith.constant 0 : i32
      %dma_start3A_70 = tpu.memref_slice %arg14[%add3A_58, %dma_start3A_69] : memref<50x100xi32, #tpu.memory_space<vmem>> -> memref<1x100xi32, #tpu.memory_space<vmem>>
      %dma_start3A_71 = tpu.memref_squeeze %dma_start3A_70 : memref<1x100xi32, #tpu.memory_space<vmem>> -> memref<100xi32, #tpu.memory_space<vmem>>
      %dma_start3A_72 = arith.constant 0 : i32
      %dma_start3A_73 = arith.constant 0 : i32
      %dma_start3A_74 = tpu.memref_slice %arg2[%dma_start3A_72, %dma_start3A_73] : memref<10240x128xf32, #tpu.memory_space<hbm>> -> memref<10240x128xf32, #tpu.memory_space<hbm>>
      tpu.enqueue_indirect_dma source(%dma_start3A_74 : memref<10240x128xf32, #tpu.memory_space<hbm>>) target(%arg17 : memref<100x128xf32, #tpu.memory_space<vmem>>) offsets(%dma_start3A_71 : memref<100xi32, #tpu.memory_space<vmem>>) semaphore(%arg20 : memref<!tpu.dma_semaphore, #tpu.memory_space<semaphore_mem>>)
      "tpu.region"() ({
        %run_scoped3A = tpu.sem_alloc : memref<!tpu.dma_semaphore, #tpu.memory_space<semaphore_mem>>
        %dma_start3A_81 = arith.constant 0 : i32
        %dma_start3A_82 = tpu.memref_slice %arg15[%mul3A_54, %dma_start3A_81] : memref<50x100xi32, #tpu.memory_space<vmem>> -> memref<1x100xi32, #tpu.memory_space<vmem>>
        %dma_start3A_83 = tpu.memref_squeeze %dma_start3A_82 : memref<1x100xi32, #tpu.memory_space<vmem>> -> memref<100xi32, #tpu.memory_space<vmem>>
        %dma_start3A_84 = arith.constant 0 : i32
        %dma_start3A_85 = arith.constant 0 : i32
        %dma_start3A_86 = tpu.memref_slice %arg18[%dma_start3A_84, %dma_start3A_85] : memref<10240x128xf32, #tpu.memory_space<vmem_shared>> -> memref<10240x128xf32, #tpu.memory_space<vmem_shared>>
        tpu.enqueue_indirect_dma source(%arg16 : memref<100x128xf32, #tpu.memory_space<vmem>>) target(%dma_start3A_86 : memref<10240x128xf32, #tpu.memory_space<vmem_shared>>) offsets(%dma_start3A_83 : memref<100xi32, #tpu.memory_space<vmem>>) semaphore(%run_scoped3A : memref<!tpu.dma_semaphore, #tpu.memory_space<semaphore_mem>>) {add = true}
        %dma_wait3A_87 = arith.constant 0 : i32
        %dma_wait3A_88 = tpu.memref_slice %arg15[%mul3A_54, %dma_wait3A_87] : memref<50x100xi32, #tpu.memory_space<vmem>> -> memref<1x100xi32, #tpu.memory_space<vmem>>
        %dma_wait3A_89 = tpu.memref_squeeze %dma_wait3A_88 : memref<1x100xi32, #tpu.memory_space<vmem>> -> memref<100xi32, #tpu.memory_space<vmem>>
        %dma_wait3A_90 = arith.constant 0 : i32
        %dma_wait3A_91 = arith.constant 0 : i32
        %dma_wait3A_92 = tpu.memref_slice %arg18[%dma_wait3A_90, %dma_wait3A_91] : memref<10240x128xf32, #tpu.memory_space<vmem_shared>> -> memref<10240x128xf32, #tpu.memory_space<vmem_shared>>
        tpu.wait_indirect_dma semaphore(%run_scoped3A : memref<!tpu.dma_semaphore, #tpu.memory_space<semaphore_mem>>) src(%arg16 : memref<100x128xf32, #tpu.memory_space<vmem>>) dst(%dma_wait3A_92 : memref<10240x128xf32, #tpu.memory_space<vmem_shared>>)
        tpu.yield
      }) : () -> ()
      %dma_wait3A_75 = arith.constant 0 : i32
      %dma_wait3A_76 = tpu.memref_slice %arg14[%add3A_58, %dma_wait3A_75] : memref<50x100xi32, #tpu.memory_space<vmem>> -> memref<1x100xi32, #tpu.memory_space<vmem>>
      %dma_wait3A_77 = tpu.memref_squeeze %dma_wait3A_76 : memref<1x100xi32, #tpu.memory_space<vmem>> -> memref<100xi32, #tpu.memory_space<vmem>>
      %dma_wait3A_78 = arith.constant 0 : i32
      %dma_wait3A_79 = arith.constant 0 : i32
      %dma_wait3A_80 = tpu.memref_slice %arg2[%dma_wait3A_78, %dma_wait3A_79] : memref<10240x128xf32, #tpu.memory_space<hbm>> -> memref<10240x128xf32, #tpu.memory_space<hbm>>
      tpu.wait_indirect_dma semaphore(%arg20 : memref<!tpu.dma_semaphore, #tpu.memory_space<semaphore_mem>>) src(%dma_wait3A_80 : memref<10240x128xf32, #tpu.memory_space<hbm>>) dst(%arg17 : memref<100x128xf32, #tpu.memory_space<vmem>>)
      "tpu.region"() ({
        %run_scoped3A = tpu.sem_alloc : memref<!tpu.dma_semaphore, #tpu.memory_space<semaphore_mem>>
        %dma_start3A_81 = arith.constant 0 : i32
        %dma_start3A_82 = tpu.memref_slice %arg15[%add3A_58, %dma_start3A_81] : memref<50x100xi32, #tpu.memory_space<vmem>> -> memref<1x100xi32, #tpu.memory_space<vmem>>
        %dma_start3A_83 = tpu.memref_squeeze %dma_start3A_82 : memref<1x100xi32, #tpu.memory_space<vmem>> -> memref<100xi32, #tpu.memory_space<vmem>>
        %dma_start3A_84 = arith.constant 0 : i32
        %dma_start3A_85 = arith.constant 0 : i32
        %dma_start3A_86 = tpu.memref_slice %arg18[%dma_start3A_84, %dma_start3A_85] : memref<10240x128xf32, #tpu.memory_space<vmem_shared>> -> memref<10240x128xf32, #tpu.memory_space<vmem_shared>>
        tpu.enqueue_indirect_dma source(%arg17 : memref<100x128xf32, #tpu.memory_space<vmem>>) target(%dma_start3A_86 : memref<10240x128xf32, #tpu.memory_space<vmem_shared>>) offsets(%dma_start3A_83 : memref<100xi32, #tpu.memory_space<vmem>>) semaphore(%run_scoped3A : memref<!tpu.dma_semaphore, #tpu.memory_space<semaphore_mem>>) {add = true}
        %dma_wait3A_87 = arith.constant 0 : i32
        %dma_wait3A_88 = tpu.memref_slice %arg15[%add3A_58, %dma_wait3A_87] : memref<50x100xi32, #tpu.memory_space<vmem>> -> memref<1x100xi32, #tpu.memory_space<vmem>>
        %dma_wait3A_89 = tpu.memref_squeeze %dma_wait3A_88 : memref<1x100xi32, #tpu.memory_space<vmem>> -> memref<100xi32, #tpu.memory_space<vmem>>
        %dma_wait3A_90 = arith.constant 0 : i32
        %dma_wait3A_91 = arith.constant 0 : i32
        %dma_wait3A_92 = tpu.memref_slice %arg18[%dma_wait3A_90, %dma_wait3A_91] : memref<10240x128xf32, #tpu.memory_space<vmem_shared>> -> memref<10240x128xf32, #tpu.memory_space<vmem_shared>>
        tpu.wait_indirect_dma semaphore(%run_scoped3A : memref<!tpu.dma_semaphore, #tpu.memory_space<semaphore_mem>>) src(%arg17 : memref<100x128xf32, #tpu.memory_space<vmem>>) dst(%dma_wait3A_92 : memref<10240x128xf32, #tpu.memory_space<vmem_shared>>)
        tpu.yield
      }) : () -> ()
    }
    %scan3A_7 = arith.constant 25 : i32
    %barrier3A_8 = arith.constant 0 : index
    tpu.barrier barrier_id(%barrier3A_8)
    %eq3A = arith.constant 0 : i32
    %eq3A_9 = arith.cmpi eq, %arg0, %eq3A : i32
    %convert_element_type3A = arith.extui %eq3A_9 : i1 to i32
    %cond3A = arith.constant 0 : i32
    %cond3A_10 = arith.cmpi ne, %convert_element_type3A, %cond3A : i32
    scf.if %cond3A_10 {
      "tpu.region"() ({
        %run_scoped3A = tpu.sem_alloc : memref<!tpu.dma_semaphore, #tpu.memory_space<semaphore_mem>>
        %dma_start3A = arith.constant 0 : i32
        %dma_start3A_52 = tpu.memref_slice %arg8[%mul3A_2, %dma_start3A] : memref<10240x128xf32, #tpu.memory_space<hbm>> -> memref<640x128xf32, #tpu.memory_space<hbm>>
        %dma_start3A_53 = arith.constant 0 : i32
        %dma_start3A_54 = tpu.memref_slice %arg18[%mul3A_2, %dma_start3A_53] : memref<10240x128xf32, #tpu.memory_space<vmem_shared>> -> memref<640x128xf32, #tpu.memory_space<vmem_shared>>
        tpu.enqueue_dma source(%dma_start3A_54 : memref<640x128xf32, #tpu.memory_space<vmem_shared>>) target(%dma_start3A_52 : memref<640x128xf32, #tpu.memory_space<hbm>>) target_semaphore(%run_scoped3A : memref<!tpu.dma_semaphore, #tpu.memory_space<semaphore_mem>>)
        %dma_wait3A = arith.constant 0 : i32
        %dma_wait3A_55 = tpu.memref_slice %arg8[%mul3A_2, %dma_wait3A] : memref<10240x128xf32, #tpu.memory_space<hbm>> -> memref<640x128xf32, #tpu.memory_space<hbm>>
        %dma_wait3A_56 = arith.constant 0 : i32
        %dma_wait3A_57 = tpu.memref_slice %arg18[%mul3A_2, %dma_wait3A_56] : memref<10240x128xf32, #tpu.memory_space<vmem_shared>> -> memref<640x128xf32, #tpu.memory_space<vmem_shared>>
        tpu.wait_dma2 semaphore(%run_scoped3A : memref<!tpu.dma_semaphore, #tpu.memory_space<semaphore_mem>>) src(%dma_wait3A_57 : memref<640x128xf32, #tpu.memory_space<vmem_shared>>) dst(%dma_wait3A_55 : memref<640x128xf32, #tpu.memory_space<hbm>>)
        tpu.yield
      }) : () -> ()
    } else {
    }
    %eq3A_11 = arith.constant 1 : i32
    %eq3A_12 = arith.cmpi eq, %arg0, %eq3A_11 : i32
    %convert_element_type3A_13 = arith.extui %eq3A_12 : i1 to i32
    %cond3A_14 = arith.constant 0 : i32
    %cond3A_15 = arith.cmpi ne, %convert_element_type3A_13, %cond3A_14 : i32
    scf.if %cond3A_15 {
      "tpu.region"() ({
        %run_scoped3A = tpu.sem_alloc : memref<!tpu.dma_semaphore, #tpu.memory_space<semaphore_mem>>
        %dma_start3A = arith.constant 0 : i32
        %dma_start3A_52 = tpu.memref_slice %arg11[%mul3A_2, %dma_start3A] : memref<10240x128xf32, #tpu.memory_space<hbm>> -> memref<640x128xf32, #tpu.memory_space<hbm>>
        %dma_start3A_53 = arith.constant 0 : i32
        %dma_start3A_54 = tpu.memref_slice %arg18[%mul3A_2, %dma_start3A_53] : memref<10240x128xf32, #tpu.memory_space<vmem_shared>> -> memref<640x128xf32, #tpu.memory_space<vmem_shared>>
        tpu.enqueue_dma source(%dma_start3A_54 : memref<640x128xf32, #tpu.memory_space<vmem_shared>>) target(%dma_start3A_52 : memref<640x128xf32, #tpu.memory_space<hbm>>) target_semaphore(%run_scoped3A : memref<!tpu.dma_semaphore, #tpu.memory_space<semaphore_mem>>)
        %dma_wait3A = arith.constant 0 : i32
        %dma_wait3A_55 = tpu.memref_slice %arg11[%mul3A_2, %dma_wait3A] : memref<10240x128xf32, #tpu.memory_space<hbm>> -> memref<640x128xf32, #tpu.memory_space<hbm>>
        %dma_wait3A_56 = arith.constant 0 : i32
        %dma_wait3A_57 = tpu.memref_slice %arg18[%mul3A_2, %dma_wait3A_56] : memref<10240x128xf32, #tpu.memory_space<vmem_shared>> -> memref<640x128xf32, #tpu.memory_space<vmem_shared>>
        tpu.wait_dma2 semaphore(%run_scoped3A : memref<!tpu.dma_semaphore, #tpu.memory_space<semaphore_mem>>) src(%dma_wait3A_57 : memref<640x128xf32, #tpu.memory_space<vmem_shared>>) dst(%dma_wait3A_55 : memref<640x128xf32, #tpu.memory_space<hbm>>)
        tpu.yield
      }) : () -> ()
    } else {
    }
    "tpu.region"() ({
      %run_scoped3A = tpu.sem_alloc : memref<!tpu.dma_semaphore, #tpu.memory_space<semaphore_mem>>
      %dma_start3A = arith.constant 0 : i32
      %dma_start3A_52 = tpu.memref_slice %arg18[%mul3A_2, %dma_start3A] : memref<10240x128xf32, #tpu.memory_space<vmem_shared>> -> memref<640x128xf32, #tpu.memory_space<vmem_shared>>
      tpu.enqueue_dma source(%arg7 : memref<640x128xf32, #tpu.memory_space<hbm>>) target(%dma_start3A_52 : memref<640x128xf32, #tpu.memory_space<vmem_shared>>) target_semaphore(%run_scoped3A : memref<!tpu.dma_semaphore, #tpu.memory_space<semaphore_mem>>)
      %dma_wait3A = arith.constant 0 : i32
      %dma_wait3A_53 = tpu.memref_slice %arg18[%mul3A_2, %dma_wait3A] : memref<10240x128xf32, #tpu.memory_space<vmem_shared>> -> memref<640x128xf32, #tpu.memory_space<vmem_shared>>
      tpu.wait_dma2 semaphore(%run_scoped3A : memref<!tpu.dma_semaphore, #tpu.memory_space<semaphore_mem>>) src(%arg7 : memref<640x128xf32, #tpu.memory_space<hbm>>) dst(%dma_wait3A_53 : memref<640x128xf32, #tpu.memory_space<vmem_shared>>)
      tpu.yield
    }) : () -> ()
    %barrier3A_16 = arith.constant 0 : index
    tpu.barrier barrier_id(%barrier3A_16)
    %scan3A_17 = arith.constant 0 : i32
    %scan3A_18 = arith.constant 0 : i32
    %scan3A_19 = arith.constant 25 : i32
    %scan3A_20 = arith.addi %scan3A_18, %scan3A_19 : i32
    %scan3A_21 = arith.constant 1 : i32
    scf.for %scan3A_52 = %scan3A_18 to %scan3A_20 step %scan3A_21  : i32 {
      %mul3A_53 = arith.constant 2 : i32
      %mul3A_54 = arith.muli %mul3A_53, %scan3A_52 : i32
      %mul3A_55 = arith.constant 2 : i32
      %mul3A_56 = arith.muli %mul3A_55, %scan3A_52 : i32
      %add3A_57 = arith.constant 1 : i32
      %add3A_58 = arith.addi %mul3A_56, %add3A_57 : i32
      %dma_start3A = arith.constant 0 : i32
      %dma_start3A_59 = tpu.memref_slice %arg14[%mul3A_54, %dma_start3A] : memref<50x100xi32, #tpu.memory_space<vmem>> -> memref<1x100xi32, #tpu.memory_space<vmem>>
      %dma_start3A_60 = tpu.memref_squeeze %dma_start3A_59 : memref<1x100xi32, #tpu.memory_space<vmem>> -> memref<100xi32, #tpu.memory_space<vmem>>
      %dma_start3A_61 = arith.constant 0 : i32
      %dma_start3A_62 = arith.constant 0 : i32
      %dma_start3A_63 = tpu.memref_slice %arg3[%dma_start3A_61, %dma_start3A_62] : memref<10240x128xf32, #tpu.memory_space<hbm>> -> memref<10240x128xf32, #tpu.memory_space<hbm>>
      tpu.enqueue_indirect_dma source(%dma_start3A_63 : memref<10240x128xf32, #tpu.memory_space<hbm>>) target(%arg16 : memref<100x128xf32, #tpu.memory_space<vmem>>) offsets(%dma_start3A_60 : memref<100xi32, #tpu.memory_space<vmem>>) semaphore(%arg19 : memref<!tpu.dma_semaphore, #tpu.memory_space<semaphore_mem>>)
      %dma_wait3A = arith.constant 0 : i32
      %dma_wait3A_64 = tpu.memref_slice %arg14[%mul3A_54, %dma_wait3A] : memref<50x100xi32, #tpu.memory_space<vmem>> -> memref<1x100xi32, #tpu.memory_space<vmem>>
      %dma_wait3A_65 = tpu.memref_squeeze %dma_wait3A_64 : memref<1x100xi32, #tpu.memory_space<vmem>> -> memref<100xi32, #tpu.memory_space<vmem>>
      %dma_wait3A_66 = arith.constant 0 : i32
      %dma_wait3A_67 = arith.constant 0 : i32
      %dma_wait3A_68 = tpu.memref_slice %arg3[%dma_wait3A_66, %dma_wait3A_67] : memref<10240x128xf32, #tpu.memory_space<hbm>> -> memref<10240x128xf32, #tpu.memory_space<hbm>>
      tpu.wait_indirect_dma semaphore(%arg19 : memref<!tpu.dma_semaphore, #tpu.memory_space<semaphore_mem>>) src(%dma_wait3A_68 : memref<10240x128xf32, #tpu.memory_space<hbm>>) dst(%arg16 : memref<100x128xf32, #tpu.memory_space<vmem>>)
      %dma_start3A_69 = arith.constant 0 : i32
      %dma_start3A_70 = tpu.memref_slice %arg14[%add3A_58, %dma_start3A_69] : memref<50x100xi32, #tpu.memory_space<vmem>> -> memref<1x100xi32, #tpu.memory_space<vmem>>
      %dma_start3A_71 = tpu.memref_squeeze %dma_start3A_70 : memref<1x100xi32, #tpu.memory_space<vmem>> -> memref<100xi32, #tpu.memory_space<vmem>>
      %dma_start3A_72 = arith.constant 0 : i32
      %dma_start3A_73 = arith.constant 0 : i32
      %dma_start3A_74 = tpu.memref_slice %arg3[%dma_start3A_72, %dma_start3A_73] : memref<10240x128xf32, #tpu.memory_space<hbm>> -> memref<10240x128xf32, #tpu.memory_space<hbm>>
      tpu.enqueue_indirect_dma source(%dma_start3A_74 : memref<10240x128xf32, #tpu.memory_space<hbm>>) target(%arg17 : memref<100x128xf32, #tpu.memory_space<vmem>>) offsets(%dma_start3A_71 : memref<100xi32, #tpu.memory_space<vmem>>) semaphore(%arg20 : memref<!tpu.dma_semaphore, #tpu.memory_space<semaphore_mem>>)
      "tpu.region"() ({
        %run_scoped3A = tpu.sem_alloc : memref<!tpu.dma_semaphore, #tpu.memory_space<semaphore_mem>>
        %dma_start3A_81 = arith.constant 0 : i32
        %dma_start3A_82 = tpu.memref_slice %arg15[%mul3A_54, %dma_start3A_81] : memref<50x100xi32, #tpu.memory_space<vmem>> -> memref<1x100xi32, #tpu.memory_space<vmem>>
        %dma_start3A_83 = tpu.memref_squeeze %dma_start3A_82 : memref<1x100xi32, #tpu.memory_space<vmem>> -> memref<100xi32, #tpu.memory_space<vmem>>
        %dma_start3A_84 = arith.constant 0 : i32
        %dma_start3A_85 = arith.constant 0 : i32
        %dma_start3A_86 = tpu.memref_slice %arg18[%dma_start3A_84, %dma_start3A_85] : memref<10240x128xf32, #tpu.memory_space<vmem_shared>> -> memref<10240x128xf32, #tpu.memory_space<vmem_shared>>
        tpu.enqueue_indirect_dma source(%arg16 : memref<100x128xf32, #tpu.memory_space<vmem>>) target(%dma_start3A_86 : memref<10240x128xf32, #tpu.memory_space<vmem_shared>>) offsets(%dma_start3A_83 : memref<100xi32, #tpu.memory_space<vmem>>) semaphore(%run_scoped3A : memref<!tpu.dma_semaphore, #tpu.memory_space<semaphore_mem>>) {add = true}
        %dma_wait3A_87 = arith.constant 0 : i32
        %dma_wait3A_88 = tpu.memref_slice %arg15[%mul3A_54, %dma_wait3A_87] : memref<50x100xi32, #tpu.memory_space<vmem>> -> memref<1x100xi32, #tpu.memory_space<vmem>>
        %dma_wait3A_89 = tpu.memref_squeeze %dma_wait3A_88 : memref<1x100xi32, #tpu.memory_space<vmem>> -> memref<100xi32, #tpu.memory_space<vmem>>
        %dma_wait3A_90 = arith.constant 0 : i32
        %dma_wait3A_91 = arith.constant 0 : i32
        %dma_wait3A_92 = tpu.memref_slice %arg18[%dma_wait3A_90, %dma_wait3A_91] : memref<10240x128xf32, #tpu.memory_space<vmem_shared>> -> memref<10240x128xf32, #tpu.memory_space<vmem_shared>>
        tpu.wait_indirect_dma semaphore(%run_scoped3A : memref<!tpu.dma_semaphore, #tpu.memory_space<semaphore_mem>>) src(%arg16 : memref<100x128xf32, #tpu.memory_space<vmem>>) dst(%dma_wait3A_92 : memref<10240x128xf32, #tpu.memory_space<vmem_shared>>)
        tpu.yield
      }) : () -> ()
      %dma_wait3A_75 = arith.constant 0 : i32
      %dma_wait3A_76 = tpu.memref_slice %arg14[%add3A_58, %dma_wait3A_75] : memref<50x100xi32, #tpu.memory_space<vmem>> -> memref<1x100xi32, #tpu.memory_space<vmem>>
      %dma_wait3A_77 = tpu.memref_squeeze %dma_wait3A_76 : memref<1x100xi32, #tpu.memory_space<vmem>> -> memref<100xi32, #tpu.memory_space<vmem>>
      %dma_wait3A_78 = arith.constant 0 : i32
      %dma_wait3A_79 = arith.constant 0 : i32
      %dma_wait3A_80 = tpu.memref_slice %arg3[%dma_wait3A_78, %dma_wait3A_79] : memref<10240x128xf32, #tpu.memory_space<hbm>> -> memref<10240x128xf32, #tpu.memory_space<hbm>>
      tpu.wait_indirect_dma semaphore(%arg20 : memref<!tpu.dma_semaphore, #tpu.memory_space<semaphore_mem>>) src(%dma_wait3A_80 : memref<10240x128xf32, #tpu.memory_space<hbm>>) dst(%arg17 : memref<100x128xf32, #tpu.memory_space<vmem>>)
      "tpu.region"() ({
        %run_scoped3A = tpu.sem_alloc : memref<!tpu.dma_semaphore, #tpu.memory_space<semaphore_mem>>
        %dma_start3A_81 = arith.constant 0 : i32
        %dma_start3A_82 = tpu.memref_slice %arg15[%add3A_58, %dma_start3A_81] : memref<50x100xi32, #tpu.memory_space<vmem>> -> memref<1x100xi32, #tpu.memory_space<vmem>>
        %dma_start3A_83 = tpu.memref_squeeze %dma_start3A_82 : memref<1x100xi32, #tpu.memory_space<vmem>> -> memref<100xi32, #tpu.memory_space<vmem>>
        %dma_start3A_84 = arith.constant 0 : i32
        %dma_start3A_85 = arith.constant 0 : i32
        %dma_start3A_86 = tpu.memref_slice %arg18[%dma_start3A_84, %dma_start3A_85] : memref<10240x128xf32, #tpu.memory_space<vmem_shared>> -> memref<10240x128xf32, #tpu.memory_space<vmem_shared>>
        tpu.enqueue_indirect_dma source(%arg17 : memref<100x128xf32, #tpu.memory_space<vmem>>) target(%dma_start3A_86 : memref<10240x128xf32, #tpu.memory_space<vmem_shared>>) offsets(%dma_start3A_83 : memref<100xi32, #tpu.memory_space<vmem>>) semaphore(%run_scoped3A : memref<!tpu.dma_semaphore, #tpu.memory_space<semaphore_mem>>) {add = true}
        %dma_wait3A_87 = arith.constant 0 : i32
        %dma_wait3A_88 = tpu.memref_slice %arg15[%add3A_58, %dma_wait3A_87] : memref<50x100xi32, #tpu.memory_space<vmem>> -> memref<1x100xi32, #tpu.memory_space<vmem>>
        %dma_wait3A_89 = tpu.memref_squeeze %dma_wait3A_88 : memref<1x100xi32, #tpu.memory_space<vmem>> -> memref<100xi32, #tpu.memory_space<vmem>>
        %dma_wait3A_90 = arith.constant 0 : i32
        %dma_wait3A_91 = arith.constant 0 : i32
        %dma_wait3A_92 = tpu.memref_slice %arg18[%dma_wait3A_90, %dma_wait3A_91] : memref<10240x128xf32, #tpu.memory_space<vmem_shared>> -> memref<10240x128xf32, #tpu.memory_space<vmem_shared>>
        tpu.wait_indirect_dma semaphore(%run_scoped3A : memref<!tpu.dma_semaphore, #tpu.memory_space<semaphore_mem>>) src(%arg17 : memref<100x128xf32, #tpu.memory_space<vmem>>) dst(%dma_wait3A_92 : memref<10240x128xf32, #tpu.memory_space<vmem_shared>>)
        tpu.yield
      }) : () -> ()
    }
    %scan3A_22 = arith.constant 25 : i32
    %barrier3A_23 = arith.constant 0 : index
    tpu.barrier barrier_id(%barrier3A_23)
    %eq3A_24 = arith.constant 0 : i32
    %eq3A_25 = arith.cmpi eq, %arg0, %eq3A_24 : i32
    %convert_element_type3A_26 = arith.extui %eq3A_25 : i1 to i32
    %cond3A_27 = arith.constant 0 : i32
    %cond3A_28 = arith.cmpi ne, %convert_element_type3A_26, %cond3A_27 : i32
    scf.if %cond3A_28 {
      "tpu.region"() ({
        %run_scoped3A = tpu.sem_alloc : memref<!tpu.dma_semaphore, #tpu.memory_space<semaphore_mem>>
        %dma_start3A = arith.constant 0 : i32
        %dma_start3A_52 = tpu.memref_slice %arg9[%mul3A_2, %dma_start3A] : memref<10240x128xf32, #tpu.memory_space<hbm>> -> memref<640x128xf32, #tpu.memory_space<hbm>>
        %dma_start3A_53 = arith.constant 0 : i32
        %dma_start3A_54 = tpu.memref_slice %arg18[%mul3A_2, %dma_start3A_53] : memref<10240x128xf32, #tpu.memory_space<vmem_shared>> -> memref<640x128xf32, #tpu.memory_space<vmem_shared>>
        tpu.enqueue_dma source(%dma_start3A_54 : memref<640x128xf32, #tpu.memory_space<vmem_shared>>) target(%dma_start3A_52 : memref<640x128xf32, #tpu.memory_space<hbm>>) target_semaphore(%run_scoped3A : memref<!tpu.dma_semaphore, #tpu.memory_space<semaphore_mem>>)
        %dma_wait3A = arith.constant 0 : i32
        %dma_wait3A_55 = tpu.memref_slice %arg9[%mul3A_2, %dma_wait3A] : memref<10240x128xf32, #tpu.memory_space<hbm>> -> memref<640x128xf32, #tpu.memory_space<hbm>>
        %dma_wait3A_56 = arith.constant 0 : i32
        %dma_wait3A_57 = tpu.memref_slice %arg18[%mul3A_2, %dma_wait3A_56] : memref<10240x128xf32, #tpu.memory_space<vmem_shared>> -> memref<640x128xf32, #tpu.memory_space<vmem_shared>>
        tpu.wait_dma2 semaphore(%run_scoped3A : memref<!tpu.dma_semaphore, #tpu.memory_space<semaphore_mem>>) src(%dma_wait3A_57 : memref<640x128xf32, #tpu.memory_space<vmem_shared>>) dst(%dma_wait3A_55 : memref<640x128xf32, #tpu.memory_space<hbm>>)
        tpu.yield
      }) : () -> ()
    } else {
    }
    %eq3A_29 = arith.constant 1 : i32
    %eq3A_30 = arith.cmpi eq, %arg0, %eq3A_29 : i32
    %convert_element_type3A_31 = arith.extui %eq3A_30 : i1 to i32
    %cond3A_32 = arith.constant 0 : i32
    %cond3A_33 = arith.cmpi ne, %convert_element_type3A_31, %cond3A_32 : i32
    scf.if %cond3A_33 {
      "tpu.region"() ({
        %run_scoped3A = tpu.sem_alloc : memref<!tpu.dma_semaphore, #tpu.memory_space<semaphore_mem>>
        %dma_start3A = arith.constant 0 : i32
        %dma_start3A_52 = tpu.memref_slice %arg12[%mul3A_2, %dma_start3A] : memref<10240x128xf32, #tpu.memory_space<hbm>> -> memref<640x128xf32, #tpu.memory_space<hbm>>
        %dma_start3A_53 = arith.constant 0 : i32
        %dma_start3A_54 = tpu.memref_slice %arg18[%mul3A_2, %dma_start3A_53] : memref<10240x128xf32, #tpu.memory_space<vmem_shared>> -> memref<640x128xf32, #tpu.memory_space<vmem_shared>>
        tpu.enqueue_dma source(%dma_start3A_54 : memref<640x128xf32, #tpu.memory_space<vmem_shared>>) target(%dma_start3A_52 : memref<640x128xf32, #tpu.memory_space<hbm>>) target_semaphore(%run_scoped3A : memref<!tpu.dma_semaphore, #tpu.memory_space<semaphore_mem>>)
        %dma_wait3A = arith.constant 0 : i32
        %dma_wait3A_55 = tpu.memref_slice %arg12[%mul3A_2, %dma_wait3A] : memref<10240x128xf32, #tpu.memory_space<hbm>> -> memref<640x128xf32, #tpu.memory_space<hbm>>
        %dma_wait3A_56 = arith.constant 0 : i32
        %dma_wait3A_57 = tpu.memref_slice %arg18[%mul3A_2, %dma_wait3A_56] : memref<10240x128xf32, #tpu.memory_space<vmem_shared>> -> memref<640x128xf32, #tpu.memory_space<vmem_shared>>
        tpu.wait_dma2 semaphore(%run_scoped3A : memref<!tpu.dma_semaphore, #tpu.memory_space<semaphore_mem>>) src(%dma_wait3A_57 : memref<640x128xf32, #tpu.memory_space<vmem_shared>>) dst(%dma_wait3A_55 : memref<640x128xf32, #tpu.memory_space<hbm>>)
        tpu.yield
      }) : () -> ()
    } else {
    }
    "tpu.region"() ({
      %run_scoped3A = tpu.sem_alloc : memref<!tpu.dma_semaphore, #tpu.memory_space<semaphore_mem>>
      %dma_start3A = arith.constant 0 : i32
      %dma_start3A_52 = tpu.memref_slice %arg18[%mul3A_2, %dma_start3A] : memref<10240x128xf32, #tpu.memory_space<vmem_shared>> -> memref<640x128xf32, #tpu.memory_space<vmem_shared>>
      tpu.enqueue_dma source(%arg7 : memref<640x128xf32, #tpu.memory_space<hbm>>) target(%dma_start3A_52 : memref<640x128xf32, #tpu.memory_space<vmem_shared>>) target_semaphore(%run_scoped3A : memref<!tpu.dma_semaphore, #tpu.memory_space<semaphore_mem>>)
      %dma_wait3A = arith.constant 0 : i32
      %dma_wait3A_53 = tpu.memref_slice %arg18[%mul3A_2, %dma_wait3A] : memref<10240x128xf32, #tpu.memory_space<vmem_shared>> -> memref<640x128xf32, #tpu.memory_space<vmem_shared>>
      tpu.wait_dma2 semaphore(%run_scoped3A : memref<!tpu.dma_semaphore, #tpu.memory_space<semaphore_mem>>) src(%arg7 : memref<640x128xf32, #tpu.memory_space<hbm>>) dst(%dma_wait3A_53 : memref<640x128xf32, #tpu.memory_space<vmem_shared>>)
      tpu.yield
    }) : () -> ()
    %barrier3A_34 = arith.constant 0 : index
    tpu.barrier barrier_id(%barrier3A_34)
    %scan3A_35 = arith.constant 0 : i32
    %scan3A_36 = arith.constant 0 : i32
    %scan3A_37 = arith.constant 25 : i32
    %scan3A_38 = arith.addi %scan3A_36, %scan3A_37 : i32
    %scan3A_39 = arith.constant 1 : i32
    scf.for %scan3A_52 = %scan3A_36 to %scan3A_38 step %scan3A_39  : i32 {
      %mul3A_53 = arith.constant 2 : i32
      %mul3A_54 = arith.muli %mul3A_53, %scan3A_52 : i32
      %mul3A_55 = arith.constant 2 : i32
      %mul3A_56 = arith.muli %mul3A_55, %scan3A_52 : i32
      %add3A_57 = arith.constant 1 : i32
      %add3A_58 = arith.addi %mul3A_56, %add3A_57 : i32
      %dma_start3A = arith.constant 0 : i32
      %dma_start3A_59 = tpu.memref_slice %arg14[%mul3A_54, %dma_start3A] : memref<50x100xi32, #tpu.memory_space<vmem>> -> memref<1x100xi32, #tpu.memory_space<vmem>>
      %dma_start3A_60 = tpu.memref_squeeze %dma_start3A_59 : memref<1x100xi32, #tpu.memory_space<vmem>> -> memref<100xi32, #tpu.memory_space<vmem>>
      %dma_start3A_61 = arith.constant 0 : i32
      %dma_start3A_62 = arith.constant 0 : i32
      %dma_start3A_63 = tpu.memref_slice %arg4[%dma_start3A_61, %dma_start3A_62] : memref<10240x128xf32, #tpu.memory_space<hbm>> -> memref<10240x128xf32, #tpu.memory_space<hbm>>
      tpu.enqueue_indirect_dma source(%dma_start3A_63 : memref<10240x128xf32, #tpu.memory_space<hbm>>) target(%arg16 : memref<100x128xf32, #tpu.memory_space<vmem>>) offsets(%dma_start3A_60 : memref<100xi32, #tpu.memory_space<vmem>>) semaphore(%arg19 : memref<!tpu.dma_semaphore, #tpu.memory_space<semaphore_mem>>)
      %dma_wait3A = arith.constant 0 : i32
      %dma_wait3A_64 = tpu.memref_slice %arg14[%mul3A_54, %dma_wait3A] : memref<50x100xi32, #tpu.memory_space<vmem>> -> memref<1x100xi32, #tpu.memory_space<vmem>>
      %dma_wait3A_65 = tpu.memref_squeeze %dma_wait3A_64 : memref<1x100xi32, #tpu.memory_space<vmem>> -> memref<100xi32, #tpu.memory_space<vmem>>
      %dma_wait3A_66 = arith.constant 0 : i32
      %dma_wait3A_67 = arith.constant 0 : i32
      %dma_wait3A_68 = tpu.memref_slice %arg4[%dma_wait3A_66, %dma_wait3A_67] : memref<10240x128xf32, #tpu.memory_space<hbm>> -> memref<10240x128xf32, #tpu.memory_space<hbm>>
      tpu.wait_indirect_dma semaphore(%arg19 : memref<!tpu.dma_semaphore, #tpu.memory_space<semaphore_mem>>) src(%dma_wait3A_68 : memref<10240x128xf32, #tpu.memory_space<hbm>>) dst(%arg16 : memref<100x128xf32, #tpu.memory_space<vmem>>)
      %dma_start3A_69 = arith.constant 0 : i32
      %dma_start3A_70 = tpu.memref_slice %arg14[%add3A_58, %dma_start3A_69] : memref<50x100xi32, #tpu.memory_space<vmem>> -> memref<1x100xi32, #tpu.memory_space<vmem>>
      %dma_start3A_71 = tpu.memref_squeeze %dma_start3A_70 : memref<1x100xi32, #tpu.memory_space<vmem>> -> memref<100xi32, #tpu.memory_space<vmem>>
      %dma_start3A_72 = arith.constant 0 : i32
      %dma_start3A_73 = arith.constant 0 : i32
      %dma_start3A_74 = tpu.memref_slice %arg4[%dma_start3A_72, %dma_start3A_73] : memref<10240x128xf32, #tpu.memory_space<hbm>> -> memref<10240x128xf32, #tpu.memory_space<hbm>>
      tpu.enqueue_indirect_dma source(%dma_start3A_74 : memref<10240x128xf32, #tpu.memory_space<hbm>>) target(%arg17 : memref<100x128xf32, #tpu.memory_space<vmem>>) offsets(%dma_start3A_71 : memref<100xi32, #tpu.memory_space<vmem>>) semaphore(%arg20 : memref<!tpu.dma_semaphore, #tpu.memory_space<semaphore_mem>>)
      "tpu.region"() ({
        %run_scoped3A = tpu.sem_alloc : memref<!tpu.dma_semaphore, #tpu.memory_space<semaphore_mem>>
        %dma_start3A_81 = arith.constant 0 : i32
        %dma_start3A_82 = tpu.memref_slice %arg15[%mul3A_54, %dma_start3A_81] : memref<50x100xi32, #tpu.memory_space<vmem>> -> memref<1x100xi32, #tpu.memory_space<vmem>>
        %dma_start3A_83 = tpu.memref_squeeze %dma_start3A_82 : memref<1x100xi32, #tpu.memory_space<vmem>> -> memref<100xi32, #tpu.memory_space<vmem>>
        %dma_start3A_84 = arith.constant 0 : i32
        %dma_start3A_85 = arith.constant 0 : i32
        %dma_start3A_86 = tpu.memref_slice %arg18[%dma_start3A_84, %dma_start3A_85] : memref<10240x128xf32, #tpu.memory_space<vmem_shared>> -> memref<10240x128xf32, #tpu.memory_space<vmem_shared>>
        tpu.enqueue_indirect_dma source(%arg16 : memref<100x128xf32, #tpu.memory_space<vmem>>) target(%dma_start3A_86 : memref<10240x128xf32, #tpu.memory_space<vmem_shared>>) offsets(%dma_start3A_83 : memref<100xi32, #tpu.memory_space<vmem>>) semaphore(%run_scoped3A : memref<!tpu.dma_semaphore, #tpu.memory_space<semaphore_mem>>) {add = true}
        %dma_wait3A_87 = arith.constant 0 : i32
        %dma_wait3A_88 = tpu.memref_slice %arg15[%mul3A_54, %dma_wait3A_87] : memref<50x100xi32, #tpu.memory_space<vmem>> -> memref<1x100xi32, #tpu.memory_space<vmem>>
        %dma_wait3A_89 = tpu.memref_squeeze %dma_wait3A_88 : memref<1x100xi32, #tpu.memory_space<vmem>> -> memref<100xi32, #tpu.memory_space<vmem>>
        %dma_wait3A_90 = arith.constant 0 : i32
        %dma_wait3A_91 = arith.constant 0 : i32
        %dma_wait3A_92 = tpu.memref_slice %arg18[%dma_wait3A_90, %dma_wait3A_91] : memref<10240x128xf32, #tpu.memory_space<vmem_shared>> -> memref<10240x128xf32, #tpu.memory_space<vmem_shared>>
        tpu.wait_indirect_dma semaphore(%run_scoped3A : memref<!tpu.dma_semaphore, #tpu.memory_space<semaphore_mem>>) src(%arg16 : memref<100x128xf32, #tpu.memory_space<vmem>>) dst(%dma_wait3A_92 : memref<10240x128xf32, #tpu.memory_space<vmem_shared>>)
        tpu.yield
      }) : () -> ()
      %dma_wait3A_75 = arith.constant 0 : i32
      %dma_wait3A_76 = tpu.memref_slice %arg14[%add3A_58, %dma_wait3A_75] : memref<50x100xi32, #tpu.memory_space<vmem>> -> memref<1x100xi32, #tpu.memory_space<vmem>>
      %dma_wait3A_77 = tpu.memref_squeeze %dma_wait3A_76 : memref<1x100xi32, #tpu.memory_space<vmem>> -> memref<100xi32, #tpu.memory_space<vmem>>
      %dma_wait3A_78 = arith.constant 0 : i32
      %dma_wait3A_79 = arith.constant 0 : i32
      %dma_wait3A_80 = tpu.memref_slice %arg4[%dma_wait3A_78, %dma_wait3A_79] : memref<10240x128xf32, #tpu.memory_space<hbm>> -> memref<10240x128xf32, #tpu.memory_space<hbm>>
      tpu.wait_indirect_dma semaphore(%arg20 : memref<!tpu.dma_semaphore, #tpu.memory_space<semaphore_mem>>) src(%dma_wait3A_80 : memref<10240x128xf32, #tpu.memory_space<hbm>>) dst(%arg17 : memref<100x128xf32, #tpu.memory_space<vmem>>)
      "tpu.region"() ({
        %run_scoped3A = tpu.sem_alloc : memref<!tpu.dma_semaphore, #tpu.memory_space<semaphore_mem>>
        %dma_start3A_81 = arith.constant 0 : i32
        %dma_start3A_82 = tpu.memref_slice %arg15[%add3A_58, %dma_start3A_81] : memref<50x100xi32, #tpu.memory_space<vmem>> -> memref<1x100xi32, #tpu.memory_space<vmem>>
        %dma_start3A_83 = tpu.memref_squeeze %dma_start3A_82 : memref<1x100xi32, #tpu.memory_space<vmem>> -> memref<100xi32, #tpu.memory_space<vmem>>
        %dma_start3A_84 = arith.constant 0 : i32
        %dma_start3A_85 = arith.constant 0 : i32
        %dma_start3A_86 = tpu.memref_slice %arg18[%dma_start3A_84, %dma_start3A_85] : memref<10240x128xf32, #tpu.memory_space<vmem_shared>> -> memref<10240x128xf32, #tpu.memory_space<vmem_shared>>
        tpu.enqueue_indirect_dma source(%arg17 : memref<100x128xf32, #tpu.memory_space<vmem>>) target(%dma_start3A_86 : memref<10240x128xf32, #tpu.memory_space<vmem_shared>>) offsets(%dma_start3A_83 : memref<100xi32, #tpu.memory_space<vmem>>) semaphore(%run_scoped3A : memref<!tpu.dma_semaphore, #tpu.memory_space<semaphore_mem>>) {add = true}
        %dma_wait3A_87 = arith.constant 0 : i32
        %dma_wait3A_88 = tpu.memref_slice %arg15[%add3A_58, %dma_wait3A_87] : memref<50x100xi32, #tpu.memory_space<vmem>> -> memref<1x100xi32, #tpu.memory_space<vmem>>
        %dma_wait3A_89 = tpu.memref_squeeze %dma_wait3A_88 : memref<1x100xi32, #tpu.memory_space<vmem>> -> memref<100xi32, #tpu.memory_space<vmem>>
        %dma_wait3A_90 = arith.constant 0 : i32
        %dma_wait3A_91 = arith.constant 0 : i32
        %dma_wait3A_92 = tpu.memref_slice %arg18[%dma_wait3A_90, %dma_wait3A_91] : memref<10240x128xf32, #tpu.memory_space<vmem_shared>> -> memref<10240x128xf32, #tpu.memory_space<vmem_shared>>
        tpu.wait_indirect_dma semaphore(%run_scoped3A : memref<!tpu.dma_semaphore, #tpu.memory_space<semaphore_mem>>) src(%arg17 : memref<100x128xf32, #tpu.memory_space<vmem>>) dst(%dma_wait3A_92 : memref<10240x128xf32, #tpu.memory_space<vmem_shared>>)
        tpu.yield
      }) : () -> ()
    }
    %scan3A_40 = arith.constant 25 : i32
    %barrier3A_41 = arith.constant 0 : index
    tpu.barrier barrier_id(%barrier3A_41)
    %eq3A_42 = arith.constant 0 : i32
    %eq3A_43 = arith.cmpi eq, %arg0, %eq3A_42 : i32
    %convert_element_type3A_44 = arith.extui %eq3A_43 : i1 to i32
    %cond3A_45 = arith.constant 0 : i32
    %cond3A_46 = arith.cmpi ne, %convert_element_type3A_44, %cond3A_45 : i32
    scf.if %cond3A_46 {
      "tpu.region"() ({
        %run_scoped3A = tpu.sem_alloc : memref<!tpu.dma_semaphore, #tpu.memory_space<semaphore_mem>>
        %dma_start3A = arith.constant 0 : i32
        %dma_start3A_52 = tpu.memref_slice %arg10[%mul3A_2, %dma_start3A] : memref<10240x128xf32, #tpu.memory_space<hbm>> -> memref<640x128xf32, #tpu.memory_space<hbm>>
        %dma_start3A_53 = arith.constant 0 : i32
        %dma_start3A_54 = tpu.memref_slice %arg18[%mul3A_2, %dma_start3A_53] : memref<10240x128xf32, #tpu.memory_space<vmem_shared>> -> memref<640x128xf32, #tpu.memory_space<vmem_shared>>
        tpu.enqueue_dma source(%dma_start3A_54 : memref<640x128xf32, #tpu.memory_space<vmem_shared>>) target(%dma_start3A_52 : memref<640x128xf32, #tpu.memory_space<hbm>>) target_semaphore(%run_scoped3A : memref<!tpu.dma_semaphore, #tpu.memory_space<semaphore_mem>>)
        %dma_wait3A = arith.constant 0 : i32
        %dma_wait3A_55 = tpu.memref_slice %arg10[%mul3A_2, %dma_wait3A] : memref<10240x128xf32, #tpu.memory_space<hbm>> -> memref<640x128xf32, #tpu.memory_space<hbm>>
        %dma_wait3A_56 = arith.constant 0 : i32
        %dma_wait3A_57 = tpu.memref_slice %arg18[%mul3A_2, %dma_wait3A_56] : memref<10240x128xf32, #tpu.memory_space<vmem_shared>> -> memref<640x128xf32, #tpu.memory_space<vmem_shared>>
        tpu.wait_dma2 semaphore(%run_scoped3A : memref<!tpu.dma_semaphore, #tpu.memory_space<semaphore_mem>>) src(%dma_wait3A_57 : memref<640x128xf32, #tpu.memory_space<vmem_shared>>) dst(%dma_wait3A_55 : memref<640x128xf32, #tpu.memory_space<hbm>>)
        tpu.yield
      }) : () -> ()
    } else {
    }
    %eq3A_47 = arith.constant 1 : i32
    %eq3A_48 = arith.cmpi eq, %arg0, %eq3A_47 : i32
    %convert_element_type3A_49 = arith.extui %eq3A_48 : i1 to i32
    %cond3A_50 = arith.constant 0 : i32
    %cond3A_51 = arith.cmpi ne, %convert_element_type3A_49, %cond3A_50 : i32
    scf.if %cond3A_51 {
      "tpu.region"() ({
        %run_scoped3A = tpu.sem_alloc : memref<!tpu.dma_semaphore, #tpu.memory_space<semaphore_mem>>
        %dma_start3A = arith.constant 0 : i32
        %dma_start3A_52 = tpu.memref_slice %arg13[%mul3A_2, %dma_start3A] : memref<10240x128xf32, #tpu.memory_space<hbm>> -> memref<640x128xf32, #tpu.memory_space<hbm>>
        %dma_start3A_53 = arith.constant 0 : i32
        %dma_start3A_54 = tpu.memref_slice %arg18[%mul3A_2, %dma_start3A_53] : memref<10240x128xf32, #tpu.memory_space<vmem_shared>> -> memref<640x128xf32, #tpu.memory_space<vmem_shared>>
        tpu.enqueue_dma source(%dma_start3A_54 : memref<640x128xf32, #tpu.memory_space<vmem_shared>>) target(%dma_start3A_52 : memref<640x128xf32, #tpu.memory_space<hbm>>) target_semaphore(%run_scoped3A : memref<!tpu.dma_semaphore, #tpu.memory_space<semaphore_mem>>)
        %dma_wait3A = arith.constant 0 : i32
        %dma_wait3A_55 = tpu.memref_slice %arg13[%mul3A_2, %dma_wait3A] : memref<10240x128xf32, #tpu.memory_space<hbm>> -> memref<640x128xf32, #tpu.memory_space<hbm>>
        %dma_wait3A_56 = arith.constant 0 : i32
        %dma_wait3A_57 = tpu.memref_slice %arg18[%mul3A_2, %dma_wait3A_56] : memref<10240x128xf32, #tpu.memory_space<vmem_shared>> -> memref<640x128xf32, #tpu.memory_space<vmem_shared>>
        tpu.wait_dma2 semaphore(%run_scoped3A : memref<!tpu.dma_semaphore, #tpu.memory_space<semaphore_mem>>) src(%dma_wait3A_57 : memref<640x128xf32, #tpu.memory_space<vmem_shared>>) dst(%dma_wait3A_55 : memref<640x128xf32, #tpu.memory_space<hbm>>)
        tpu.yield
      }) : () -> ()
    } else {
    }
    return
  }
}

#map = affine_map<(d0, d1) -> (0, 0)>
#map1 = affine_map<(d0, d1) -> (0)>
module attributes {stable_mosaic.version = 14 : i64} {
  func.func @deg_kernel(%arg0: i32, %arg1: i32, %arg2: memref<32x5008xi32, #tpu.memory_space<hbm>>, %arg3: memref<1x10240xf32, #tpu.memory_space<hbm>>, %arg4: memref<10240xf32, #tpu.memory_space<hbm>>, %arg5: memref<10240xf32, #tpu.memory_space<hbm>>, %arg6: memref<5008xi32, #tpu.memory_space<vmem>>, %arg7: memref<1x10240xf32, #tpu.memory_space<vmem>>, %arg8: memref<16x1x640xf32, #tpu.memory_space<vmem>>, %arg9: memref<640xf32, #tpu.memory_space<vmem>>, %arg10: memref<16x1x10240xf32, #tpu.memory_space<vmem_shared>>) attributes {dimension_semantics = [#tpu.dimension_semantics<core_parallel>, #tpu.dimension_semantics<subcore_parallel>], iteration_bounds = array<i64: 2, 16>, scalar_prefetch = 0 : i64, scratch_operands = 5 : i64, tpu.core_type = #tpu.core_type<sc_vector_subcore>, window_params = [{transform_indices = #map}, {transform_indices = #map}, {transform_indices = #map1}, {transform_indices = #map1}]} {
    %mul3A = arith.constant 16 : i32
    %mul3A_0 = arith.muli %arg0, %mul3A : i32
    %add3A = arith.addi %mul3A_0, %arg1 : i32
    %mul3A_1 = arith.constant 640 : i32
    %mul3A_2 = arith.muli %arg1, %mul3A_1 : i32
    "tpu.region"() ({
      %run_scoped3A = tpu.sem_alloc : memref<!tpu.dma_semaphore, #tpu.memory_space<semaphore_mem>>
      tpu.enqueue_dma source(%arg3 : memref<1x10240xf32, #tpu.memory_space<hbm>>) target(%arg7 : memref<1x10240xf32, #tpu.memory_space<vmem>>) target_semaphore(%run_scoped3A : memref<!tpu.dma_semaphore, #tpu.memory_space<semaphore_mem>>)
      tpu.wait_dma2 semaphore(%run_scoped3A : memref<!tpu.dma_semaphore, #tpu.memory_space<semaphore_mem>>) src(%arg3 : memref<1x10240xf32, #tpu.memory_space<hbm>>) dst(%arg7 : memref<1x10240xf32, #tpu.memory_space<vmem>>)
      tpu.yield
    }) : () -> ()
    "tpu.region"() ({
      %run_scoped3A = tpu.sem_alloc : memref<!tpu.dma_semaphore, #tpu.memory_space<semaphore_mem>>
      %dma_start3A = arith.constant 0 : i32
      %dma_start3A_24 = tpu.memref_slice %arg2[%add3A, %dma_start3A] : memref<32x5008xi32, #tpu.memory_space<hbm>> -> memref<1x5008xi32, #tpu.memory_space<hbm>>
      %dma_start3A_25 = tpu.memref_squeeze %dma_start3A_24 : memref<1x5008xi32, #tpu.memory_space<hbm>> -> memref<5008xi32, #tpu.memory_space<hbm>>
      %dma_start3A_26 = arith.constant 0 : i32
      %dma_start3A_27 = tpu.memref_slice %arg2[%add3A, %dma_start3A_26] : memref<32x5008xi32, #tpu.memory_space<hbm>> -> memref<1x5008xi32, #tpu.memory_space<hbm>>
      %dma_start3A_28 = tpu.memref_squeeze %dma_start3A_27 : memref<1x5008xi32, #tpu.memory_space<hbm>> -> memref<5008xi32, #tpu.memory_space<hbm>>
      tpu.enqueue_dma source(%dma_start3A_28 : memref<5008xi32, #tpu.memory_space<hbm>>) target(%arg6 : memref<5008xi32, #tpu.memory_space<vmem>>) target_semaphore(%run_scoped3A : memref<!tpu.dma_semaphore, #tpu.memory_space<semaphore_mem>>)
      %dma_wait3A = arith.constant 0 : i32
      %dma_wait3A_29 = tpu.memref_slice %arg2[%add3A, %dma_wait3A] : memref<32x5008xi32, #tpu.memory_space<hbm>> -> memref<1x5008xi32, #tpu.memory_space<hbm>>
      %dma_wait3A_30 = tpu.memref_squeeze %dma_wait3A_29 : memref<1x5008xi32, #tpu.memory_space<hbm>> -> memref<5008xi32, #tpu.memory_space<hbm>>
      %dma_wait3A_31 = arith.constant 0 : i32
      %dma_wait3A_32 = tpu.memref_slice %arg2[%add3A, %dma_wait3A_31] : memref<32x5008xi32, #tpu.memory_space<hbm>> -> memref<1x5008xi32, #tpu.memory_space<hbm>>
      %dma_wait3A_33 = tpu.memref_squeeze %dma_wait3A_32 : memref<1x5008xi32, #tpu.memory_space<hbm>> -> memref<5008xi32, #tpu.memory_space<hbm>>
      tpu.wait_dma2 semaphore(%run_scoped3A : memref<!tpu.dma_semaphore, #tpu.memory_space<semaphore_mem>>) src(%dma_wait3A_33 : memref<5008xi32, #tpu.memory_space<hbm>>) dst(%arg6 : memref<5008xi32, #tpu.memory_space<vmem>>)
      tpu.yield
    }) : () -> ()
    %broadcast_in_dim3A = arith.constant 1.000000e+00 : f32
    %broadcast_in_dim3A_3 = vector.broadcast %broadcast_in_dim3A : f32 to vector<16xf32>
    %broadcast_in_dim3A_4 = arith.constant 0 : i32
    %broadcast_in_dim3A_5 = vector.broadcast %broadcast_in_dim3A_4 : i32 to vector<16xi32>
    %scan3A = arith.constant 0 : i32
    %scan3A_6 = arith.constant 0 : i32
    %scan3A_7 = arith.constant 313 : i32
    %scan3A_8 = arith.addi %scan3A_6, %scan3A_7 : i32
    %scan3A_9 = arith.constant 1 : i32
    scf.for %scan3A_24 = %scan3A_6 to %scan3A_8 step %scan3A_9  : i32 {
      %mul3A_25 = arith.constant 16 : i32
      %mul3A_26 = arith.muli %scan3A_24, %mul3A_25 : i32
      %get3A = arith.index_cast %mul3A_26 : i32 to index
      %get3A_27 = tpu.vector_load %arg6[%get3A] {strides = array<i32>} : memref<5008xi32, #tpu.memory_space<vmem>>, vector<16xi32>,
      tpu.vector_store_idx %arg7[%broadcast_in_dim3A_5, %get3A_27], %broadcast_in_dim3A_3 {add = true} : memref<1x10240xf32, #tpu.memory_space<vmem>>[vector<16xi32>, vector<16xi32>], vector<16xf32>,
    }
    %scan3A_10 = arith.constant 313 : i32
    "tpu.region"() ({
      %run_scoped3A = tpu.sem_alloc : memref<!tpu.dma_semaphore, #tpu.memory_space<semaphore_mem>>
      %dma_start3A = arith.constant 0 : i32
      %dma_start3A_24 = arith.constant 0 : i32
      %dma_start3A_25 = tpu.memref_slice %arg10[%arg1, %dma_start3A, %dma_start3A_24] : memref<16x1x10240xf32, #tpu.memory_space<vmem_shared>> -> memref<1x1x10240xf32, #tpu.memory_space<vmem_shared>>
      %dma_start3A_26 = tpu.memref_squeeze %dma_start3A_25 : memref<1x1x10240xf32, #tpu.memory_space<vmem_shared>> -> memref<1x10240xf32, #tpu.memory_space<vmem_shared>>
      %dma_start3A_27 = arith.constant 0 : i32
      %dma_start3A_28 = arith.constant 0 : i32
      %dma_start3A_29 = tpu.memref_slice %arg10[%arg1, %dma_start3A_27, %dma_start3A_28] : memref<16x1x10240xf32, #tpu.memory_space<vmem_shared>> -> memref<1x1x10240xf32, #tpu.memory_space<vmem_shared>>
      %dma_start3A_30 = tpu.memref_squeeze %dma_start3A_29 : memref<1x1x10240xf32, #tpu.memory_space<vmem_shared>> -> memref<1x10240xf32, #tpu.memory_space<vmem_shared>>
      tpu.enqueue_dma source(%arg7 : memref<1x10240xf32, #tpu.memory_space<vmem>>) target(%dma_start3A_30 : memref<1x10240xf32, #tpu.memory_space<vmem_shared>>) target_semaphore(%run_scoped3A : memref<!tpu.dma_semaphore, #tpu.memory_space<semaphore_mem>>)
      %dma_wait3A = arith.constant 0 : i32
      %dma_wait3A_31 = arith.constant 0 : i32
      %dma_wait3A_32 = tpu.memref_slice %arg10[%arg1, %dma_wait3A, %dma_wait3A_31] : memref<16x1x10240xf32, #tpu.memory_space<vmem_shared>> -> memref<1x1x10240xf32, #tpu.memory_space<vmem_shared>>
      %dma_wait3A_33 = tpu.memref_squeeze %dma_wait3A_32 : memref<1x1x10240xf32, #tpu.memory_space<vmem_shared>> -> memref<1x10240xf32, #tpu.memory_space<vmem_shared>>
      %dma_wait3A_34 = arith.constant 0 : i32
      %dma_wait3A_35 = arith.constant 0 : i32
      %dma_wait3A_36 = tpu.memref_slice %arg10[%arg1, %dma_wait3A_34, %dma_wait3A_35] : memref<16x1x10240xf32, #tpu.memory_space<vmem_shared>> -> memref<1x1x10240xf32, #tpu.memory_space<vmem_shared>>
      %dma_wait3A_37 = tpu.memref_squeeze %dma_wait3A_36 : memref<1x1x10240xf32, #tpu.memory_space<vmem_shared>> -> memref<1x10240xf32, #tpu.memory_space<vmem_shared>>
      tpu.wait_dma2 semaphore(%run_scoped3A : memref<!tpu.dma_semaphore, #tpu.memory_space<semaphore_mem>>) src(%arg7 : memref<1x10240xf32, #tpu.memory_space<vmem>>) dst(%dma_wait3A_37 : memref<1x10240xf32, #tpu.memory_space<vmem_shared>>)
      tpu.yield
    }) : () -> ()
    %barrier3A = arith.constant 0 : index
    tpu.barrier barrier_id(%barrier3A)
    "tpu.region"() ({
      %run_scoped3A = tpu.sem_alloc : memref<!tpu.dma_semaphore, #tpu.memory_space<semaphore_mem>>
      %dma_start3A = arith.constant 0 : i32
      %dma_start3A_24 = arith.constant 0 : i32
      %dma_start3A_25 = tpu.memref_slice %arg10[%dma_start3A, %dma_start3A_24, %mul3A_2] : memref<16x1x10240xf32, #tpu.memory_space<vmem_shared>> -> memref<16x1x640xf32, #tpu.memory_space<vmem_shared>>
      %dma_start3A_26 = arith.constant 0 : i32
      %dma_start3A_27 = arith.constant 0 : i32
      %dma_start3A_28 = tpu.memref_slice %arg10[%dma_start3A_26, %dma_start3A_27, %mul3A_2] : memref<16x1x10240xf32, #tpu.memory_space<vmem_shared>> -> memref<16x1x640xf32, #tpu.memory_space<vmem_shared>>
      tpu.enqueue_dma source(%dma_start3A_28 : memref<16x1x640xf32, #tpu.memory_space<vmem_shared>>) target(%arg8 : memref<16x1x640xf32, #tpu.memory_space<vmem>>) target_semaphore(%run_scoped3A : memref<!tpu.dma_semaphore, #tpu.memory_space<semaphore_mem>>)
      %dma_wait3A = arith.constant 0 : i32
      %dma_wait3A_29 = arith.constant 0 : i32
      %dma_wait3A_30 = tpu.memref_slice %arg10[%dma_wait3A, %dma_wait3A_29, %mul3A_2] : memref<16x1x10240xf32, #tpu.memory_space<vmem_shared>> -> memref<16x1x640xf32, #tpu.memory_space<vmem_shared>>
      %dma_wait3A_31 = arith.constant 0 : i32
      %dma_wait3A_32 = arith.constant 0 : i32
      %dma_wait3A_33 = tpu.memref_slice %arg10[%dma_wait3A_31, %dma_wait3A_32, %mul3A_2] : memref<16x1x10240xf32, #tpu.memory_space<vmem_shared>> -> memref<16x1x640xf32, #tpu.memory_space<vmem_shared>>
      tpu.wait_dma2 semaphore(%run_scoped3A : memref<!tpu.dma_semaphore, #tpu.memory_space<semaphore_mem>>) src(%dma_wait3A_33 : memref<16x1x640xf32, #tpu.memory_space<vmem_shared>>) dst(%arg8 : memref<16x1x640xf32, #tpu.memory_space<vmem>>)
      tpu.yield
    }) : () -> ()
    %scan3A_11 = arith.constant 0 : i32
    %scan3A_12 = arith.constant 0 : i32
    %scan3A_13 = arith.constant 40 : i32
    %scan3A_14 = arith.addi %scan3A_12, %scan3A_13 : i32
    %scan3A_15 = arith.constant 1 : i32
    scf.for %scan3A_24 = %scan3A_12 to %scan3A_14 step %scan3A_15  : i32 {
      %mul3A_25 = arith.constant 16 : i32
      %mul3A_26 = arith.muli %scan3A_24, %mul3A_25 : i32
      %get3A = arith.constant 0 : i32
      %get3A_27 = arith.constant 0 : i32
      %get3A_28 = arith.index_cast %get3A : i32 to index
      %get3A_29 = arith.index_cast %get3A_27 : i32 to index
      %get3A_30 = arith.index_cast %mul3A_26 : i32 to index
      %get3A_31 = tpu.vector_load %arg8[%get3A_28, %get3A_29, %get3A_30] {strides = array<i32>} : memref<16x1x640xf32, #tpu.memory_space<vmem>>, vector<16xf32>,
      %get3A_32 = arith.constant 1 : i32
      %get3A_33 = arith.constant 0 : i32
      %get3A_34 = arith.index_cast %get3A_32 : i32 to index
      %get3A_35 = arith.index_cast %get3A_33 : i32 to index
      %get3A_36 = arith.index_cast %mul3A_26 : i32 to index
      %get3A_37 = tpu.vector_load %arg8[%get3A_34, %get3A_35, %get3A_36] {strides = array<i32>} : memref<16x1x640xf32, #tpu.memory_space<vmem>>, vector<16xf32>,
      %add3A_38 = arith.addf %get3A_31, %get3A_37 : vector<16xf32>
      %get3A_39 = arith.constant 2 : i32
      %get3A_40 = arith.constant 0 : i32
      %get3A_41 = arith.index_cast %get3A_39 : i32 to index
      %get3A_42 = arith.index_cast %get3A_40 : i32 to index
      %get3A_43 = arith.index_cast %mul3A_26 : i32 to index
      %get3A_44 = tpu.vector_load %arg8[%get3A_41, %get3A_42, %get3A_43] {strides = array<i32>} : memref<16x1x640xf32, #tpu.memory_space<vmem>>, vector<16xf32>,
      %add3A_45 = arith.addf %add3A_38, %get3A_44 : vector<16xf32>
      %get3A_46 = arith.constant 3 : i32
      %get3A_47 = arith.constant 0 : i32
      %get3A_48 = arith.index_cast %get3A_46 : i32 to index
      %get3A_49 = arith.index_cast %get3A_47 : i32 to index
      %get3A_50 = arith.index_cast %mul3A_26 : i32 to index
      %get3A_51 = tpu.vector_load %arg8[%get3A_48, %get3A_49, %get3A_50] {strides = array<i32>} : memref<16x1x640xf32, #tpu.memory_space<vmem>>, vector<16xf32>,
      %add3A_52 = arith.addf %add3A_45, %get3A_51 : vector<16xf32>
      %get3A_53 = arith.constant 4 : i32
      %get3A_54 = arith.constant 0 : i32
      %get3A_55 = arith.index_cast %get3A_53 : i32 to index
      %get3A_56 = arith.index_cast %get3A_54 : i32 to index
      %get3A_57 = arith.index_cast %mul3A_26 : i32 to index
      %get3A_58 = tpu.vector_load %arg8[%get3A_55, %get3A_56, %get3A_57] {strides = array<i32>} : memref<16x1x640xf32, #tpu.memory_space<vmem>>, vector<16xf32>,
      %add3A_59 = arith.addf %add3A_52, %get3A_58 : vector<16xf32>
      %get3A_60 = arith.constant 5 : i32
      %get3A_61 = arith.constant 0 : i32
      %get3A_62 = arith.index_cast %get3A_60 : i32 to index
      %get3A_63 = arith.index_cast %get3A_61 : i32 to index
      %get3A_64 = arith.index_cast %mul3A_26 : i32 to index
      %get3A_65 = tpu.vector_load %arg8[%get3A_62, %get3A_63, %get3A_64] {strides = array<i32>} : memref<16x1x640xf32, #tpu.memory_space<vmem>>, vector<16xf32>,
      %add3A_66 = arith.addf %add3A_59, %get3A_65 : vector<16xf32>
      %get3A_67 = arith.constant 6 : i32
      %get3A_68 = arith.constant 0 : i32
      %get3A_69 = arith.index_cast %get3A_67 : i32 to index
      %get3A_70 = arith.index_cast %get3A_68 : i32 to index
      %get3A_71 = arith.index_cast %mul3A_26 : i32 to index
      %get3A_72 = tpu.vector_load %arg8[%get3A_69, %get3A_70, %get3A_71] {strides = array<i32>} : memref<16x1x640xf32, #tpu.memory_space<vmem>>, vector<16xf32>,
      %add3A_73 = arith.addf %add3A_66, %get3A_72 : vector<16xf32>
      %get3A_74 = arith.constant 7 : i32
      %get3A_75 = arith.constant 0 : i32
      %get3A_76 = arith.index_cast %get3A_74 : i32 to index
      %get3A_77 = arith.index_cast %get3A_75 : i32 to index
      %get3A_78 = arith.index_cast %mul3A_26 : i32 to index
      %get3A_79 = tpu.vector_load %arg8[%get3A_76, %get3A_77, %get3A_78] {strides = array<i32>} : memref<16x1x640xf32, #tpu.memory_space<vmem>>, vector<16xf32>,
      %add3A_80 = arith.addf %add3A_73, %get3A_79 : vector<16xf32>
      %get3A_81 = arith.constant 8 : i32
      %get3A_82 = arith.constant 0 : i32
      %get3A_83 = arith.index_cast %get3A_81 : i32 to index
      %get3A_84 = arith.index_cast %get3A_82 : i32 to index
      %get3A_85 = arith.index_cast %mul3A_26 : i32 to index
      %get3A_86 = tpu.vector_load %arg8[%get3A_83, %get3A_84, %get3A_85] {strides = array<i32>} : memref<16x1x640xf32, #tpu.memory_space<vmem>>, vector<16xf32>,
      %add3A_87 = arith.addf %add3A_80, %get3A_86 : vector<16xf32>
      %get3A_88 = arith.constant 9 : i32
      %get3A_89 = arith.constant 0 : i32
      %get3A_90 = arith.index_cast %get3A_88 : i32 to index
      %get3A_91 = arith.index_cast %get3A_89 : i32 to index
      %get3A_92 = arith.index_cast %mul3A_26 : i32 to index
      %get3A_93 = tpu.vector_load %arg8[%get3A_90, %get3A_91, %get3A_92] {strides = array<i32>} : memref<16x1x640xf32, #tpu.memory_space<vmem>>, vector<16xf32>,
      %add3A_94 = arith.addf %add3A_87, %get3A_93 : vector<16xf32>
      %get3A_95 = arith.constant 10 : i32
      %get3A_96 = arith.constant 0 : i32
      %get3A_97 = arith.index_cast %get3A_95 : i32 to index
      %get3A_98 = arith.index_cast %get3A_96 : i32 to index
      %get3A_99 = arith.index_cast %mul3A_26 : i32 to index
      %get3A_100 = tpu.vector_load %arg8[%get3A_97, %get3A_98, %get3A_99] {strides = array<i32>} : memref<16x1x640xf32, #tpu.memory_space<vmem>>, vector<16xf32>,
      %add3A_101 = arith.addf %add3A_94, %get3A_100 : vector<16xf32>
      %get3A_102 = arith.constant 11 : i32
      %get3A_103 = arith.constant 0 : i32
      %get3A_104 = arith.index_cast %get3A_102 : i32 to index
      %get3A_105 = arith.index_cast %get3A_103 : i32 to index
      %get3A_106 = arith.index_cast %mul3A_26 : i32 to index
      %get3A_107 = tpu.vector_load %arg8[%get3A_104, %get3A_105, %get3A_106] {strides = array<i32>} : memref<16x1x640xf32, #tpu.memory_space<vmem>>, vector<16xf32>,
      %add3A_108 = arith.addf %add3A_101, %get3A_107 : vector<16xf32>
      %get3A_109 = arith.constant 12 : i32
      %get3A_110 = arith.constant 0 : i32
      %get3A_111 = arith.index_cast %get3A_109 : i32 to index
      %get3A_112 = arith.index_cast %get3A_110 : i32 to index
      %get3A_113 = arith.index_cast %mul3A_26 : i32 to index
      %get3A_114 = tpu.vector_load %arg8[%get3A_111, %get3A_112, %get3A_113] {strides = array<i32>} : memref<16x1x640xf32, #tpu.memory_space<vmem>>, vector<16xf32>,
      %add3A_115 = arith.addf %add3A_108, %get3A_114 : vector<16xf32>
      %get3A_116 = arith.constant 13 : i32
      %get3A_117 = arith.constant 0 : i32
      %get3A_118 = arith.index_cast %get3A_116 : i32 to index
      %get3A_119 = arith.index_cast %get3A_117 : i32 to index
      %get3A_120 = arith.index_cast %mul3A_26 : i32 to index
      %get3A_121 = tpu.vector_load %arg8[%get3A_118, %get3A_119, %get3A_120] {strides = array<i32>} : memref<16x1x640xf32, #tpu.memory_space<vmem>>, vector<16xf32>,
      %add3A_122 = arith.addf %add3A_115, %get3A_121 : vector<16xf32>
      %get3A_123 = arith.constant 14 : i32
      %get3A_124 = arith.constant 0 : i32
      %get3A_125 = arith.index_cast %get3A_123 : i32 to index
      %get3A_126 = arith.index_cast %get3A_124 : i32 to index
      %get3A_127 = arith.index_cast %mul3A_26 : i32 to index
      %get3A_128 = tpu.vector_load %arg8[%get3A_125, %get3A_126, %get3A_127] {strides = array<i32>} : memref<16x1x640xf32, #tpu.memory_space<vmem>>, vector<16xf32>,
      %add3A_129 = arith.addf %add3A_122, %get3A_128 : vector<16xf32>
      %get3A_130 = arith.constant 15 : i32
      %get3A_131 = arith.constant 0 : i32
      %get3A_132 = arith.index_cast %get3A_130 : i32 to index
      %get3A_133 = arith.index_cast %get3A_131 : i32 to index
      %get3A_134 = arith.index_cast %mul3A_26 : i32 to index
      %get3A_135 = tpu.vector_load %arg8[%get3A_132, %get3A_133, %get3A_134] {strides = array<i32>} : memref<16x1x640xf32, #tpu.memory_space<vmem>>, vector<16xf32>,
      %add3A_136 = arith.addf %add3A_129, %get3A_135 : vector<16xf32>
      %swap3A = arith.index_cast %mul3A_26 : i32 to index
      %swap3A_137 = tpu.vector_load %arg9[%swap3A] {strides = array<i32>} : memref<640xf32, #tpu.memory_space<vmem>>, vector<16xf32>,
      tpu.vector_store %arg9[%swap3A], %add3A_136 {strides = array<i32>} : memref<640xf32, #tpu.memory_space<vmem>>, vector<16xf32>,
    }
    %scan3A_16 = arith.constant 40 : i32
    %eq3A = arith.constant 0 : i32
    %eq3A_17 = arith.cmpi eq, %arg0, %eq3A : i32
    %convert_element_type3A = arith.extui %eq3A_17 : i1 to i32
    %cond3A = arith.constant 0 : i32
    %cond3A_18 = arith.cmpi ne, %convert_element_type3A, %cond3A : i32
    scf.if %cond3A_18 {
      "tpu.region"() ({
        %run_scoped3A = tpu.sem_alloc : memref<!tpu.dma_semaphore, #tpu.memory_space<semaphore_mem>>
        %dma_start3A = tpu.memref_slice %arg4[%mul3A_2] : memref<10240xf32, #tpu.memory_space<hbm>> -> memref<640xf32, #tpu.memory_space<hbm>>
        %dma_start3A_24 = tpu.memref_slice %arg4[%mul3A_2] : memref<10240xf32, #tpu.memory_space<hbm>> -> memref<640xf32, #tpu.memory_space<hbm>>
        tpu.enqueue_dma source(%arg9 : memref<640xf32, #tpu.memory_space<vmem>>) target(%dma_start3A_24 : memref<640xf32, #tpu.memory_space<hbm>>) target_semaphore(%run_scoped3A : memref<!tpu.dma_semaphore, #tpu.memory_space<semaphore_mem>>)
        %dma_wait3A = tpu.memref_slice %arg4[%mul3A_2] : memref<10240xf32, #tpu.memory_space<hbm>> -> memref<640xf32, #tpu.memory_space<hbm>>
        %dma_wait3A_25 = tpu.memref_slice %arg4[%mul3A_2] : memref<10240xf32, #tpu.memory_space<hbm>> -> memref<640xf32, #tpu.memory_space<hbm>>
        tpu.wait_dma2 semaphore(%run_scoped3A : memref<!tpu.dma_semaphore, #tpu.memory_space<semaphore_mem>>) src(%arg9 : memref<640xf32, #tpu.memory_space<vmem>>) dst(%dma_wait3A_25 : memref<640xf32, #tpu.memory_space<hbm>>)
        tpu.yield
      }) : () -> ()
    } else {
    }
    %eq3A_19 = arith.constant 1 : i32
    %eq3A_20 = arith.cmpi eq, %arg0, %eq3A_19 : i32
    %convert_element_type3A_21 = arith.extui %eq3A_20 : i1 to i32
    %cond3A_22 = arith.constant 0 : i32
    %cond3A_23 = arith.cmpi ne, %convert_element_type3A_21, %cond3A_22 : i32
    scf.if %cond3A_23 {
      "tpu.region"() ({
        %run_scoped3A = tpu.sem_alloc : memref<!tpu.dma_semaphore, #tpu.memory_space<semaphore_mem>>
        %dma_start3A = tpu.memref_slice %arg5[%mul3A_2] : memref<10240xf32, #tpu.memory_space<hbm>> -> memref<640xf32, #tpu.memory_space<hbm>>
        %dma_start3A_24 = tpu.memref_slice %arg5[%mul3A_2] : memref<10240xf32, #tpu.memory_space<hbm>> -> memref<640xf32, #tpu.memory_space<hbm>>
        tpu.enqueue_dma source(%arg9 : memref<640xf32, #tpu.memory_space<vmem>>) target(%dma_start3A_24 : memref<640xf32, #tpu.memory_space<hbm>>) target_semaphore(%run_scoped3A : memref<!tpu.dma_semaphore, #tpu.memory_space<semaphore_mem>>)
        %dma_wait3A = tpu.memref_slice %arg5[%mul3A_2] : memref<10240xf32, #tpu.memory_space<hbm>> -> memref<640xf32, #tpu.memory_space<hbm>>
        %dma_wait3A_25 = tpu.memref_slice %arg5[%mul3A_2] : memref<10240xf32, #tpu.memory_space<hbm>> -> memref<640xf32, #tpu.memory_space<hbm>>
        tpu.wait_dma2 semaphore(%run_scoped3A : memref<!tpu.dma_semaphore, #tpu.memory_space<semaphore_mem>>) src(%arg9 : memref<640xf32, #tpu.memory_space<vmem>>) dst(%dma_wait3A_25 : memref<640xf32, #tpu.memory_space<hbm>>)
        tpu.yield
      }) : () -> ()
    } else {
    }
    return
  }
}

module attributes {stable_mosaic.version = 14 : i64} {
  func.func @_mm1_body(%arg0: i32, %arg1: memref<512x24xf32, #tpu.memory_space<vmem>>, %arg2: memref<512x1xf32, #tpu.memory_space<vmem>>, %arg3: memref<512x1xf32, #tpu.memory_space<vmem>>, %arg4: memref<24x384xf32, #tpu.memory_space<vmem>>, %arg5: memref<1x384xf32, #tpu.memory_space<vmem>>, %arg6: memref<512x128xf32, #tpu.memory_space<vmem>>, %arg7: memref<512x128xf32, #tpu.memory_space<vmem>>, %arg8: memref<512x128xf32, #tpu.memory_space<vmem>>) attributes {dimension_semantics = [#tpu.dimension_semantics<arbitrary>], iteration_bounds = array<i64: 20>, scalar_prefetch = 0 : i64, scratch_operands = 0 : i64, tpu.core_type = #tpu.core_type<tc>, window_params = [{transform_indices = @transform_0, window_bounds = array<i64: 512, 24>}, {transform_indices = @transform_1, window_bounds = array<i64: 512, 1>}, {transform_indices = @transform_2, window_bounds = array<i64: 512, 1>}, {pipeline_mode = #tpu.pipeline_mode<synchronous>, transform_indices = @transform_3, window_bounds = array<i64: 24, 384>}, {pipeline_mode = #tpu.pipeline_mode<synchronous>, transform_indices = @transform_4, window_bounds = array<i64: 1, 384>}, {transform_indices = @transform_5, window_bounds = array<i64: 512, 128>}, {transform_indices = @transform_6, window_bounds = array<i64: 512, 128>}, {transform_indices = @transform_7, window_bounds = array<i64: 512, 128>}]} {
    %get3A = arith.constant 0 : index
    %get3A_0 = arith.constant 0 : index
    %get3A_1 = vector.load %arg1[%get3A, %get3A_0] : memref<512x24xf32, #tpu.memory_space<vmem>>, vector<512x24xf32>
    %get3A_2 = arith.constant 0 : index
    %get3A_3 = arith.constant 0 : index
    %get3A_4 = vector.load %arg4[%get3A_2, %get3A_3] : memref<24x384xf32, #tpu.memory_space<vmem>>, vector<24x384xf32>
    %dot_general3A = arith.constant dense<0.000000e+00> : vector<512x384xf32>
    %dot_general3A_5 = tpu.matmul %get3A_1, %get3A_4, %dot_general3A {dimension_numbers = #tpu.dot_dimension_numbers<[1], [0], [0], [1], [0, 0, 1, 1], [], []>, transpose_lhs_hint = false} : vector<512x24xf32>, vector<24x384xf32>, vector<512x384xf32> -> vector<512x384xf32>
    %get3A_6 = arith.constant 0 : index
    %get3A_7 = arith.constant 0 : index
    %get3A_8 = vector.load %arg5[%get3A_6, %get3A_7] : memref<1x384xf32, #tpu.memory_space<vmem>>, vector<1x384xf32>
    %add3A = vector.broadcast %get3A_8 : vector<1x384xf32> to vector<512x384xf32>
    %add3A_9 = arith.addf %dot_general3A_5, %add3A : vector<512x384xf32>
    %max3A = arith.constant 0.000000e+00 : f32
    %max3A_10 = vector.broadcast %max3A : f32 to vector<512x384xf32>
    %max3A_11 = arith.maximumf %add3A_9, %max3A_10 : vector<512x384xf32>
    %get3A_12 = arith.constant 0 : index
    %get3A_13 = arith.constant 0 : index
    %get3A_14 = vector.load %arg2[%get3A_12, %get3A_13] : memref<512x1xf32, #tpu.memory_space<vmem>>, vector<512x1xf32>
    %get3A_15 = arith.constant 0 : index
    %get3A_16 = arith.constant 0 : index
    %get3A_17 = vector.load %arg3[%get3A_15, %get3A_16] : memref<512x1xf32, #tpu.memory_space<vmem>>, vector<512x1xf32>
    %add3A_18 = arith.addf %get3A_14, %get3A_17 : vector<512x1xf32>
    %max3A_19 = arith.constant 1.000000e+00 : f32
    %max3A_20 = vector.broadcast %max3A_19 : f32 to vector<512x1xf32>
    %max3A_21 = arith.maximumf %add3A_18, %max3A_20 : vector<512x1xf32>
    %rsqrt3A = math.rsqrt %max3A_21 : vector<512x1xf32>
    %mul3A = vector.broadcast %rsqrt3A : vector<512x1xf32> to vector<512x384xf32>
    %mul3A_22 = arith.mulf %max3A_11, %mul3A : vector<512x384xf32>
    %slice3A = vector.extract_strided_slice %mul3A_22 {offsets = [0, 0], sizes = [512, 128], strides = [1, 1]} : vector<512x384xf32> to vector<512x128xf32>
    %swap3A = arith.constant 0 : index
    %swap3A_23 = arith.constant 0 : index
    %swap3A_24 = vector.load %arg6[%swap3A, %swap3A_23] : memref<512x128xf32, #tpu.memory_space<vmem>>, vector<512x128xf32>
    tpu.vector_store %arg6[%swap3A, %swap3A_23], %slice3A {strides = array<i32>} : memref<512x128xf32, #tpu.memory_space<vmem>>, vector<512x128xf32>,
    %slice3A_25 = vector.extract_strided_slice %mul3A_22 {offsets = [0, 128], sizes = [512, 128], strides = [1, 1]} : vector<512x384xf32> to vector<512x128xf32>
    %swap3A_26 = arith.constant 0 : index
    %swap3A_27 = arith.constant 0 : index
    %swap3A_28 = vector.load %arg7[%swap3A_26, %swap3A_27] : memref<512x128xf32, #tpu.memory_space<vmem>>, vector<512x128xf32>
    tpu.vector_store %arg7[%swap3A_26, %swap3A_27], %slice3A_25 {strides = array<i32>} : memref<512x128xf32, #tpu.memory_space<vmem>>, vector<512x128xf32>,
    %slice3A_29 = vector.extract_strided_slice %mul3A_22 {offsets = [0, 256], sizes = [512, 128], strides = [1, 1]} : vector<512x384xf32> to vector<512x128xf32>
    %swap3A_30 = arith.constant 0 : index
    %swap3A_31 = arith.constant 0 : index
    %swap3A_32 = vector.load %arg8[%swap3A_30, %swap3A_31] : memref<512x128xf32, #tpu.memory_space<vmem>>, vector<512x128xf32>
    tpu.vector_store %arg8[%swap3A_30, %swap3A_31], %slice3A_29 {strides = array<i32>} : memref<512x128xf32, #tpu.memory_space<vmem>>, vector<512x128xf32>,
    return
  }
  func.func @transform_0(%arg0: i32) -> (i32, i32) {
    %c0_i32 = arith.constant 0 : i32
    %c0_i32_0 = arith.constant 0 : i32
    return %arg0, %c0_i32 : i32, i32
  }
  func.func @transform_1(%arg0: i32) -> (i32, i32) {
    %c0_i32 = arith.constant 0 : i32
    %c0_i32_0 = arith.constant 0 : i32
    return %arg0, %c0_i32 : i32, i32
  }
  func.func @transform_2(%arg0: i32) -> (i32, i32) {
    %c0_i32 = arith.constant 0 : i32
    %c0_i32_0 = arith.constant 0 : i32
    return %arg0, %c0_i32 : i32, i32
  }
  func.func @transform_3(%arg0: i32) -> (i32, i32) {
    %c0_i32 = arith.constant 0 : i32
    %c0_i32_0 = arith.constant 0 : i32
    %c0_i32_1 = arith.constant 0 : i32
    return %c0_i32, %c0_i32_0 : i32, i32
  }
  func.func @transform_4(%arg0: i32) -> (i32, i32) {
    %c0_i32 = arith.constant 0 : i32
    %c0_i32_0 = arith.constant 0 : i32
    %c0_i32_1 = arith.constant 0 : i32
    return %c0_i32, %c0_i32_0 : i32, i32
  }
  func.func @transform_5(%arg0: i32) -> (i32, i32) {
    %c0_i32 = arith.constant 0 : i32
    %c0_i32_0 = arith.constant 0 : i32
    return %arg0, %c0_i32 : i32, i32
  }
  func.func @transform_6(%arg0: i32) -> (i32, i32) {
    %c0_i32 = arith.constant 0 : i32
    %c0_i32_0 = arith.constant 0 : i32
    return %arg0, %c0_i32 : i32, i32
  }
  func.func @transform_7(%arg0: i32) -> (i32, i32) {
    %c0_i32 = arith.constant 0 : i32
    %c0_i32_0 = arith.constant 0 : i32
    return %arg0, %c0_i32 : i32, i32
  }
}

module attributes {stable_mosaic.version = 14 : i64} {
  func.func @_mm2_body(%arg0: i32, %arg1: memref<512x128xf32, #tpu.memory_space<vmem>>, %arg2: memref<512x128xf32, #tpu.memory_space<vmem>>, %arg3: memref<512x128xf32, #tpu.memory_space<vmem>>, %arg4: memref<512x128xf32, #tpu.memory_space<vmem>>, %arg5: memref<512x128xf32, #tpu.memory_space<vmem>>, %arg6: memref<512x128xf32, #tpu.memory_space<vmem>>, %arg7: memref<512x1xf32, #tpu.memory_space<vmem>>, %arg8: memref<512x1xf32, #tpu.memory_space<vmem>>, %arg9: memref<384x384xf32, #tpu.memory_space<vmem>>, %arg10: memref<1x384xf32, #tpu.memory_space<vmem>>, %arg11: memref<384x640xf32, #tpu.memory_space<vmem>>, %arg12: memref<1x640xf32, #tpu.memory_space<vmem>>, %arg13: memref<640x384xf32, #tpu.memory_space<vmem>>, %arg14: memref<1x384xf32, #tpu.memory_space<vmem>>, %arg15: memref<512x128xf32, #tpu.memory_space<vmem>>, %arg16: memref<512x128xf32, #tpu.memory_space<vmem>>, %arg17: memref<512x128xf32, #tpu.memory_space<vmem>>) attributes {dimension_semantics = [#tpu.dimension_semantics<arbitrary>], iteration_bounds = array<i64: 20>, scalar_prefetch = 0 : i64, scratch_operands = 0 : i64, tpu.core_type = #tpu.core_type<tc>, window_params = [{transform_indices = @transform_0, window_bounds = array<i64: 512, 128>}, {transform_indices = @transform_1, window_bounds = array<i64: 512, 128>}, {transform_indices = @transform_2, window_bounds = array<i64: 512, 128>}, {transform_indices = @transform_3, window_bounds = array<i64: 512, 128>}, {transform_indices = @transform_4, window_bounds = array<i64: 512, 128>}, {transform_indices = @transform_5, window_bounds = array<i64: 512, 128>}, {transform_indices = @transform_6, window_bounds = array<i64: 512, 1>}, {transform_indices = @transform_7, window_bounds = array<i64: 512, 1>}, {pipeline_mode = #tpu.pipeline_mode<synchronous>, transform_indices = @transform_8, window_bounds = array<i64: 384, 384>}, {pipeline_mode = #tpu.pipeline_mode<synchronous>, transform_indices = @transform_9, window_bounds = array<i64: 1, 384>}, {pipeline_mode = #tpu.pipeline_mode<synchronous>, transform_indices = @transform_10, window_bounds = array<i64: 384, 640>}, {pipeline_mode = #tpu.pipeline_mode<synchronous>, transform_indices = @transform_11, window_bounds = array<i64: 1, 640>}, {pipeline_mode = #tpu.pipeline_mode<synchronous>, transform_indices = @transform_12, window_bounds = array<i64: 640, 384>}, {pipeline_mode = #tpu.pipeline_mode<synchronous>, transform_indices = @transform_13, window_bounds = array<i64: 1, 384>}, {transform_indices = @transform_14, window_bounds = array<i64: 512, 128>}, {transform_indices = @transform_15, window_bounds = array<i64: 512, 128>}, {transform_indices = @transform_16, window_bounds = array<i64: 512, 128>}]} {
    %get3A = arith.constant 0 : index
    %get3A_0 = arith.constant 0 : index
    %get3A_1 = vector.load %arg7[%get3A, %get3A_0] : memref<512x1xf32, #tpu.memory_space<vmem>>, vector<512x1xf32>
    %get3A_2 = arith.constant 0 : index
    %get3A_3 = arith.constant 0 : index
    %get3A_4 = vector.load %arg8[%get3A_2, %get3A_3] : memref<512x1xf32, #tpu.memory_space<vmem>>, vector<512x1xf32>
    %add3A = arith.addf %get3A_1, %get3A_4 : vector<512x1xf32>
    %max3A = arith.constant 1.000000e+00 : f32
    %max3A_5 = vector.broadcast %max3A : f32 to vector<512x1xf32>
    %max3A_6 = arith.maximumf %add3A, %max3A_5 : vector<512x1xf32>
    %rsqrt3A = math.rsqrt %max3A_6 : vector<512x1xf32>
    %get3A_7 = arith.constant 0 : index
    %get3A_8 = arith.constant 0 : index
    %get3A_9 = vector.load %arg1[%get3A_7, %get3A_8] : memref<512x128xf32, #tpu.memory_space<vmem>>, vector<512x128xf32>
    %get3A_10 = arith.constant 0 : index
    %get3A_11 = arith.constant 0 : index
    %get3A_12 = vector.load %arg4[%get3A_10, %get3A_11] : memref<512x128xf32, #tpu.memory_space<vmem>>, vector<512x128xf32>
    %add3A_13 = arith.addf %get3A_9, %get3A_12 : vector<512x128xf32>
    %get3A_14 = arith.constant 0 : index
    %get3A_15 = arith.constant 0 : index
    %get3A_16 = vector.load %arg2[%get3A_14, %get3A_15] : memref<512x128xf32, #tpu.memory_space<vmem>>, vector<512x128xf32>
    %get3A_17 = arith.constant 0 : index
    %get3A_18 = arith.constant 0 : index
    %get3A_19 = vector.load %arg5[%get3A_17, %get3A_18] : memref<512x128xf32, #tpu.memory_space<vmem>>, vector<512x128xf32>
    %add3A_20 = arith.addf %get3A_16, %get3A_19 : vector<512x128xf32>
    %get3A_21 = arith.constant 0 : index
    %get3A_22 = arith.constant 0 : index
    %get3A_23 = vector.load %arg3[%get3A_21, %get3A_22] : memref<512x128xf32, #tpu.memory_space<vmem>>, vector<512x128xf32>
    %get3A_24 = arith.constant 0 : index
    %get3A_25 = arith.constant 0 : index
    %get3A_26 = vector.load %arg6[%get3A_24, %get3A_25] : memref<512x128xf32, #tpu.memory_space<vmem>>, vector<512x128xf32>
    %add3A_27 = arith.addf %get3A_23, %get3A_26 : vector<512x128xf32>
    %concatenate3A = tpu.concatenate %add3A_13, %add3A_20, %add3A_27 in 1 : vector<512x128xf32>, vector<512x128xf32>, vector<512x128xf32> -> vector<512x384xf32>
    %mul3A = vector.broadcast %rsqrt3A : vector<512x1xf32> to vector<512x384xf32>
    %mul3A_28 = arith.mulf %concatenate3A, %mul3A : vector<512x384xf32>
    %get3A_29 = arith.constant 0 : index
    %get3A_30 = arith.constant 0 : index
    %get3A_31 = vector.load %arg9[%get3A_29, %get3A_30] : memref<384x384xf32, #tpu.memory_space<vmem>>, vector<384x384xf32>
    %dot_general3A = arith.constant dense<0.000000e+00> : vector<512x384xf32>
    %dot_general3A_32 = tpu.matmul %mul3A_28, %get3A_31, %dot_general3A {dimension_numbers = #tpu.dot_dimension_numbers<[1], [0], [0], [1], [0, 0, 1, 1], [], []>, transpose_lhs_hint = false} : vector<512x384xf32>, vector<384x384xf32>, vector<512x384xf32> -> vector<512x384xf32>
    %get3A_33 = arith.constant 0 : index
    %get3A_34 = arith.constant 0 : index
    %get3A_35 = vector.load %arg10[%get3A_33, %get3A_34] : memref<1x384xf32, #tpu.memory_space<vmem>>, vector<1x384xf32>
    %add3A_36 = vector.broadcast %get3A_35 : vector<1x384xf32> to vector<512x384xf32>
    %add3A_37 = arith.addf %dot_general3A_32, %add3A_36 : vector<512x384xf32>
    %max3A_38 = arith.constant 0.000000e+00 : f32
    %max3A_39 = vector.broadcast %max3A_38 : f32 to vector<512x384xf32>
    %max3A_40 = arith.maximumf %add3A_37, %max3A_39 : vector<512x384xf32>
    %get3A_41 = arith.constant 0 : index
    %get3A_42 = arith.constant 0 : index
    %get3A_43 = vector.load %arg11[%get3A_41, %get3A_42] : memref<384x640xf32, #tpu.memory_space<vmem>>, vector<384x640xf32>
    %dot_general3A_44 = arith.constant dense<0.000000e+00> : vector<512x640xf32>
    %dot_general3A_45 = tpu.matmul %max3A_40, %get3A_43, %dot_general3A_44 {dimension_numbers = #tpu.dot_dimension_numbers<[1], [0], [0], [1], [0, 0, 1, 1], [], []>, transpose_lhs_hint = false} : vector<512x384xf32>, vector<384x640xf32>, vector<512x640xf32> -> vector<512x640xf32>
    %get3A_46 = arith.constant 0 : index
    %get3A_47 = arith.constant 0 : index
    %get3A_48 = vector.load %arg12[%get3A_46, %get3A_47] : memref<1x640xf32, #tpu.memory_space<vmem>>, vector<1x640xf32>
    %add3A_49 = vector.broadcast %get3A_48 : vector<1x640xf32> to vector<512x640xf32>
    %add3A_50 = arith.addf %dot_general3A_45, %add3A_49 : vector<512x640xf32>
    %gt3A = arith.constant 0.000000e+00 : f32
    %gt3A_51 = vector.broadcast %gt3A : f32 to vector<512x640xf32>
    %gt3A_52 = arith.cmpf ogt, %add3A_50, %gt3A_51 : vector<512x640xf32>
    %min3A = arith.constant 0.000000e+00 : f32
    %min3A_53 = vector.broadcast %min3A : f32 to vector<512x640xf32>
    %min3A_54 = arith.minimumf %add3A_50, %min3A_53 : vector<512x640xf32>
    %exp3A = math.exp %min3A_54 : vector<512x640xf32>
    %sub3A = arith.constant 1.000000e+00 : f32
    %sub3A_55 = vector.broadcast %sub3A : f32 to vector<512x640xf32>
    %sub3A_56 = arith.subf %exp3A, %sub3A_55 : vector<512x640xf32>
    %select_n3A = arith.select %gt3A_52, %add3A_50, %sub3A_56 : vector<512x640xi1>, vector<512x640xf32>
    %get3A_57 = arith.constant 0 : index
    %get3A_58 = arith.constant 0 : index
    %get3A_59 = vector.load %arg13[%get3A_57, %get3A_58] : memref<640x384xf32, #tpu.memory_space<vmem>>, vector<640x384xf32>
    %dot_general3A_60 = arith.constant dense<0.000000e+00> : vector<512x384xf32>
    %dot_general3A_61 = tpu.matmul %select_n3A, %get3A_59, %dot_general3A_60 {dimension_numbers = #tpu.dot_dimension_numbers<[1], [0], [0], [1], [0, 0, 1, 1], [], []>, transpose_lhs_hint = false} : vector<512x640xf32>, vector<640x384xf32>, vector<512x384xf32> -> vector<512x384xf32>
    %get3A_62 = arith.constant 0 : index
    %get3A_63 = arith.constant 0 : index
    %get3A_64 = vector.load %arg14[%get3A_62, %get3A_63] : memref<1x384xf32, #tpu.memory_space<vmem>>, vector<1x384xf32>
    %add3A_65 = vector.broadcast %get3A_64 : vector<1x384xf32> to vector<512x384xf32>
    %add3A_66 = arith.addf %dot_general3A_61, %add3A_65 : vector<512x384xf32>
    %max3A_67 = arith.constant 0.000000e+00 : f32
    %max3A_68 = vector.broadcast %max3A_67 : f32 to vector<512x384xf32>
    %max3A_69 = arith.maximumf %add3A_66, %max3A_68 : vector<512x384xf32>
    %mul3A_70 = vector.broadcast %rsqrt3A : vector<512x1xf32> to vector<512x384xf32>
    %mul3A_71 = arith.mulf %max3A_69, %mul3A_70 : vector<512x384xf32>
    %slice3A = vector.extract_strided_slice %mul3A_71 {offsets = [0, 0], sizes = [512, 128], strides = [1, 1]} : vector<512x384xf32> to vector<512x128xf32>
    %swap3A = arith.constant 0 : index
    %swap3A_72 = arith.constant 0 : index
    %swap3A_73 = vector.load %arg15[%swap3A, %swap3A_72] : memref<512x128xf32, #tpu.memory_space<vmem>>, vector<512x128xf32>
    tpu.vector_store %arg15[%swap3A, %swap3A_72], %slice3A {strides = array<i32>} : memref<512x128xf32, #tpu.memory_space<vmem>>, vector<512x128xf32>,
    %slice3A_74 = vector.extract_strided_slice %mul3A_71 {offsets = [0, 128], sizes = [512, 128], strides = [1, 1]} : vector<512x384xf32> to vector<512x128xf32>
    %swap3A_75 = arith.constant 0 : index
    %swap3A_76 = arith.constant 0 : index
    %swap3A_77 = vector.load %arg16[%swap3A_75, %swap3A_76] : memref<512x128xf32, #tpu.memory_space<vmem>>, vector<512x128xf32>
    tpu.vector_store %arg16[%swap3A_75, %swap3A_76], %slice3A_74 {strides = array<i32>} : memref<512x128xf32, #tpu.memory_space<vmem>>, vector<512x128xf32>,
    %slice3A_78 = vector.extract_strided_slice %mul3A_71 {offsets = [0, 256], sizes = [512, 128], strides = [1, 1]} : vector<512x384xf32> to vector<512x128xf32>
    %swap3A_79 = arith.constant 0 : index
    %swap3A_80 = arith.constant 0 : index
    %swap3A_81 = vector.load %arg17[%swap3A_79, %swap3A_80] : memref<512x128xf32, #tpu.memory_space<vmem>>, vector<512x128xf32>
    tpu.vector_store %arg17[%swap3A_79, %swap3A_80], %slice3A_78 {strides = array<i32>} : memref<512x128xf32, #tpu.memory_space<vmem>>, vector<512x128xf32>,
    return
  }
  func.func @transform_0(%arg0: i32) -> (i32, i32) {
    %c0_i32 = arith.constant 0 : i32
    %c0_i32_0 = arith.constant 0 : i32
    return %arg0, %c0_i32 : i32, i32
  }
  func.func @transform_1(%arg0: i32) -> (i32, i32) {
    %c0_i32 = arith.constant 0 : i32
    %c0_i32_0 = arith.constant 0 : i32
    return %arg0, %c0_i32 : i32, i32
  }
  func.func @transform_2(%arg0: i32) -> (i32, i32) {
    %c0_i32 = arith.constant 0 : i32
    %c0_i32_0 = arith.constant 0 : i32
    return %arg0, %c0_i32 : i32, i32
  }
  func.func @transform_3(%arg0: i32) -> (i32, i32) {
    %c0_i32 = arith.constant 0 : i32
    %c0_i32_0 = arith.constant 0 : i32
    return %arg0, %c0_i32 : i32, i32
  }
  func.func @transform_4(%arg0: i32) -> (i32, i32) {
    %c0_i32 = arith.constant 0 : i32
    %c0_i32_0 = arith.constant 0 : i32
    return %arg0, %c0_i32 : i32, i32
  }
  func.func @transform_5(%arg0: i32) -> (i32, i32) {
    %c0_i32 = arith.constant 0 : i32
    %c0_i32_0 = arith.constant 0 : i32
    return %arg0, %c0_i32 : i32, i32
  }
  func.func @transform_6(%arg0: i32) -> (i32, i32) {
    %c0_i32 = arith.constant 0 : i32
    %c0_i32_0 = arith.constant 0 : i32
    return %arg0, %c0_i32 : i32, i32
  }
  func.func @transform_7(%arg0: i32) -> (i32, i32) {
    %c0_i32 = arith.constant 0 : i32
    %c0_i32_0 = arith.constant 0 : i32
    return %arg0, %c0_i32 : i32, i32
  }
  func.func @transform_8(%arg0: i32) -> (i32, i32) {
    %c0_i32 = arith.constant 0 : i32
    %c0_i32_0 = arith.constant 0 : i32
    %c0_i32_1 = arith.constant 0 : i32
    return %c0_i32, %c0_i32_0 : i32, i32
  }
  func.func @transform_9(%arg0: i32) -> (i32, i32) {
    %c0_i32 = arith.constant 0 : i32
    %c0_i32_0 = arith.constant 0 : i32
    %c0_i32_1 = arith.constant 0 : i32
    return %c0_i32, %c0_i32_0 : i32, i32
  }
  func.func @transform_10(%arg0: i32) -> (i32, i32) {
    %c0_i32 = arith.constant 0 : i32
    %c0_i32_0 = arith.constant 0 : i32
    %c0_i32_1 = arith.constant 0 : i32
    return %c0_i32, %c0_i32_0 : i32, i32
  }
  func.func @transform_11(%arg0: i32) -> (i32, i32) {
    %c0_i32 = arith.constant 0 : i32
    %c0_i32_0 = arith.constant 0 : i32
    %c0_i32_1 = arith.constant 0 : i32
    return %c0_i32, %c0_i32_0 : i32, i32
  }
  func.func @transform_12(%arg0: i32) -> (i32, i32) {
    %c0_i32 = arith.constant 0 : i32
    %c0_i32_0 = arith.constant 0 : i32
    %c0_i32_1 = arith.constant 0 : i32
    return %c0_i32, %c0_i32_0 : i32, i32
  }
  func.func @transform_13(%arg0: i32) -> (i32, i32) {
    %c0_i32 = arith.constant 0 : i32
    %c0_i32_0 = arith.constant 0 : i32
    %c0_i32_1 = arith.constant 0 : i32
    return %c0_i32, %c0_i32_0 : i32, i32
  }
  func.func @transform_14(%arg0: i32) -> (i32, i32) {
    %c0_i32 = arith.constant 0 : i32
    %c0_i32_0 = arith.constant 0 : i32
    return %arg0, %c0_i32 : i32, i32
  }
  func.func @transform_15(%arg0: i32) -> (i32, i32) {
    %c0_i32 = arith.constant 0 : i32
    %c0_i32_0 = arith.constant 0 : i32
    return %arg0, %c0_i32 : i32, i32
  }
  func.func @transform_16(%arg0: i32) -> (i32, i32) {
    %c0_i32 = arith.constant 0 : i32
    %c0_i32_0 = arith.constant 0 : i32
    return %arg0, %c0_i32 : i32, i32
  }
}

module attributes {stable_mosaic.version = 14 : i64} {
  func.func @_mlp_body(%arg0: i32, %arg1: memref<80x128xf32, #tpu.memory_space<vmem>>, %arg2: memref<80x128xf32, #tpu.memory_space<vmem>>, %arg3: memref<80x128xf32, #tpu.memory_space<vmem>>, %arg4: memref<80x128xf32, #tpu.memory_space<vmem>>, %arg5: memref<80x128xf32, #tpu.memory_space<vmem>>, %arg6: memref<80x128xf32, #tpu.memory_space<vmem>>, %arg7: memref<80x1xf32, #tpu.memory_space<vmem>>, %arg8: memref<80x1xf32, #tpu.memory_space<vmem>>, %arg9: memref<384x384xf32, #tpu.memory_space<vmem>>, %arg10: memref<1x384xf32, #tpu.memory_space<vmem>>, %arg11: memref<384x512xf32, #tpu.memory_space<vmem>>, %arg12: memref<1x512xf32, #tpu.memory_space<vmem>>, %arg13: memref<80x64x512xf32, #tpu.memory_space<vmem>>, %arg14: memref<80x64xf32, #tpu.memory_space<vmem>>, %arg15: memref<80x64xf32, #tpu.memory_space<vmem>>) attributes {dimension_semantics = [#tpu.dimension_semantics<arbitrary>], iteration_bounds = array<i64: 125>, scalar_prefetch = 0 : i64, scratch_operands = 0 : i64, tpu.core_type = #tpu.core_type<tc>, window_params = [{transform_indices = @transform_0, window_bounds = array<i64: 80, 128>}, {transform_indices = @transform_1, window_bounds = array<i64: 80, 128>}, {transform_indices = @transform_2, window_bounds = array<i64: 80, 128>}, {transform_indices = @transform_3, window_bounds = array<i64: 80, 128>}, {transform_indices = @transform_4, window_bounds = array<i64: 80, 128>}, {transform_indices = @transform_5, window_bounds = array<i64: 80, 128>}, {transform_indices = @transform_6, window_bounds = array<i64: 80, 1>}, {transform_indices = @transform_7, window_bounds = array<i64: 80, 1>}, {pipeline_mode = #tpu.pipeline_mode<synchronous>, transform_indices = @transform_8, window_bounds = array<i64: 384, 384>}, {pipeline_mode = #tpu.pipeline_mode<synchronous>, transform_indices = @transform_9, window_bounds = array<i64: 1, 384>}, {pipeline_mode = #tpu.pipeline_mode<synchronous>, transform_indices = @transform_10, window_bounds = array<i64: 384, 512>}, {pipeline_mode = #tpu.pipeline_mode<synchronous>, transform_indices = @transform_11, window_bounds = array<i64: 1, 512>}, {transform_indices = @transform_12, window_bounds = array<i64: 80, 64, 512>}, {transform_indices = @transform_13, window_bounds = array<i64: 80, 64>}, {transform_indices = @transform_14, window_bounds = array<i64: 80, 64>}]} {
    %get3A = arith.constant 0 : index
    %get3A_0 = arith.constant 0 : index
    %get3A_1 = vector.load %arg7[%get3A, %get3A_0] : memref<80x1xf32, #tpu.memory_space<vmem>>, vector<80x1xf32>
    %get3A_2 = arith.constant 0 : index
    %get3A_3 = arith.constant 0 : index
    %get3A_4 = vector.load %arg8[%get3A_2, %get3A_3] : memref<80x1xf32, #tpu.memory_space<vmem>>, vector<80x1xf32>
    %add3A = arith.addf %get3A_1, %get3A_4 : vector<80x1xf32>
    %max3A = arith.constant 1.000000e+00 : f32
    %max3A_5 = vector.broadcast %max3A : f32 to vector<80x1xf32>
    %max3A_6 = arith.maximumf %add3A, %max3A_5 : vector<80x1xf32>
    %rsqrt3A = math.rsqrt %max3A_6 : vector<80x1xf32>
    %get3A_7 = arith.constant 0 : index
    %get3A_8 = arith.constant 0 : index
    %get3A_9 = vector.load %arg1[%get3A_7, %get3A_8] : memref<80x128xf32, #tpu.memory_space<vmem>>, vector<80x128xf32>
    %get3A_10 = arith.constant 0 : index
    %get3A_11 = arith.constant 0 : index
    %get3A_12 = vector.load %arg4[%get3A_10, %get3A_11] : memref<80x128xf32, #tpu.memory_space<vmem>>, vector<80x128xf32>
    %add3A_13 = arith.addf %get3A_9, %get3A_12 : vector<80x128xf32>
    %get3A_14 = arith.constant 0 : index
    %get3A_15 = arith.constant 0 : index
    %get3A_16 = vector.load %arg2[%get3A_14, %get3A_15] : memref<80x128xf32, #tpu.memory_space<vmem>>, vector<80x128xf32>
    %get3A_17 = arith.constant 0 : index
    %get3A_18 = arith.constant 0 : index
    %get3A_19 = vector.load %arg5[%get3A_17, %get3A_18] : memref<80x128xf32, #tpu.memory_space<vmem>>, vector<80x128xf32>
    %add3A_20 = arith.addf %get3A_16, %get3A_19 : vector<80x128xf32>
    %get3A_21 = arith.constant 0 : index
    %get3A_22 = arith.constant 0 : index
    %get3A_23 = vector.load %arg3[%get3A_21, %get3A_22] : memref<80x128xf32, #tpu.memory_space<vmem>>, vector<80x128xf32>
    %get3A_24 = arith.constant 0 : index
    %get3A_25 = arith.constant 0 : index
    %get3A_26 = vector.load %arg6[%get3A_24, %get3A_25] : memref<80x128xf32, #tpu.memory_space<vmem>>, vector<80x128xf32>
    %add3A_27 = arith.addf %get3A_23, %get3A_26 : vector<80x128xf32>
    %concatenate3A = tpu.concatenate %add3A_13, %add3A_20, %add3A_27 in 1 : vector<80x128xf32>, vector<80x128xf32>, vector<80x128xf32> -> vector<80x384xf32>
    %mul3A = vector.broadcast %rsqrt3A : vector<80x1xf32> to vector<80x384xf32>
    %mul3A_28 = arith.mulf %concatenate3A, %mul3A : vector<80x384xf32>
    %get3A_29 = arith.constant 0 : index
    %get3A_30 = arith.constant 0 : index
    %get3A_31 = vector.load %arg9[%get3A_29, %get3A_30] : memref<384x384xf32, #tpu.memory_space<vmem>>, vector<384x384xf32>
    %dot_general3A = arith.constant dense<0.000000e+00> : vector<80x384xf32>
    %dot_general3A_32 = tpu.matmul %mul3A_28, %get3A_31, %dot_general3A {dimension_numbers = #tpu.dot_dimension_numbers<[1], [0], [0], [1], [0, 0, 1, 1], [], []>, transpose_lhs_hint = false} : vector<80x384xf32>, vector<384x384xf32>, vector<80x384xf32> -> vector<80x384xf32>
    %get3A_33 = arith.constant 0 : index
    %get3A_34 = arith.constant 0 : index
    %get3A_35 = vector.load %arg10[%get3A_33, %get3A_34] : memref<1x384xf32, #tpu.memory_space<vmem>>, vector<1x384xf32>
    %add3A_36 = vector.broadcast %get3A_35 : vector<1x384xf32> to vector<80x384xf32>
    %add3A_37 = arith.addf %dot_general3A_32, %add3A_36 : vector<80x384xf32>
    %max3A_38 = arith.constant 0.000000e+00 : f32
    %max3A_39 = vector.broadcast %max3A_38 : f32 to vector<80x384xf32>
    %max3A_40 = arith.maximumf %add3A_37, %max3A_39 : vector<80x384xf32>
    %get3A_41 = arith.constant 0 : index
    %get3A_42 = arith.constant 0 : index
    %get3A_43 = vector.load %arg11[%get3A_41, %get3A_42] : memref<384x512xf32, #tpu.memory_space<vmem>>, vector<384x512xf32>
    %dot_general3A_44 = arith.constant dense<0.000000e+00> : vector<80x512xf32>
    %dot_general3A_45 = tpu.matmul %max3A_40, %get3A_43, %dot_general3A_44 {dimension_numbers = #tpu.dot_dimension_numbers<[1], [0], [0], [1], [0, 0, 1, 1], [], []>, transpose_lhs_hint = false} : vector<80x384xf32>, vector<384x512xf32>, vector<80x512xf32> -> vector<80x512xf32>
    %get3A_46 = arith.constant 0 : index
    %get3A_47 = arith.constant 0 : index
    %get3A_48 = vector.load %arg12[%get3A_46, %get3A_47] : memref<1x512xf32, #tpu.memory_space<vmem>>, vector<1x512xf32>
    %add3A_49 = vector.broadcast %get3A_48 : vector<1x512xf32> to vector<80x512xf32>
    %add3A_50 = arith.addf %dot_general3A_45, %add3A_49 : vector<80x512xf32>
    %get3A_51 = arith.constant 0 : index
    %get3A_52 = arith.constant 0 : index
    %get3A_53 = arith.constant 0 : index
    %get3A_54 = vector.load %arg13[%get3A_51, %get3A_52, %get3A_53] : memref<80x64x512xf32, #tpu.memory_space<vmem>>, vector<80x64x512xf32>
    %dot_general3A_55 = arith.constant dense<0.000000e+00> : vector<80x64xf32>
    %dot_general3A_56 = tpu.matmul %add3A_50, %get3A_54, %dot_general3A_55 {dimension_numbers = #tpu.dot_dimension_numbers<[1], [2], [], [1], [0, 0, 1, 1], [0], [0]>, transpose_lhs_hint = false} : vector<80x512xf32>, vector<80x64x512xf32>, vector<80x64xf32> -> vector<80x64xf32>
    %get3A_57 = arith.constant 0 : index
    %get3A_58 = arith.constant 0 : index
    %get3A_59 = vector.load %arg14[%get3A_57, %get3A_58] : memref<80x64xf32, #tpu.memory_space<vmem>>, vector<80x64xf32>
    %add3A_60 = arith.addf %dot_general3A_56, %get3A_59 : vector<80x64xf32>
    %max3A_61 = arith.constant 0.000000e+00 : f32
    %max3A_62 = vector.broadcast %max3A_61 : f32 to vector<80x64xf32>
    %max3A_63 = arith.maximumf %add3A_60, %max3A_62 : vector<80x64xf32>
    %swap3A = arith.constant 0 : index
    %swap3A_64 = arith.constant 0 : index
    %swap3A_65 = vector.load %arg15[%swap3A, %swap3A_64] : memref<80x64xf32, #tpu.memory_space<vmem>>, vector<80x64xf32>
    tpu.vector_store %arg15[%swap3A, %swap3A_64], %max3A_63 {strides = array<i32>} : memref<80x64xf32, #tpu.memory_space<vmem>>, vector<80x64xf32>,
    return
  }
  func.func @transform_0(%arg0: i32) -> (i32, i32) {
    %c0_i32 = arith.constant 0 : i32
    %c0_i32_0 = arith.constant 0 : i32
    return %arg0, %c0_i32 : i32, i32
  }
  func.func @transform_1(%arg0: i32) -> (i32, i32) {
    %c0_i32 = arith.constant 0 : i32
    %c0_i32_0 = arith.constant 0 : i32
    return %arg0, %c0_i32 : i32, i32
  }
  func.func @transform_2(%arg0: i32) -> (i32, i32) {
    %c0_i32 = arith.constant 0 : i32
    %c0_i32_0 = arith.constant 0 : i32
    return %arg0, %c0_i32 : i32, i32
  }
  func.func @transform_3(%arg0: i32) -> (i32, i32) {
    %c0_i32 = arith.constant 0 : i32
    %c0_i32_0 = arith.constant 0 : i32
    return %arg0, %c0_i32 : i32, i32
  }
  func.func @transform_4(%arg0: i32) -> (i32, i32) {
    %c0_i32 = arith.constant 0 : i32
    %c0_i32_0 = arith.constant 0 : i32
    return %arg0, %c0_i32 : i32, i32
  }
  func.func @transform_5(%arg0: i32) -> (i32, i32) {
    %c0_i32 = arith.constant 0 : i32
    %c0_i32_0 = arith.constant 0 : i32
    return %arg0, %c0_i32 : i32, i32
  }
  func.func @transform_6(%arg0: i32) -> (i32, i32) {
    %c0_i32 = arith.constant 0 : i32
    %c0_i32_0 = arith.constant 0 : i32
    return %arg0, %c0_i32 : i32, i32
  }
  func.func @transform_7(%arg0: i32) -> (i32, i32) {
    %c0_i32 = arith.constant 0 : i32
    %c0_i32_0 = arith.constant 0 : i32
    return %arg0, %c0_i32 : i32, i32
  }
  func.func @transform_8(%arg0: i32) -> (i32, i32) {
    %c0_i32 = arith.constant 0 : i32
    %c0_i32_0 = arith.constant 0 : i32
    %c0_i32_1 = arith.constant 0 : i32
    return %c0_i32, %c0_i32_0 : i32, i32
  }
  func.func @transform_9(%arg0: i32) -> (i32, i32) {
    %c0_i32 = arith.constant 0 : i32
    %c0_i32_0 = arith.constant 0 : i32
    %c0_i32_1 = arith.constant 0 : i32
    return %c0_i32, %c0_i32_0 : i32, i32
  }
  func.func @transform_10(%arg0: i32) -> (i32, i32) {
    %c0_i32 = arith.constant 0 : i32
    %c0_i32_0 = arith.constant 0 : i32
    %c0_i32_1 = arith.constant 0 : i32
    return %c0_i32, %c0_i32_0 : i32, i32
  }
  func.func @transform_11(%arg0: i32) -> (i32, i32) {
    %c0_i32 = arith.constant 0 : i32
    %c0_i32_0 = arith.constant 0 : i32
    %c0_i32_1 = arith.constant 0 : i32
    return %c0_i32, %c0_i32_0 : i32, i32
  }
  func.func @transform_12(%arg0: i32) -> (i32, i32, i32) {
    %c0_i32 = arith.constant 0 : i32
    %c0_i32_0 = arith.constant 0 : i32
    %c0_i32_1 = arith.constant 0 : i32
    return %arg0, %c0_i32, %c0_i32_0 : i32, i32, i32
  }
  func.func @transform_13(%arg0: i32) -> (i32, i32) {
    %c0_i32 = arith.constant 0 : i32
    %c0_i32_0 = arith.constant 0 : i32
    return %arg0, %c0_i32 : i32, i32
  }
  func.func @transform_14(%arg0: i32) -> (i32, i32) {
    %c0_i32 = arith.constant 0 : i32
    %c0_i32_0 = arith.constant 0 : i32
    return %arg0, %c0_i32 : i32, i32
  }
}

module attributes {stable_mosaic.version = 14 : i64} {
  func.func @_w2_body(%arg0: i32, %arg1: memref<64x10000xf32, #tpu.memory_space<vmem>>, %arg2: memref<12x64x10000xf32, #tpu.memory_space<vmem>>, %arg3: memref<12x10000xf32, #tpu.memory_space<vmem>>, %arg4: memref<12x10000xf32, #tpu.memory_space<vmem>>) attributes {dimension_semantics = [#tpu.dimension_semantics<arbitrary>], iteration_bounds = array<i64: 1>, scalar_prefetch = 0 : i64, scratch_operands = 0 : i64, tpu.core_type = #tpu.core_type<tc>, window_params = [{pipeline_mode = #tpu.pipeline_mode<synchronous>, transform_indices = @transform_0, window_bounds = array<i64: 64, 10000>}, {pipeline_mode = #tpu.pipeline_mode<synchronous>, transform_indices = @transform_1, window_bounds = array<i64: 12, 64, 10000>}, {pipeline_mode = #tpu.pipeline_mode<synchronous>, transform_indices = @transform_2, window_bounds = array<i64: 12, 10000>}, {pipeline_mode = #tpu.pipeline_mode<synchronous>, transform_indices = @transform_3, window_bounds = array<i64: 12, 10000>}]} {
    %get3A = arith.constant 0 : index
    %get3A_0 = arith.constant 0 : index
    %get3A_1 = vector.load %arg1[%get3A, %get3A_0] : memref<64x10000xf32, #tpu.memory_space<vmem>>, vector<64x10000xf32>
    %get3A_2 = arith.constant 0 : index
    %get3A_3 = arith.constant 0 : index
    %get3A_4 = arith.constant 0 : index
    %get3A_5 = vector.load %arg2[%get3A_2, %get3A_3, %get3A_4] : memref<12x64x10000xf32, #tpu.memory_space<vmem>>, vector<1x64x10000xf32>
    %get3A_6 = vector.shape_cast %get3A_5 : vector<1x64x10000xf32> to vector<64x10000xf32>
    %mul3A = arith.mulf %get3A_6, %get3A_1 : vector<64x10000xf32>
    %reduce_sum3A = arith.constant dense<0.000000e+00> : vector<10000xf32>
    %reduce_sum3A_7 = vector.multi_reduction <add>, %mul3A, %reduce_sum3A [0] : vector<64x10000xf32> to vector<10000xf32>
    %get3A_8 = arith.constant 0 : index
    %get3A_9 = arith.constant 0 : index
    %get3A_10 = vector.load %arg3[%get3A_8, %get3A_9] : memref<12x10000xf32, #tpu.memory_space<vmem>>, vector<1x10000xf32>
    %get3A_11 = vector.shape_cast %get3A_10 : vector<1x10000xf32> to vector<10000xf32>
    %add3A = arith.addf %reduce_sum3A_7, %get3A_11 : vector<10000xf32>
    %swap3A = arith.constant 0 : index
    %swap3A_12 = arith.constant 0 : index
    %swap3A_13 = vector.load %arg4[%swap3A, %swap3A_12] : memref<12x10000xf32, #tpu.memory_space<vmem>>, vector<1x10000xf32>
    %swap3A_14 = vector.shape_cast %swap3A_13 : vector<1x10000xf32> to vector<10000xf32>
    %swap3A_15 = vector.shape_cast %add3A : vector<10000xf32> to vector<1x10000xf32>
    tpu.vector_store %arg4[%swap3A, %swap3A_12], %swap3A_15 {strides = array<i32>} : memref<12x10000xf32, #tpu.memory_space<vmem>>, vector<1x10000xf32>,
    %get3A_16 = arith.constant 1 : index
    %get3A_17 = arith.constant 0 : index
    %get3A_18 = arith.constant 0 : index
    %get3A_19 = vector.load %arg2[%get3A_16, %get3A_17, %get3A_18] : memref<12x64x10000xf32, #tpu.memory_space<vmem>>, vector<1x64x10000xf32>
    %get3A_20 = vector.shape_cast %get3A_19 : vector<1x64x10000xf32> to vector<64x10000xf32>
    %mul3A_21 = arith.mulf %get3A_20, %get3A_1 : vector<64x10000xf32>
    %reduce_sum3A_22 = arith.constant dense<0.000000e+00> : vector<10000xf32>
    %reduce_sum3A_23 = vector.multi_reduction <add>, %mul3A_21, %reduce_sum3A_22 [0] : vector<64x10000xf32> to vector<10000xf32>
    %get3A_24 = arith.constant 1 : index
    %get3A_25 = arith.constant 0 : index
    %get3A_26 = vector.load %arg3[%get3A_24, %get3A_25] : memref<12x10000xf32, #tpu.memory_space<vmem>>, vector<1x10000xf32>
    %get3A_27 = vector.shape_cast %get3A_26 : vector<1x10000xf32> to vector<10000xf32>
    %add3A_28 = arith.addf %reduce_sum3A_23, %get3A_27 : vector<10000xf32>
    %swap3A_29 = arith.constant 1 : index
    %swap3A_30 = arith.constant 0 : index
    %swap3A_31 = vector.load %arg4[%swap3A_29, %swap3A_30] : memref<12x10000xf32, #tpu.memory_space<vmem>>, vector<1x10000xf32>
    %swap3A_32 = vector.shape_cast %swap3A_31 : vector<1x10000xf32> to vector<10000xf32>
    %swap3A_33 = vector.shape_cast %add3A_28 : vector<10000xf32> to vector<1x10000xf32>
    tpu.vector_store %arg4[%swap3A_29, %swap3A_30], %swap3A_33 {strides = array<i32>} : memref<12x10000xf32, #tpu.memory_space<vmem>>, vector<1x10000xf32>,
    %get3A_34 = arith.constant 2 : index
    %get3A_35 = arith.constant 0 : index
    %get3A_36 = arith.constant 0 : index
    %get3A_37 = vector.load %arg2[%get3A_34, %get3A_35, %get3A_36] : memref<12x64x10000xf32, #tpu.memory_space<vmem>>, vector<1x64x10000xf32>
    %get3A_38 = vector.shape_cast %get3A_37 : vector<1x64x10000xf32> to vector<64x10000xf32>
    %mul3A_39 = arith.mulf %get3A_38, %get3A_1 : vector<64x10000xf32>
    %reduce_sum3A_40 = arith.constant dense<0.000000e+00> : vector<10000xf32>
    %reduce_sum3A_41 = vector.multi_reduction <add>, %mul3A_39, %reduce_sum3A_40 [0] : vector<64x10000xf32> to vector<10000xf32>
    %get3A_42 = arith.constant 2 : index
    %get3A_43 = arith.constant 0 : index
    %get3A_44 = vector.load %arg3[%get3A_42, %get3A_43] : memref<12x10000xf32, #tpu.memory_space<vmem>>, vector<1x10000xf32>
    %get3A_45 = vector.shape_cast %get3A_44 : vector<1x10000xf32> to vector<10000xf32>
    %add3A_46 = arith.addf %reduce_sum3A_41, %get3A_45 : vector<10000xf32>
    %swap3A_47 = arith.constant 2 : index
    %swap3A_48 = arith.constant 0 : index
    %swap3A_49 = vector.load %arg4[%swap3A_47, %swap3A_48] : memref<12x10000xf32, #tpu.memory_space<vmem>>, vector<1x10000xf32>
    %swap3A_50 = vector.shape_cast %swap3A_49 : vector<1x10000xf32> to vector<10000xf32>
    %swap3A_51 = vector.shape_cast %add3A_46 : vector<10000xf32> to vector<1x10000xf32>
    tpu.vector_store %arg4[%swap3A_47, %swap3A_48], %swap3A_51 {strides = array<i32>} : memref<12x10000xf32, #tpu.memory_space<vmem>>, vector<1x10000xf32>,
    %get3A_52 = arith.constant 3 : index
    %get3A_53 = arith.constant 0 : index
    %get3A_54 = arith.constant 0 : index
    %get3A_55 = vector.load %arg2[%get3A_52, %get3A_53, %get3A_54] : memref<12x64x10000xf32, #tpu.memory_space<vmem>>, vector<1x64x10000xf32>
    %get3A_56 = vector.shape_cast %get3A_55 : vector<1x64x10000xf32> to vector<64x10000xf32>
    %mul3A_57 = arith.mulf %get3A_56, %get3A_1 : vector<64x10000xf32>
    %reduce_sum3A_58 = arith.constant dense<0.000000e+00> : vector<10000xf32>
    %reduce_sum3A_59 = vector.multi_reduction <add>, %mul3A_57, %reduce_sum3A_58 [0] : vector<64x10000xf32> to vector<10000xf32>
    %get3A_60 = arith.constant 3 : index
    %get3A_61 = arith.constant 0 : index
    %get3A_62 = vector.load %arg3[%get3A_60, %get3A_61] : memref<12x10000xf32, #tpu.memory_space<vmem>>, vector<1x10000xf32>
    %get3A_63 = vector.shape_cast %get3A_62 : vector<1x10000xf32> to vector<10000xf32>
    %add3A_64 = arith.addf %reduce_sum3A_59, %get3A_63 : vector<10000xf32>
    %swap3A_65 = arith.constant 3 : index
    %swap3A_66 = arith.constant 0 : index
    %swap3A_67 = vector.load %arg4[%swap3A_65, %swap3A_66] : memref<12x10000xf32, #tpu.memory_space<vmem>>, vector<1x10000xf32>
    %swap3A_68 = vector.shape_cast %swap3A_67 : vector<1x10000xf32> to vector<10000xf32>
    %swap3A_69 = vector.shape_cast %add3A_64 : vector<10000xf32> to vector<1x10000xf32>
    tpu.vector_store %arg4[%swap3A_65, %swap3A_66], %swap3A_69 {strides = array<i32>} : memref<12x10000xf32, #tpu.memory_space<vmem>>, vector<1x10000xf32>,
    %get3A_70 = arith.constant 4 : index
    %get3A_71 = arith.constant 0 : index
    %get3A_72 = arith.constant 0 : index
    %get3A_73 = vector.load %arg2[%get3A_70, %get3A_71, %get3A_72] : memref<12x64x10000xf32, #tpu.memory_space<vmem>>, vector<1x64x10000xf32>
    %get3A_74 = vector.shape_cast %get3A_73 : vector<1x64x10000xf32> to vector<64x10000xf32>
    %mul3A_75 = arith.mulf %get3A_74, %get3A_1 : vector<64x10000xf32>
    %reduce_sum3A_76 = arith.constant dense<0.000000e+00> : vector<10000xf32>
    %reduce_sum3A_77 = vector.multi_reduction <add>, %mul3A_75, %reduce_sum3A_76 [0] : vector<64x10000xf32> to vector<10000xf32>
    %get3A_78 = arith.constant 4 : index
    %get3A_79 = arith.constant 0 : index
    %get3A_80 = vector.load %arg3[%get3A_78, %get3A_79] : memref<12x10000xf32, #tpu.memory_space<vmem>>, vector<1x10000xf32>
    %get3A_81 = vector.shape_cast %get3A_80 : vector<1x10000xf32> to vector<10000xf32>
    %add3A_82 = arith.addf %reduce_sum3A_77, %get3A_81 : vector<10000xf32>
    %swap3A_83 = arith.constant 4 : index
    %swap3A_84 = arith.constant 0 : index
    %swap3A_85 = vector.load %arg4[%swap3A_83, %swap3A_84] : memref<12x10000xf32, #tpu.memory_space<vmem>>, vector<1x10000xf32>
    %swap3A_86 = vector.shape_cast %swap3A_85 : vector<1x10000xf32> to vector<10000xf32>
    %swap3A_87 = vector.shape_cast %add3A_82 : vector<10000xf32> to vector<1x10000xf32>
    tpu.vector_store %arg4[%swap3A_83, %swap3A_84], %swap3A_87 {strides = array<i32>} : memref<12x10000xf32, #tpu.memory_space<vmem>>, vector<1x10000xf32>,
    %get3A_88 = arith.constant 5 : index
    %get3A_89 = arith.constant 0 : index
    %get3A_90 = arith.constant 0 : index
    %get3A_91 = vector.load %arg2[%get3A_88, %get3A_89, %get3A_90] : memref<12x64x10000xf32, #tpu.memory_space<vmem>>, vector<1x64x10000xf32>
    %get3A_92 = vector.shape_cast %get3A_91 : vector<1x64x10000xf32> to vector<64x10000xf32>
    %mul3A_93 = arith.mulf %get3A_92, %get3A_1 : vector<64x10000xf32>
    %reduce_sum3A_94 = arith.constant dense<0.000000e+00> : vector<10000xf32>
    %reduce_sum3A_95 = vector.multi_reduction <add>, %mul3A_93, %reduce_sum3A_94 [0] : vector<64x10000xf32> to vector<10000xf32>
    %get3A_96 = arith.constant 5 : index
    %get3A_97 = arith.constant 0 : index
    %get3A_98 = vector.load %arg3[%get3A_96, %get3A_97] : memref<12x10000xf32, #tpu.memory_space<vmem>>, vector<1x10000xf32>
    %get3A_99 = vector.shape_cast %get3A_98 : vector<1x10000xf32> to vector<10000xf32>
    %add3A_100 = arith.addf %reduce_sum3A_95, %get3A_99 : vector<10000xf32>
    %swap3A_101 = arith.constant 5 : index
    %swap3A_102 = arith.constant 0 : index
    %swap3A_103 = vector.load %arg4[%swap3A_101, %swap3A_102] : memref<12x10000xf32, #tpu.memory_space<vmem>>, vector<1x10000xf32>
    %swap3A_104 = vector.shape_cast %swap3A_103 : vector<1x10000xf32> to vector<10000xf32>
    %swap3A_105 = vector.shape_cast %add3A_100 : vector<10000xf32> to vector<1x10000xf32>
    tpu.vector_store %arg4[%swap3A_101, %swap3A_102], %swap3A_105 {strides = array<i32>} : memref<12x10000xf32, #tpu.memory_space<vmem>>, vector<1x10000xf32>,
    %get3A_106 = arith.constant 6 : index
    %get3A_107 = arith.constant 0 : index
    %get3A_108 = arith.constant 0 : index
    %get3A_109 = vector.load %arg2[%get3A_106, %get3A_107, %get3A_108] : memref<12x64x10000xf32, #tpu.memory_space<vmem>>, vector<1x64x10000xf32>
    %get3A_110 = vector.shape_cast %get3A_109 : vector<1x64x10000xf32> to vector<64x10000xf32>
    %mul3A_111 = arith.mulf %get3A_110, %get3A_1 : vector<64x10000xf32>
    %reduce_sum3A_112 = arith.constant dense<0.000000e+00> : vector<10000xf32>
    %reduce_sum3A_113 = vector.multi_reduction <add>, %mul3A_111, %reduce_sum3A_112 [0] : vector<64x10000xf32> to vector<10000xf32>
    %get3A_114 = arith.constant 6 : index
    %get3A_115 = arith.constant 0 : index
    %get3A_116 = vector.load %arg3[%get3A_114, %get3A_115] : memref<12x10000xf32, #tpu.memory_space<vmem>>, vector<1x10000xf32>
    %get3A_117 = vector.shape_cast %get3A_116 : vector<1x10000xf32> to vector<10000xf32>
    %add3A_118 = arith.addf %reduce_sum3A_113, %get3A_117 : vector<10000xf32>
    %swap3A_119 = arith.constant 6 : index
    %swap3A_120 = arith.constant 0 : index
    %swap3A_121 = vector.load %arg4[%swap3A_119, %swap3A_120] : memref<12x10000xf32, #tpu.memory_space<vmem>>, vector<1x10000xf32>
    %swap3A_122 = vector.shape_cast %swap3A_121 : vector<1x10000xf32> to vector<10000xf32>
    %swap3A_123 = vector.shape_cast %add3A_118 : vector<10000xf32> to vector<1x10000xf32>
    tpu.vector_store %arg4[%swap3A_119, %swap3A_120], %swap3A_123 {strides = array<i32>} : memref<12x10000xf32, #tpu.memory_space<vmem>>, vector<1x10000xf32>,
    %get3A_124 = arith.constant 7 : index
    %get3A_125 = arith.constant 0 : index
    %get3A_126 = arith.constant 0 : index
    %get3A_127 = vector.load %arg2[%get3A_124, %get3A_125, %get3A_126] : memref<12x64x10000xf32, #tpu.memory_space<vmem>>, vector<1x64x10000xf32>
    %get3A_128 = vector.shape_cast %get3A_127 : vector<1x64x10000xf32> to vector<64x10000xf32>
    %mul3A_129 = arith.mulf %get3A_128, %get3A_1 : vector<64x10000xf32>
    %reduce_sum3A_130 = arith.constant dense<0.000000e+00> : vector<10000xf32>
    %reduce_sum3A_131 = vector.multi_reduction <add>, %mul3A_129, %reduce_sum3A_130 [0] : vector<64x10000xf32> to vector<10000xf32>
    %get3A_132 = arith.constant 7 : index
    %get3A_133 = arith.constant 0 : index
    %get3A_134 = vector.load %arg3[%get3A_132, %get3A_133] : memref<12x10000xf32, #tpu.memory_space<vmem>>, vector<1x10000xf32>
    %get3A_135 = vector.shape_cast %get3A_134 : vector<1x10000xf32> to vector<10000xf32>
    %add3A_136 = arith.addf %reduce_sum3A_131, %get3A_135 : vector<10000xf32>
    %swap3A_137 = arith.constant 7 : index
    %swap3A_138 = arith.constant 0 : index
    %swap3A_139 = vector.load %arg4[%swap3A_137, %swap3A_138] : memref<12x10000xf32, #tpu.memory_space<vmem>>, vector<1x10000xf32>
    %swap3A_140 = vector.shape_cast %swap3A_139 : vector<1x10000xf32> to vector<10000xf32>
    %swap3A_141 = vector.shape_cast %add3A_136 : vector<10000xf32> to vector<1x10000xf32>
    tpu.vector_store %arg4[%swap3A_137, %swap3A_138], %swap3A_141 {strides = array<i32>} : memref<12x10000xf32, #tpu.memory_space<vmem>>, vector<1x10000xf32>,
    %get3A_142 = arith.constant 8 : index
    %get3A_143 = arith.constant 0 : index
    %get3A_144 = arith.constant 0 : index
    %get3A_145 = vector.load %arg2[%get3A_142, %get3A_143, %get3A_144] : memref<12x64x10000xf32, #tpu.memory_space<vmem>>, vector<1x64x10000xf32>
    %get3A_146 = vector.shape_cast %get3A_145 : vector<1x64x10000xf32> to vector<64x10000xf32>
    %mul3A_147 = arith.mulf %get3A_146, %get3A_1 : vector<64x10000xf32>
    %reduce_sum3A_148 = arith.constant dense<0.000000e+00> : vector<10000xf32>
    %reduce_sum3A_149 = vector.multi_reduction <add>, %mul3A_147, %reduce_sum3A_148 [0] : vector<64x10000xf32> to vector<10000xf32>
    %get3A_150 = arith.constant 8 : index
    %get3A_151 = arith.constant 0 : index
    %get3A_152 = vector.load %arg3[%get3A_150, %get3A_151] : memref<12x10000xf32, #tpu.memory_space<vmem>>, vector<1x10000xf32>
    %get3A_153 = vector.shape_cast %get3A_152 : vector<1x10000xf32> to vector<10000xf32>
    %add3A_154 = arith.addf %reduce_sum3A_149, %get3A_153 : vector<10000xf32>
    %swap3A_155 = arith.constant 8 : index
    %swap3A_156 = arith.constant 0 : index
    %swap3A_157 = vector.load %arg4[%swap3A_155, %swap3A_156] : memref<12x10000xf32, #tpu.memory_space<vmem>>, vector<1x10000xf32>
    %swap3A_158 = vector.shape_cast %swap3A_157 : vector<1x10000xf32> to vector<10000xf32>
    %swap3A_159 = vector.shape_cast %add3A_154 : vector<10000xf32> to vector<1x10000xf32>
    tpu.vector_store %arg4[%swap3A_155, %swap3A_156], %swap3A_159 {strides = array<i32>} : memref<12x10000xf32, #tpu.memory_space<vmem>>, vector<1x10000xf32>,
    %get3A_160 = arith.constant 9 : index
    %get3A_161 = arith.constant 0 : index
    %get3A_162 = arith.constant 0 : index
    %get3A_163 = vector.load %arg2[%get3A_160, %get3A_161, %get3A_162] : memref<12x64x10000xf32, #tpu.memory_space<vmem>>, vector<1x64x10000xf32>
    %get3A_164 = vector.shape_cast %get3A_163 : vector<1x64x10000xf32> to vector<64x10000xf32>
    %mul3A_165 = arith.mulf %get3A_164, %get3A_1 : vector<64x10000xf32>
    %reduce_sum3A_166 = arith.constant dense<0.000000e+00> : vector<10000xf32>
    %reduce_sum3A_167 = vector.multi_reduction <add>, %mul3A_165, %reduce_sum3A_166 [0] : vector<64x10000xf32> to vector<10000xf32>
    %get3A_168 = arith.constant 9 : index
    %get3A_169 = arith.constant 0 : index
    %get3A_170 = vector.load %arg3[%get3A_168, %get3A_169] : memref<12x10000xf32, #tpu.memory_space<vmem>>, vector<1x10000xf32>
    %get3A_171 = vector.shape_cast %get3A_170 : vector<1x10000xf32> to vector<10000xf32>
    %add3A_172 = arith.addf %reduce_sum3A_167, %get3A_171 : vector<10000xf32>
    %swap3A_173 = arith.constant 9 : index
    %swap3A_174 = arith.constant 0 : index
    %swap3A_175 = vector.load %arg4[%swap3A_173, %swap3A_174] : memref<12x10000xf32, #tpu.memory_space<vmem>>, vector<1x10000xf32>
    %swap3A_176 = vector.shape_cast %swap3A_175 : vector<1x10000xf32> to vector<10000xf32>
    %swap3A_177 = vector.shape_cast %add3A_172 : vector<10000xf32> to vector<1x10000xf32>
    tpu.vector_store %arg4[%swap3A_173, %swap3A_174], %swap3A_177 {strides = array<i32>} : memref<12x10000xf32, #tpu.memory_space<vmem>>, vector<1x10000xf32>,
    %get3A_178 = arith.constant 10 : index
    %get3A_179 = arith.constant 0 : index
    %get3A_180 = arith.constant 0 : index
    %get3A_181 = vector.load %arg2[%get3A_178, %get3A_179, %get3A_180] : memref<12x64x10000xf32, #tpu.memory_space<vmem>>, vector<1x64x10000xf32>
    %get3A_182 = vector.shape_cast %get3A_181 : vector<1x64x10000xf32> to vector<64x10000xf32>
    %mul3A_183 = arith.mulf %get3A_182, %get3A_1 : vector<64x10000xf32>
    %reduce_sum3A_184 = arith.constant dense<0.000000e+00> : vector<10000xf32>
    %reduce_sum3A_185 = vector.multi_reduction <add>, %mul3A_183, %reduce_sum3A_184 [0] : vector<64x10000xf32> to vector<10000xf32>
    %get3A_186 = arith.constant 10 : index
    %get3A_187 = arith.constant 0 : index
    %get3A_188 = vector.load %arg3[%get3A_186, %get3A_187] : memref<12x10000xf32, #tpu.memory_space<vmem>>, vector<1x10000xf32>
    %get3A_189 = vector.shape_cast %get3A_188 : vector<1x10000xf32> to vector<10000xf32>
    %add3A_190 = arith.addf %reduce_sum3A_185, %get3A_189 : vector<10000xf32>
    %swap3A_191 = arith.constant 10 : index
    %swap3A_192 = arith.constant 0 : index
    %swap3A_193 = vector.load %arg4[%swap3A_191, %swap3A_192] : memref<12x10000xf32, #tpu.memory_space<vmem>>, vector<1x10000xf32>
    %swap3A_194 = vector.shape_cast %swap3A_193 : vector<1x10000xf32> to vector<10000xf32>
    %swap3A_195 = vector.shape_cast %add3A_190 : vector<10000xf32> to vector<1x10000xf32>
    tpu.vector_store %arg4[%swap3A_191, %swap3A_192], %swap3A_195 {strides = array<i32>} : memref<12x10000xf32, #tpu.memory_space<vmem>>, vector<1x10000xf32>,
    %get3A_196 = arith.constant 11 : index
    %get3A_197 = arith.constant 0 : index
    %get3A_198 = arith.constant 0 : index
    %get3A_199 = vector.load %arg2[%get3A_196, %get3A_197, %get3A_198] : memref<12x64x10000xf32, #tpu.memory_space<vmem>>, vector<1x64x10000xf32>
    %get3A_200 = vector.shape_cast %get3A_199 : vector<1x64x10000xf32> to vector<64x10000xf32>
    %mul3A_201 = arith.mulf %get3A_200, %get3A_1 : vector<64x10000xf32>
    %reduce_sum3A_202 = arith.constant dense<0.000000e+00> : vector<10000xf32>
    %reduce_sum3A_203 = vector.multi_reduction <add>, %mul3A_201, %reduce_sum3A_202 [0] : vector<64x10000xf32> to vector<10000xf32>
    %get3A_204 = arith.constant 11 : index
    %get3A_205 = arith.constant 0 : index
    %get3A_206 = vector.load %arg3[%get3A_204, %get3A_205] : memref<12x10000xf32, #tpu.memory_space<vmem>>, vector<1x10000xf32>
    %get3A_207 = vector.shape_cast %get3A_206 : vector<1x10000xf32> to vector<10000xf32>
    %add3A_208 = arith.addf %reduce_sum3A_203, %get3A_207 : vector<10000xf32>
    %swap3A_209 = arith.constant 11 : index
    %swap3A_210 = arith.constant 0 : index
    %swap3A_211 = vector.load %arg4[%swap3A_209, %swap3A_210] : memref<12x10000xf32, #tpu.memory_space<vmem>>, vector<1x10000xf32>
    %swap3A_212 = vector.shape_cast %swap3A_211 : vector<1x10000xf32> to vector<10000xf32>
    %swap3A_213 = vector.shape_cast %add3A_208 : vector<10000xf32> to vector<1x10000xf32>
    tpu.vector_store %arg4[%swap3A_209, %swap3A_210], %swap3A_213 {strides = array<i32>} : memref<12x10000xf32, #tpu.memory_space<vmem>>, vector<1x10000xf32>,
    return
  }
  func.func @transform_0(%arg0: i32) -> (i32, i32) {
    %c0_i32 = arith.constant 0 : i32
    %c0_i32_0 = arith.constant 0 : i32
    %c0_i32_1 = arith.constant 0 : i32
    return %c0_i32, %c0_i32_0 : i32, i32
  }
  func.func @transform_1(%arg0: i32) -> (i32, i32, i32) {
    %c0_i32 = arith.constant 0 : i32
    %c0_i32_0 = arith.constant 0 : i32
    %c0_i32_1 = arith.constant 0 : i32
    %c0_i32_2 = arith.constant 0 : i32
    return %c0_i32, %c0_i32_0, %c0_i32_1 : i32, i32, i32
  }
  func.func @transform_2(%arg0: i32) -> (i32, i32) {
    %c0_i32 = arith.constant 0 : i32
    %c0_i32_0 = arith.constant 0 : i32
    %c0_i32_1 = arith.constant 0 : i32
    return %c0_i32, %c0_i32_0 : i32, i32
  }
  func.func @transform_3(%arg0: i32) -> (i32, i32) {
    %c0_i32 = arith.constant 0 : i32
    %c0_i32_0 = arith.constant 0 : i32
    %c0_i32_1 = arith.constant 0 : i32
    return %c0_i32, %c0_i32_0 : i32, i32
  }
}

</mosaic_0001>

<sc_bundles>
// kernel: kernel.12.cloned.1.call-start
scs
__scs_entry_jumppad:
0x0: {  	(pc) =	sbr.rel $0x88, $3  }
0x1: {  	(tag) =	ssettag $0x0;
	lr =	simm.s32 $0x1  }
0x2: {  	[smem:$0x3F8F] =	sst lr;
	_ =	strace $0xD0000000  }
0x3: {  	_ = 	snop  }
0x4: {  	_ = 	snop  }
0x5: {  	_ = 	snop  }
0x6: {  	_ = 	snop  }
0x7: {  	_ = 	snop  }
__scs_overlays_trampoline_lowered:
0x8: {  	[smem:$0x3F9E] =	sst s0  }
0x9: {  	[smem:$0x3F9F] =	sst s1  }
0xa: {  	[smem:$0x3FA0] =	sst s2  }
0xb: {  	[smem:$0x3FA1] =	sst s3  }
0xc: {  	[smem:$0x3FA2] =	sst s4  }
0xd: {  	[smem:$0x3FA3] =	sst s5  }
0xe: {  	[smem:$0x3FA4] =	sst s6  }
0xf: {  	[smem:$0x3FA5] =	sst s7  }
0x10: {  	[smem:$0x3FA6] =	sst s8  }
0x11: {  	[smem:$0x3FA7] =	sst s9;
	s0 =	simm.s32 @!p0 $0x0  }
0x12: {  	s1 =	sld [smem:$0x3F8D];
	s0 =	simm.s32 @p0 $0x1  }
0x13: {  	[smem:$0x3FA8] =	sst s0;
	s0 =	simm.s32 @!p1 $0x0  }
0x14: {  	s2 =	sld [smem:$0x3F8C];
	s0 =	simm.s32 @p1 $0x1  }
0x15: {  	[smem:$0x3FA9] =	sst s0;
	s0 =	simm.s32 @!p2 $0x0  }
0x16: {  	s3 =	sld [smem:$0x3FDB];
	s0 =	simm.s32 @p2 $0x1  }
0x17: {  	s4 =	simm.s32 $0x1BF5;
	[smem:$0x3FAB] =	sst s0  }
0x18: {  	s0 =	sld [smem:$0x3F8E];
	_ =	swait.ge [sflag:s4], $0x0  }
0x19: {  	s7 =	sld [smem:$0x3F8F]  }
0x1a: {  	s8 =	sadd.s32 $0xFFFFE003, lr  }
0x1b: {  	s9 =	sadd.s32 $0xFFFFFEF7, lr;
	s5 =	simm.s32 $0xFFFFFFFF;
	p2 =	slt.u32 s8, $0xFFFFF086  }
0x1c: {  	p1 =	slt.u32 s9, $0xF7A;
	s5 =	simm.s32 @!p2 $0x0  }
0x1d: {  	s5 =	simm.s32 @p1 $0x1;
	p0 =	seq.s32 s7, s2  }
0x1e: {  	s7 =	smul.u32 @!p0 $0xF7A, s2;
	p2 =	seq.s32 @!p0 s5, $0x0  }
0x1f: {  	s9 =	smul.u32 $0xF7A, s1;
	s8 =	simm.s32 @!p0 $0x1BF5;
	p2 =	por !p2, p0  }
0x20: {  	[sflag:s8] =	ssyncset.s32 @!p0 $0xFFFFF086;
	s6 =	sadd.s32 @!p0 s3, s7;
	s7 =	simm.s32 @!p0 $0x108  }
0x21: {  	s3 =	sadd.s32 s3, s9;
	s6 =	sadd.s32 @!p0 $0x88, s6;
	s7 =	simm.s32 @p2 $0x1082  }
0x22: {  	[simem:s7], [sflag:s8] =	dma.local @!p0 [hbm:s6], $0xF7A  }
0x23: {  	s9 =	sor.u32 $0xD0000000, s2;
	s6 =	simm.s32 $0x108;
	_ =	swait.ge @!p0 [sflag:s8], $0x0  }
0x24: {  	s3 =	sadd.s32 $0x88, s3;
	s6 =	simm.s32 @!p1 $0x1082;
	[sflag:s4] =	ssyncset.s32 $0xFFFFF086  }
0x25: {  	[simem:s6], [sflag:s4] =	dma.local [hbm:s3], $0xF7A  }
0x26: {  	[smem:$0x3F8F] =	sst s1;
	(tag) =	ssettag s2;
	_ =	strace s9  }
0x27: {  	s1 =	sld [smem:$0x3F9F]  }
0x28: {  	s2 =	sld [smem:$0x3FA0]  }
0x29: {  	s4 =	sld [smem:$0x3FA2]  }
0x2a: {  	p0 =	seq.s32 s5, $0x0;
	s5 =	sld [smem:$0x3FA3]  }
0x2b: {  	s6 =	sld [smem:$0x3FA4]  }
0x2c: {  	s7 =	sld [smem:$0x3FA5]  }
0x2d: {  	s3 =	simm.s32 $0x108;
	s8 =	sld [smem:$0x3FA6]  }
0x2e: {  	s3 =	simm.s32 @!p0 $0x1082;
	s9 =	sld [smem:$0x3FA7]  }
0x2f: {  	lr =	sadd.s32 s0, s3;
	s0 =	sld [smem:$0x3F9E]  }
0x30: {  	s3 =	sld [smem:$0x3FA1]  }
0x31: {  	[smem:$0x3FAA] =	sst s10  }
0x32: {  	s10 =	sld [smem:$0x3FA8];
	_ =	sdelay $0x3  }
0x33: {  	p0 =	seq.s32 s10, $0x1;
	s10 =	sld [smem:$0x3FAA];
	_ =	sdelay $0x3  }
0x34: {  	[smem:$0x3FAA] =	sst s10  }
0x35: {  	s10 =	sld [smem:$0x3FA9];
	_ =	sdelay $0x3  }
0x36: {  	p1 =	seq.s32 s10, $0x1;
	s10 =	sld [smem:$0x3FAA];
	_ =	sdelay $0x3  }
0x37: {  	[smem:$0x3FAA] =	sst s10  }
0x38: {  	s10 =	sld [smem:$0x3FAB]  }
0x39: {  	_ = 	snop;
	(pc) =	sbr.ind lr, $3  }
0x3a: {  	_ = 	snop  }
0x3b: {  	_ = 	snop  }
0x3c: {  	p2 =	seq.s32 s10, $0x1;
	s10 =	sld [smem:$0x3FAA]  }
0x3d: {  	_ =	shalt  }
0x3e: {  	_ =	shalt  }
0x3f: {  	_ =	shalt  }
0x40: {  	_ =	shalt  }
0x41: {  	_ =	shalt  }
0x42: {  	_ =	shalt  }
0x43: {  	_ =	shalt  }
0x44: {  	_ =	shalt  }
0x45: {  	_ =	shalt  }
0x46: {  	_ =	shalt  }
0x47: {  	_ =	shalt  }
0x48: {  	_ =	shalt  }
0x49: {  	_ =	shalt  }
0x4a: {  	_ =	shalt  }
0x4b: {  	_ =	shalt  }
0x4c: {  	_ =	shalt  }
0x4d: {  	_ =	shalt  }
0x4e: {  	_ =	shalt  }
0x4f: {  	_ =	shalt  }
0x50: {  	_ =	shalt  }
0x51: {  	_ =	shalt  }
0x52: {  	_ =	shalt  }
0x53: {  	_ =	shalt  }
0x54: {  	_ =	shalt  }
0x55: {  	_ =	shalt  }
0x56: {  	_ =	shalt  }
0x57: {  	_ =	shalt  }
0x58: {  	_ =	shalt  }
0x59: {  	_ =	shalt  }
0x5a: {  	_ =	shalt  }
0x5b: {  	_ =	shalt  }
0x5c: {  	_ =	shalt  }
0x5d: {  	_ =	shalt  }
0x5e: {  	_ =	shalt  }
0x5f: {  	_ =	shalt  }
0x60: {  	_ =	shalt  }
0x61: {  	_ =	shalt  }
0x62: {  	_ =	shalt  }
0x63: {  	_ =	shalt  }
0x64: {  	_ =	shalt  }
0x65: {  	_ =	shalt  }
0x66: {  	_ =	shalt  }
0x67: {  	_ =	shalt  }
0x68: {  	_ =	shalt  }
0x69: {  	_ =	shalt  }
0x6a: {  	_ =	shalt  }
0x6b: {  	_ =	shalt  }
0x6c: {  	_ =	shalt  }
0x6d: {  	_ =	shalt  }
0x6e: {  	_ =	shalt  }
0x6f: {  	_ =	shalt  }
0x70: {  	_ =	shalt  }
0x71: {  	_ =	shalt  }
0x72: {  	_ =	shalt  }
0x73: {  	_ =	shalt  }
0x74: {  	_ =	shalt  }
0x75: {  	_ =	shalt  }
0x76: {  	_ =	shalt  }
0x77: {  	_ =	shalt  }
0x78: {  	_ =	shalt  }
0x79: {  	_ =	shalt  }
0x7a: {  	_ =	shalt  }
0x7b: {  	_ =	shalt  }
0x7c: {  	_ =	shalt  }
0x7d: {  	_ =	shalt  }
0x7e: {  	_ =	shalt  }
0x7f: {  	_ =	shalt  }
0x80: {  	_ =	shalt  }
0x81: {  	_ =	shalt  }
0x82: {  	_ =	shalt  }
0x83: {  	_ =	shalt  }
0x84: {  	_ =	shalt  }
0x85: {  	_ =	shalt  }
0x86: {  	_ =	shalt  }
0x87: {  	_ =	shalt  }
.Lfunc_end0:
.L_simem_size_0:
called_computation.1_lowered:
.L_overlay_start_0:
0x88: {  	s2 =	sld [smem:$0x3FD9]  }
0x89: {  	s3 =	sld [smem:$0x3FFE];
	_ =	sdelay $0x1  }
0x8a: {  	s1 =	srdreg.scid  }
0x8b: {  	s0 =	sand.u32 $0x1, s1  }
0x8c: {  	s17 =	sshll.u32 s0, $0xA;
	s2 =	sadd.s32 s3, s2  }
0x8d: {  	s2 =	sadd.s32 s2, s17  }
0x8e: {  	[smem:$0x3FB6] =	sst s2  }
0x8f: {  	_ = 	snop  }
0x90: {  	s2 =	sld [smem:$0x3FD0];
	(tm) =	ssettm $0x1  }
0x91: {  	s18 =	sld [smem:$0x3FFB];
	_ =	sdelay $0x3  }
0x92: {  	_ =	strace s18  }
0x93: {  	s3 =	sld [smem:$0x3FFC];
	_ =	sdelay $0x3  }
0x94: {  	_ =	strace s3  }
0x95: {  	s3 =	sld [smem:$0x3FFD];
	_ =	sdelay $0x3  }
0x96: {  	_ =	strace s3  }
0x97: {  	_ =	strace $0x8FFFFFFF  }
0x98: {  	s19 =	sld [smem:$0x3FDB];
	_ =	sdelay $0x1  }
0x99: {  	s4 =	simm.s32 $_scs_section_size  }
0x9a: {  	s5 =	simm.s32 $_size__tile_overlayer_lowered;
	s6 =	simm.s32 $_tile_overlayer_lowered  }
0x9b: {  	s22 =	simm.s32 $0x1BFF;
	s21 =	sshll.u32 s6, $0x1;
	s3 =	sadd.s32 s4, s19  }
0x9c: {  	s7 =	simm.s32 $0x0;
	s20 =	sshll.u32 s5, $0x1;
	s5 =	sadd.s32 s21, s3  }
0x9d: {  	[timem:s7], [sflag:s22] =	dma.local [hbm:s5], s20  }
0x9e: {  	_ =	swait.ge [sflag:s22], s20  }
0x9f: {  	s4 =	ssub.s32 $0x0, s20;
	[sflag:s22] =	ssyncset.done $0x0  }
0xa0: {  	[sflag:s22] =	ssyncadd.s32 s4;
	_ =	sdelay $0x1  }
0xa1: {  	s23 =	simm.s32 $0x1B8B  }
0xa2: {  	_ =	swait.ge [sflag:s23], $0x1  }
0xa3: {  	[sflag:s23] =	ssyncset.done $0x0  }
0xa4: {  	s25 =	simm.s32 $0x1B8E;
	s24 =	sld [smem:$0x3FFE];
	[sflag:s23] =	ssyncadd.s32 $0xFFFFFFFF  }
0xa5: {  	s26 =	simm.s32 $execute0_lowered;
	[smem:$0x3FD2] =	sst s25  }
0xa6: {  	s5 =	sshll.u32 s26, $0x1;
	_ =	strace $0x80000049;
	[dreg:$0x1] =	wrdreg $0xFFFFFFFF  }
0xa7: {  	s28 =	simm.s32 $_size_execute0_lowered;
	s3 =	sadd.s32 s3, s5;
	[dreg:$0x0] =	wrdreg $0x0  }
0xa8: {  	s5 =	sshll.u32 s28, $0x1;
	[dreg:$0x2] =	wrdreg s3  }
0xa9: {  	[dreg:$0x3] =	wrdreg s5  }
0xaa: {  	[dreg:$0x4] =	wrdreg $0xC0  }
0xab: {  	_ =	task [dreg:s7], $0x5FFFF  }
0xac: {  	[dreg:$0x1] =	wrdreg $0xFFFFFFFF  }
0xad: {  	[dreg:$0x0] =	wrdreg $0x60  }
0xae: {  	[dreg:$0x2] =	wrdreg s24  }
0xaf: {  	[dreg:$0x3] =	wrdreg s2  }
0xb0: {  	[dreg:$0x4] =	wrdreg $0xA0000  }
0xb1: {  	[dreg:$0x5] =	wrdreg $0x9  }
0xb2: {  	_ =	task.clear_ibuf [dreg:s7], $0x6FFFF;
	_ =	strace $0x90000049  }
0xb3: {  	s29 =	simm.s32 $0x9;
	_ =	strace $0x8000004B  }
0xb4: {  	_ =	swait.ge [sflag:s29], $0x1  }
0xb5: {  	[sflag:s29] =	ssyncadd.s32 $0xFFFFFFFF  }
0xb6: {  	_ =	strace $0x9000004B  }
0xb7: {  	_ =	sfence  }
0xb8: {  	s30 =	sld [smem:$0x0];
	_ =	sdelay $0x2  }
0xb9: {  	s31 =	sshll.u32 s1, $0xD;
	s1 =	sshrl.u32 s1, $0x2  }
0xba: {  	s3 =	sand.u32 $0x4000, s31;
	s1 =	sadd.s32 s1, s30  }
0xbb: {  	s0 =	sor.u32 s3, s0;
	s1 =	sshll.u32 s1, $0x11  }
0xbc: {  	s0 =	sor.u32 s1, s0  }
0xbd: {  	s0 =	sadd.s32 $0x8F2B, s0  }
0xbe: {  	[sflag:s0] =	ssyncadd.remote.s32 $0x1  }
0xbf: {  	_ =	sfence.sel $0xFFFF  }
0xc0: {  	[dreg:$0x0] =	wrdreg $0xFFFFFFFF;
	(pc) =	sbr.abs _section_cstart, $3  }
0xc1: {  	[dreg:$0x1] =	wrdreg $0xFFFFFFFF  }
0xc2: {  	_ =	task.clear_ibuf [dreg:s7], $0x2FFFF;
	_ =	strace $0x9FFFFFFF  }
0xc3: {  	(tm) =	ssettm $0x7FFFFFFF  }
tec
execute0_lowered:
.L_overlay_start_1:
0x0: {  	(tag) =	ssettag $0x1  }
0x1: {  	s8 =	rddreg [dreg:$0x0]  }
0x2: {  	s0 =	srdreg.scid;
	s2 =	rddreg [dreg:$0x1]  }
0x3: {  	s3 =	rddreg [dreg:$0x2];
	s1 =	stileid.u32;
	s4 =	simm.s32 $0x0  }
0x4: {  	s20 =	simm.s32 $0x1;
	s21 =	simm.s32 $0x6C00;
	s22 =	simm.s32 $0x2  }
0x5: {  	s23 =	simm.s32 $0x0;
	s10 =	sand.u32 $0x1, s0;
	[smem:$0x7FF] =	sst s4  }
0x6: {  	s6 =	sadd.s32 $0x90800, s8;
	s7 =	sadd.s32 $0xB8800, s8;
	s12 =	sadd.s32 $0x108800, s8  }
0x7: {  	s0 =	rddreg [dreg:$0x3];
	s13 =	sadd.s32 $0x130800, s8;
	s15 =	sadd.s32 $0x158800, s8  }
0x8: {  	s11 =	sadd.s32 $0xE0800, s8;
	s17 =	smul.u32 $0x50000, s1;
	s18 =	sadd.s32 $0x180800, s8  }
0x9: {  	s19 =	sadd.s32 $0x1A8800, s8;
	s30 =	smul.u32 $0x2800, s1;
	s31 =	sshll.u32 s1, $0x6  }
0xa: {  	s5 =	sshll.u32 s10, $0x4;
	_ =	strace $0x8000004A;
	s14 =	ssub.s32 $0x2, s10  }
0xb: {  	p0 =	seq.s32 s10, $0x0;
	s5 =	sor.u32 s1, s5;
	s16 =	sshrl.u32 s14, $0x1  }
0xc: {  	s29 =	sshrl.u32 s17, $0x2;
	s15 =	smov.u32 @p0 s11;
	s18 =	smov.u32 @p0 s12  }
0xd: {  	s19 =	smov.u32 @p0 s13;
	s9 =	smul.u32 $0x380, s5;
	s5 =	sadd.s32 $0x68800, s8  }
0xe: {  	s14 =	ssub.s32 s14, s16;
	s17 =	sadd.s32 s29, s3;
	s11 =	sadd.s32 s15, s30  }
0xf: {  	s12 =	sadd.s32 s18, s30;
	s13 =	sadd.s32 s19, s30;
	s15 =	simm.s32 $0x1C00  }
0x10: {  	s16 =	sor.u32 $0x1C03, s31;
	s18 =	simm.s32 $0x64;
	s19 =	simm.s32 $0x3800  }
0x11: {  	s10 =	smax.u32 s14, $0x1;
	s14 =	simm.s32 $0x3;
	s9 =	sadd.s32 s9, s8  }
0x12: {  	s17 =	sshrl.u32 s17, $0x3;
	s8 =	sadd.s32 $0x11800, s9;
	s9 =	sadd.s32 $0xA800, s9  }
.LBB2_1:
0x13: {  	[tilespmem:s4], [sflag:$0x3] =	stream.linear.gather [hbm4b:s8+s4], $0x1900, $0x38;
	[tilespmem:$0x1E000] =	vst v63  }
0x14: {  	_ =	swait.ge [sflag:s14], $0x1900  }
0x15: {  	[sflag:s14] =	ssyncset.done $0x0  }
0x16: {  	[sflag:s14] =	ssyncadd.s32 $0xFFFFE700  }
0x17: {  	[tilespmem:s15], [sflag:$0x3] =	stream.linear.gather [hbm4b:s9+s4], $0x1900, $0x38;
	[tilespmem:$0x1E000] =	vst v63  }
0x18: {  	_ =	swait.ge [sflag:s14], $0x1900  }
0x19: {  	[sflag:s14] =	ssyncset.done $0x0  }
0x1a: {  	[sflag:s14] =	ssyncadd.s32 $0xFFFFE700  }
0x1b: {  	[spmem:s17], [sflag:s16] =	dma.local [hbm:s2], $0x2800  }
0x1c: {  	_ =	swait.ge [sflag:s14], $0x2800  }
0x1d: {  	[sflag:s14] =	ssyncset.done $0x0  }
0x1e: {  	[sflag:s14] =	ssyncadd.s32 $0xFFFFD800  }
0x1f: {  	s24 =	simm.s32 $0x0;
	[bflag:$0x0] =	sbarrier.arrive $0xFFFF  }
0x20: {  	[tilespmem:s19], [sflag:$0x1] =	stream.indirect.gather [hbm4b:s5+s18], $0x80, s24, s18, $0xb8;
	[tilespmem:$0x1E000] =	vst v63  }
0x21: {  	_ =	swait.ge [sflag:s20], $0x3200  }
0x22: {  	[sflag:s20] =	ssyncset.done $0x0  }
0x23: {  	s29 =	simm.s32 $0x80;
	[sflag:s20] =	ssyncadd.s32 $0xFFFFCE00  }
0x24: {  	[tilespmem:s21], [sflag:$0x2] =	stream.indirect.gather [hbm4b:s5+s18], $0x80, s29, s18, $0xb8;
	[tilespmem:$0x1E000] =	vst v63  }
0x25: {  	s30 =	simm.s32 $0x1C00  }
0x26: {  	[spmem:s3] =	stream.indirect.scatter.add.f32 [tilespmem:s19], [sflag:$0x3], $0x80, s30, s18, $0xb8;
	[tilespmem:$0x1E000] =	vst v63  }
0x27: {  	_ =	swait.ge [sflag:s14], $0x3200  }
0x28: {  	[sflag:s14] =	ssyncset.done $0x0  }
0x29: {  	[sflag:s14] =	ssyncadd.s32 $0xFFFFCE00  }
0x2a: {  	_ =	swait.ge [sflag:s22], $0x3200  }
0x2b: {  	[sflag:s22] =	ssyncset.done $0x0  }
0x2c: {  	s31 =	simm.s32 $0x1C80;
	[sflag:s22] =	ssyncadd.s32 $0xFFFFCE00  }
0x2d: {  	[spmem:s3] =	stream.indirect.scatter.add.f32 [tilespmem:s21], [sflag:$0x3], $0x80, s31, s18, $0xb8;
	[tilespmem:$0x1E000] =	vst v63  }
0x2e: {  	_ =	swait.ge [sflag:s14], $0x3200  }
0x2f: {  	s25 =	simm.s32 $0x800;
	s24 =	simm.s32 $0x400;
	[sflag:s14] =	ssyncset.done $0x0  }
.LBB2_2:
0x30: {  	s26 =	sshra.s32 s24, $0x2  }
0x31: {  	[sflag:s14] =	ssyncadd.s32 $0xFFFFCE00;
	s24 =	smov.u32 s25;
	s28 =	sadd.s32 $0x400, s25  }
0x32: {  	[tilespmem:s19], [sflag:$0x1] =	stream.indirect.gather [hbm4b:s5+s18], $0x80, s26, s18, $0xb8;
	[tilespmem:$0x1E000] =	vst v63  }
0x33: {  	p0 =	sne.s32 s25, $0x6000;
	_ =	swait.ge [sflag:s20], $0x3200  }
0x34: {  	[sflag:s20] =	ssyncset.done $0x0  }
0x35: {  	s25 =	sadd.s32 $0x80, s26;
	[sflag:s20] =	ssyncadd.s32 $0xFFFFCE00  }
0x36: {  	[tilespmem:s21], [sflag:$0x2] =	stream.indirect.gather [hbm4b:s5+s18], $0x80, s25, s18, $0xb8;
	[tilespmem:$0x1E000] =	vst v63  }
0x37: {  	s25 =	sadd.s32 $0x1C00, s26  }
0x38: {  	[spmem:s3] =	stream.indirect.scatter.add.f32 [tilespmem:s19], [sflag:$0x3], $0x80, s25, s18, $0xb8;
	[tilespmem:$0x1E000] =	vst v63  }
0x39: {  	_ =	swait.ge [sflag:s14], $0x3200  }
0x3a: {  	[sflag:s14] =	ssyncset.done $0x0  }
0x3b: {  	[sflag:s14] =	ssyncadd.s32 $0xFFFFCE00  }
0x3c: {  	_ =	swait.ge [sflag:s22], $0x3200  }
.Ltmp0:
0x3d: {  	[sflag:s22] =	ssyncset.done $0x0;
	(pc) =	sbr.rel @p0 .LBB2_2-.Ltmp0, $4  }
0x3e: {  	s25 =	sadd.s32 $0x1C80, s26;
	[sflag:s22] =	ssyncadd.s32 $0xFFFFCE00  }
0x3f: {  	[spmem:s3] =	stream.indirect.scatter.add.f32 [tilespmem:s21], [sflag:$0x3], $0x80, s25, s18, $0xb8;
	[tilespmem:$0x1E000] =	vst v63  }
0x40: {  	_ =	swait.ge [sflag:s14], $0x3200  }
0x41: {  	s25 =	smov.u32 s28;
	[sflag:s14] =	ssyncset.done $0x0  }
0x42: {  	s24 =	sshra.s32 s24, $0x2;
	[sflag:s14] =	ssyncadd.s32 $0xFFFFCE00  }
0x43: {  	[tilespmem:s19], [sflag:$0x1] =	stream.indirect.gather [hbm4b:s5+s18], $0x80, s24, s18, $0xb8;
	[tilespmem:$0x1E000] =	vst v63  }
0x44: {  	_ =	swait.ge [sflag:s20], $0x3200  }
0x45: {  	[sflag:s20] =	ssyncset.done $0x0  }
0x46: {  	s25 =	sadd.s32 $0x80, s24;
	[sflag:s20] =	ssyncadd.s32 $0xFFFFCE00  }
0x47: {  	[tilespmem:s21], [sflag:$0x2] =	stream.indirect.gather [hbm4b:s5+s18], $0x80, s25, s18, $0xb8;
	[tilespmem:$0x1E000] =	vst v63  }
0x48: {  	s26 =	sadd.s32 $0x1C00, s24  }
0x49: {  	[spmem:s3] =	stream.indirect.scatter.add.f32 [tilespmem:s19], [sflag:$0x3], $0x80, s26, s18, $0xb8;
	[tilespmem:$0x1E000] =	vst v63  }
0x4a: {  	_ =	swait.ge [sflag:s14], $0x3200  }
0x4b: {  	[sflag:s14] =	ssyncset.done $0x0  }
0x4c: {  	[sflag:s14] =	ssyncadd.s32 $0xFFFFCE00  }
0x4d: {  	_ =	swait.ge [sflag:s22], $0x3200  }
0x4e: {  	[sflag:s22] =	ssyncset.done $0x0  }
0x4f: {  	s24 =	sadd.s32 $0x1C80, s24;
	[sflag:s22] =	ssyncadd.s32 $0xFFFFCE00  }
0x50: {  	[spmem:s3] =	stream.indirect.scatter.add.f32 [tilespmem:s21], [sflag:$0x3], $0x80, s24, s18, $0xb8;
	[tilespmem:$0x1E000] =	vst v63  }
0x51: {  	_ =	swait.ge [sflag:s14], $0x3200  }
0x52: {  	[sflag:s14] =	ssyncset.done $0x0  }
0x53: {  	[sflag:s14] =	ssyncadd.s32 $0xFFFFCE00  }
0x54: {  	[bflag:$0x0] =	sbarrier.arrive $0xFFFF  }
0x55: {  	[hbm:s11], [sflag:s16] =	dma.local [spmem:s17], $0x2800  }
0x56: {  	_ =	swait.ge [sflag:s14], $0x2800  }
0x57: {  	[sflag:s14] =	ssyncset.done $0x0  }
0x58: {  	[sflag:s14] =	ssyncadd.s32 $0xFFFFD800  }
0x59: {  	[spmem:s17], [sflag:s16] =	dma.local [hbm:s2], $0x2800  }
0x5a: {  	_ =	swait.ge [sflag:s14], $0x2800  }
0x5b: {  	[sflag:s14] =	ssyncset.done $0x0  }
0x5c: {  	[sflag:s14] =	ssyncadd.s32 $0xFFFFD800  }
0x5d: {  	s28 =	simm.s32 $0x0;
	[bflag:$0x0] =	sbarrier.arrive $0xFFFF  }
0x5e: {  	[tilespmem:s19], [sflag:$0x1] =	stream.indirect.gather [hbm4b:s6+s18], $0x80, s28, s18, $0xb8;
	[tilespmem:$0x1E000] =	vst v63  }
0x5f: {  	_ =	swait.ge [sflag:s20], $0x3200  }
0x60: {  	[sflag:s20] =	ssyncset.done $0x0  }
0x61: {  	s29 =	simm.s32 $0x80;
	[sflag:s20] =	ssyncadd.s32 $0xFFFFCE00  }
0x62: {  	[tilespmem:s21], [sflag:$0x2] =	stream.indirect.gather [hbm4b:s6+s18], $0x80, s29, s18, $0xb8;
	[tilespmem:$0x1E000] =	vst v63  }
0x63: {  	s30 =	simm.s32 $0x1C00  }
0x64: {  	[spmem:s3] =	stream.indirect.scatter.add.f32 [tilespmem:s19], [sflag:$0x3], $0x80, s30, s18, $0xb8;
	[tilespmem:$0x1E000] =	vst v63  }
0x65: {  	_ =	swait.ge [sflag:s14], $0x3200  }
0x66: {  	[sflag:s14] =	ssyncset.done $0x0  }
0x67: {  	[sflag:s14] =	ssyncadd.s32 $0xFFFFCE00  }
0x68: {  	_ =	swait.ge [sflag:s22], $0x3200  }
0x69: {  	[sflag:s22] =	ssyncset.done $0x0  }
0x6a: {  	s31 =	simm.s32 $0x1C80;
	[sflag:s22] =	ssyncadd.s32 $0xFFFFCE00  }
0x6b: {  	[spmem:s3] =	stream.indirect.scatter.add.f32 [tilespmem:s21], [sflag:$0x3], $0x80, s31, s18, $0xb8;
	[tilespmem:$0x1E000] =	vst v63  }
0x6c: {  	_ =	swait.ge [sflag:s14], $0x3200  }
0x6d: {  	s25 =	simm.s32 $0x800;
	s24 =	simm.s32 $0x400;
	[sflag:s14] =	ssyncset.done $0x0  }
.LBB2_4:
0x6e: {  	s26 =	sshra.s32 s24, $0x2  }
0x6f: {  	[sflag:s14] =	ssyncadd.s32 $0xFFFFCE00;
	s24 =	smov.u32 s25;
	s28 =	sadd.s32 $0x400, s25  }
0x70: {  	[tilespmem:s19], [sflag:$0x1] =	stream.indirect.gather [hbm4b:s6+s18], $0x80, s26, s18, $0xb8;
	[tilespmem:$0x1E000] =	vst v63  }
0x71: {  	p0 =	sne.s32 s25, $0x6000;
	_ =	swait.ge [sflag:s20], $0x3200  }
0x72: {  	[sflag:s20] =	ssyncset.done $0x0  }
0x73: {  	s25 =	sadd.s32 $0x80, s26;
	[sflag:s20] =	ssyncadd.s32 $0xFFFFCE00  }
0x74: {  	[tilespmem:s21], [sflag:$0x2] =	stream.indirect.gather [hbm4b:s6+s18], $0x80, s25, s18, $0xb8;
	[tilespmem:$0x1E000] =	vst v63  }
0x75: {  	s25 =	sadd.s32 $0x1C00, s26  }
0x76: {  	[spmem:s3] =	stream.indirect.scatter.add.f32 [tilespmem:s19], [sflag:$0x3], $0x80, s25, s18, $0xb8;
	[tilespmem:$0x1E000] =	vst v63  }
0x77: {  	_ =	swait.ge [sflag:s14], $0x3200  }
0x78: {  	[sflag:s14] =	ssyncset.done $0x0  }
0x79: {  	[sflag:s14] =	ssyncadd.s32 $0xFFFFCE00  }
0x7a: {  	_ =	swait.ge [sflag:s22], $0x3200  }
.Ltmp1:
0x7b: {  	[sflag:s22] =	ssyncset.done $0x0;
	(pc) =	sbr.rel @p0 .LBB2_4-.Ltmp1, $4  }
0x7c: {  	s25 =	sadd.s32 $0x1C80, s26;
	[sflag:s22] =	ssyncadd.s32 $0xFFFFCE00  }
0x7d: {  	[spmem:s3] =	stream.indirect.scatter.add.f32 [tilespmem:s21], [sflag:$0x3], $0x80, s25, s18, $0xb8;
	[tilespmem:$0x1E000] =	vst v63  }
0x7e: {  	_ =	swait.ge [sflag:s14], $0x3200  }
0x7f: {  	s25 =	smov.u32 s28;
	[sflag:s14] =	ssyncset.done $0x0  }
0x80: {  	s24 =	sshra.s32 s24, $0x2;
	[sflag:s14] =	ssyncadd.s32 $0xFFFFCE00  }
0x81: {  	[tilespmem:s19], [sflag:$0x1] =	stream.indirect.gather [hbm4b:s6+s18], $0x80, s24, s18, $0xb8;
	[tilespmem:$0x1E000] =	vst v63  }
0x82: {  	_ =	swait.ge [sflag:s20], $0x3200  }
0x83: {  	[sflag:s20] =	ssyncset.done $0x0  }
0x84: {  	s25 =	sadd.s32 $0x80, s24;
	[sflag:s20] =	ssyncadd.s32 $0xFFFFCE00  }
0x85: {  	[tilespmem:s21], [sflag:$0x2] =	stream.indirect.gather [hbm4b:s6+s18], $0x80, s25, s18, $0xb8;
	[tilespmem:$0x1E000] =	vst v63  }
0x86: {  	s26 =	sadd.s32 $0x1C00, s24  }
0x87: {  	[spmem:s3] =	stream.indirect.scatter.add.f32 [tilespmem:s19], [sflag:$0x3], $0x80, s26, s18, $0xb8;
	[tilespmem:$0x1E000] =	vst v63  }
0x88: {  	_ =	swait.ge [sflag:s14], $0x3200  }
0x89: {  	[sflag:s14] =	ssyncset.done $0x0  }
0x8a: {  	[sflag:s14] =	ssyncadd.s32 $0xFFFFCE00  }
0x8b: {  	_ =	swait.ge [sflag:s22], $0x3200  }
0x8c: {  	[sflag:s22] =	ssyncset.done $0x0  }
0x8d: {  	s24 =	sadd.s32 $0x1C80, s24;
	[sflag:s22] =	ssyncadd.s32 $0xFFFFCE00  }
0x8e: {  	[spmem:s3] =	stream.indirect.scatter.add.f32 [tilespmem:s21], [sflag:$0x3], $0x80, s24, s18, $0xb8;
	[tilespmem:$0x1E000] =	vst v63  }
0x8f: {  	_ =	swait.ge [sflag:s14], $0x3200  }
0x90: {  	[sflag:s14] =	ssyncset.done $0x0  }
0x91: {  	[sflag:s14] =	ssyncadd.s32 $0xFFFFCE00  }
0x92: {  	[bflag:$0x0] =	sbarrier.arrive $0xFFFF  }
0x93: {  	[hbm:s12], [sflag:s16] =	dma.local [spmem:s17], $0x2800  }
0x94: {  	_ =	swait.ge [sflag:s14], $0x2800  }
0x95: {  	[sflag:s14] =	ssyncset.done $0x0  }
0x96: {  	[sflag:s14] =	ssyncadd.s32 $0xFFFFD800  }
0x97: {  	[spmem:s17], [sflag:s16] =	dma.local [hbm:s2], $0x2800  }
0x98: {  	_ =	swait.ge [sflag:s14], $0x2800  }
0x99: {  	[sflag:s14] =	ssyncset.done $0x0  }
0x9a: {  	[sflag:s14] =	ssyncadd.s32 $0xFFFFD800  }
0x9b: {  	s28 =	simm.s32 $0x0;
	[bflag:$0x0] =	sbarrier.arrive $0xFFFF  }
0x9c: {  	[tilespmem:s19], [sflag:$0x1] =	stream.indirect.gather [hbm4b:s7+s18], $0x80, s28, s18, $0xb8;
	[tilespmem:$0x1E000] =	vst v63  }
0x9d: {  	_ =	swait.ge [sflag:s20], $0x3200  }
0x9e: {  	[sflag:s20] =	ssyncset.done $0x0  }
0x9f: {  	s29 =	simm.s32 $0x80;
	[sflag:s20] =	ssyncadd.s32 $0xFFFFCE00  }
0xa0: {  	[tilespmem:s21], [sflag:$0x2] =	stream.indirect.gather [hbm4b:s7+s18], $0x80, s29, s18, $0xb8;
	[tilespmem:$0x1E000] =	vst v63  }
0xa1: {  	s30 =	simm.s32 $0x1C00  }
0xa2: {  	[spmem:s3] =	stream.indirect.scatter.add.f32 [tilespmem:s19], [sflag:$0x3], $0x80, s30, s18, $0xb8;
	[tilespmem:$0x1E000] =	vst v63  }
0xa3: {  	_ =	swait.ge [sflag:s14], $0x3200  }
0xa4: {  	[sflag:s14] =	ssyncset.done $0x0  }
0xa5: {  	[sflag:s14] =	ssyncadd.s32 $0xFFFFCE00  }
0xa6: {  	_ =	swait.ge [sflag:s22], $0x3200  }
0xa7: {  	[sflag:s22] =	ssyncset.done $0x0  }
0xa8: {  	s31 =	simm.s32 $0x1C80;
	[sflag:s22] =	ssyncadd.s32 $0xFFFFCE00  }
0xa9: {  	[spmem:s3] =	stream.indirect.scatter.add.f32 [tilespmem:s21], [sflag:$0x3], $0x80, s31, s18, $0xb8;
	[tilespmem:$0x1E000] =	vst v63  }
0xaa: {  	_ =	swait.ge [sflag:s14], $0x3200  }
0xab: {  	s25 =	simm.s32 $0x800;
	s24 =	simm.s32 $0x400;
	[sflag:s14] =	ssyncset.done $0x0  }
.LBB2_6:
0xac: {  	s26 =	sshra.s32 s24, $0x2  }
0xad: {  	[sflag:s14] =	ssyncadd.s32 $0xFFFFCE00;
	s24 =	smov.u32 s25;
	s28 =	sadd.s32 $0x400, s25  }
0xae: {  	[tilespmem:s19], [sflag:$0x1] =	stream.indirect.gather [hbm4b:s7+s18], $0x80, s26, s18, $0xb8;
	[tilespmem:$0x1E000] =	vst v63  }
0xaf: {  	p0 =	sne.s32 s25, $0x6000;
	_ =	swait.ge [sflag:s20], $0x3200  }
0xb0: {  	[sflag:s20] =	ssyncset.done $0x0  }
0xb1: {  	s25 =	sadd.s32 $0x80, s26;
	[sflag:s20] =	ssyncadd.s32 $0xFFFFCE00  }
0xb2: {  	[tilespmem:s21], [sflag:$0x2] =	stream.indirect.gather [hbm4b:s7+s18], $0x80, s25, s18, $0xb8;
	[tilespmem:$0x1E000] =	vst v63  }
0xb3: {  	s25 =	sadd.s32 $0x1C00, s26  }
0xb4: {  	[spmem:s3] =	stream.indirect.scatter.add.f32 [tilespmem:s19], [sflag:$0x3], $0x80, s25, s18, $0xb8;
	[tilespmem:$0x1E000] =	vst v63  }
0xb5: {  	_ =	swait.ge [sflag:s14], $0x3200  }
0xb6: {  	[sflag:s14] =	ssyncset.done $0x0  }
0xb7: {  	[sflag:s14] =	ssyncadd.s32 $0xFFFFCE00  }
0xb8: {  	_ =	swait.ge [sflag:s22], $0x3200  }
.Ltmp2:
0xb9: {  	[sflag:s22] =	ssyncset.done $0x0;
	(pc) =	sbr.rel @p0 .LBB2_6-.Ltmp2, $4  }
0xba: {  	s25 =	sadd.s32 $0x1C80, s26;
	[sflag:s22] =	ssyncadd.s32 $0xFFFFCE00  }
0xbb: {  	[spmem:s3] =	stream.indirect.scatter.add.f32 [tilespmem:s21], [sflag:$0x3], $0x80, s25, s18, $0xb8;
	[tilespmem:$0x1E000] =	vst v63  }
0xbc: {  	_ =	swait.ge [sflag:s14], $0x3200  }
0xbd: {  	s25 =	smov.u32 s28;
	[sflag:s14] =	ssyncset.done $0x0  }
0xbe: {  	s24 =	sshra.s32 s24, $0x2;
	[sflag:s14] =	ssyncadd.s32 $0xFFFFCE00  }
0xbf: {  	[tilespmem:s19], [sflag:$0x1] =	stream.indirect.gather [hbm4b:s7+s18], $0x80, s24, s18, $0xb8;
	[tilespmem:$0x1E000] =	vst v63  }
0xc0: {  	_ =	swait.ge [sflag:s20], $0x3200  }
0xc1: {  	[sflag:s20] =	ssyncset.done $0x0  }
0xc2: {  	s25 =	sadd.s32 $0x80, s24;
	[sflag:s20] =	ssyncadd.s32 $0xFFFFCE00  }
0xc3: {  	[tilespmem:s21], [sflag:$0x2] =	stream.indirect.gather [hbm4b:s7+s18], $0x80, s25, s18, $0xb8;
	[tilespmem:$0x1E000] =	vst v63  }
0xc4: {  	s31 =	sadd.s32 $0x1C00, s24  }
0xc5: {  	[spmem:s3] =	stream.indirect.scatter.add.f32 [tilespmem:s19], [sflag:$0x3], $0x80, s31, s18, $0xb8;
	[tilespmem:$0x1E000] =	vst v63  }
0xc6: {  	_ =	swait.ge [sflag:s14], $0x3200  }
0xc7: {  	[sflag:s14] =	ssyncset.done $0x0  }
0xc8: {  	[sflag:s14] =	ssyncadd.s32 $0xFFFFCE00  }
0xc9: {  	_ =	swait.ge [sflag:s22], $0x3200  }
0xca: {  	[sflag:s22] =	ssyncset.done $0x0  }
0xcb: {  	s24 =	sadd.s32 $0x1C80, s24;
	[sflag:s22] =	ssyncadd.s32 $0xFFFFCE00  }
0xcc: {  	[spmem:s3] =	stream.indirect.scatter.add.f32 [tilespmem:s21], [sflag:$0x3], $0x80, s24, s18, $0xb8;
	[tilespmem:$0x1E000] =	vst v63  }
0xcd: {  	_ =	swait.ge [sflag:s14], $0x3200  }
0xce: {  	s23 =	sadd.s32 $0x1, s23;
	[sflag:s14] =	ssyncset.done $0x0  }
0xcf: {  	p0 =	sne.s32 s23, s10;
	[sflag:s14] =	ssyncadd.s32 $0xFFFFCE00  }
.Ltmp3:
0xd0: {  	[bflag:$0x0] =	sbarrier.arrive $0xFFFF;
	(pc) =	sbr.rel @p0 .LBB2_1-.Ltmp3, $4  }
0xd1: {  	[hbm:s13], [sflag:s16] =	dma.local [spmem:s17], $0x2800  }
0xd2: {  	_ =	swait.ge [sflag:s14], $0x2800  }
0xd3: {  	[sflag:s14] =	ssyncset.done $0x0  }
0xd4: {  	[sflag:s14] =	ssyncadd.s32 $0xFFFFD800  }
0xd5: {  	_ =	sfence.sel $0x180000  }
0xd6: {  	[bflag:$0x0] =	sbarrier.arrive $0xFFFF  }
0xd7: {  	p0 =	sne.s32 s1, $0x0;
	_ =	strace $0x9000004A  }
0xd8: {  	s0 =	sadd.s32 @!p0 $0x100000, s0;
	[bflag:$0x2] =	sbarrier.arrive $0xFFFF  }
0xd9: {  	[sflag:s0] =	ssyncadd.tile.s32 @!p0 $0x1;
	_ =	shalt  }
.Lfunc_end2:
_tile_overlayer_lowered:
.L_overlay_start_2:
0xda: {  	(tag) =	ssettag $0x2  }
0xdb: {  	s0 =	rddreg [dreg:$0x0];
	s2 =	stileid.u32  }
0xdc: {  	s1 =	rddreg [dreg:$0x1];
	p0 =	sne.s32 s2, $0x0  }
0xdd: {  	s3 =	rddreg [dreg:$0x2];
	[bflag:$0x3] =	sbarrier.arrive $0xFFFF;
	s2 =	simm.s32 @!p0 $0x1C03  }
0xde: {  	[timem:s3], [sflag:s2] =	dma.local @!p0 [hbm:s0], s1  }
0xdf: {  	s0 =	simm.s32 @!p0 $0x3  }
0xe0: {  	_ =	swait.ge @!p0 [sflag:s0], s1  }
0xe1: {  	s1 =	ssub.s32 @!p0 $0x0, s1;
	[sflag:s0] =	ssyncset.done @!p0 $0x0  }
0xe2: {  	[sflag:s0] =	ssyncadd.s32 @!p0 s1  }
0xe3: {  	[bflag:$0x3] =	sbarrier.arrive $0xFFFF  }
0xe4: {  	_ =	shalt  }

// kernel: kernel.15.cloned.1.call-start
scs
__scs_entry_jumppad:
0x0: {  	(pc) =	sbr.rel $0x88, $3  }
0x1: {  	(tag) =	ssettag $0x0;
	lr =	simm.s32 $0x1  }
0x2: {  	[smem:$0x3F8F] =	sst lr;
	_ =	strace $0xD0000000  }
0x3: {  	_ = 	snop  }
0x4: {  	_ = 	snop  }
0x5: {  	_ = 	snop  }
0x6: {  	_ = 	snop  }
0x7: {  	_ = 	snop  }
__scs_overlays_trampoline_lowered:
0x8: {  	[smem:$0x3F9E] =	sst s0  }
0x9: {  	[smem:$0x3F9F] =	sst s1  }
0xa: {  	[smem:$0x3FA0] =	sst s2  }
0xb: {  	[smem:$0x3FA1] =	sst s3  }
0xc: {  	[smem:$0x3FA2] =	sst s4  }
0xd: {  	[smem:$0x3FA3] =	sst s5  }
0xe: {  	[smem:$0x3FA4] =	sst s6  }
0xf: {  	[smem:$0x3FA5] =	sst s7  }
0x10: {  	[smem:$0x3FA6] =	sst s8  }
0x11: {  	[smem:$0x3FA7] =	sst s9;
	s0 =	simm.s32 @!p0 $0x0  }
0x12: {  	s1 =	sld [smem:$0x3F8D];
	s0 =	simm.s32 @p0 $0x1  }
0x13: {  	[smem:$0x3FA8] =	sst s0;
	s0 =	simm.s32 @!p1 $0x0  }
0x14: {  	s2 =	sld [smem:$0x3F8C];
	s0 =	simm.s32 @p1 $0x1  }
0x15: {  	[smem:$0x3FA9] =	sst s0;
	s0 =	simm.s32 @!p2 $0x0  }
0x16: {  	s3 =	sld [smem:$0x3FDB];
	s0 =	simm.s32 @p2 $0x1  }
0x17: {  	s4 =	simm.s32 $0x1BF5;
	[smem:$0x3FAB] =	sst s0  }
0x18: {  	s0 =	sld [smem:$0x3F8E];
	_ =	swait.ge [sflag:s4], $0x0  }
0x19: {  	s7 =	sld [smem:$0x3F8F]  }
0x1a: {  	s8 =	sadd.s32 $0xFFFFE003, lr  }
0x1b: {  	s9 =	sadd.s32 $0xFFFFFEF7, lr;
	s5 =	simm.s32 $0xFFFFFFFF;
	p2 =	slt.u32 s8, $0xFFFFF086  }
0x1c: {  	p1 =	slt.u32 s9, $0xF7A;
	s5 =	simm.s32 @!p2 $0x0  }
0x1d: {  	s5 =	simm.s32 @p1 $0x1;
	p0 =	seq.s32 s7, s2  }
0x1e: {  	s7 =	smul.u32 @!p0 $0xF7A, s2;
	p2 =	seq.s32 @!p0 s5, $0x0  }
0x1f: {  	s9 =	smul.u32 $0xF7A, s1;
	s8 =	simm.s32 @!p0 $0x1BF5;
	p2 =	por !p2, p0  }
0x20: {  	[sflag:s8] =	ssyncset.s32 @!p0 $0xFFFFF086;
	s6 =	sadd.s32 @!p0 s3, s7;
	s7 =	simm.s32 @!p0 $0x108  }
0x21: {  	s3 =	sadd.s32 s3, s9;
	s6 =	sadd.s32 @!p0 $0x88, s6;
	s7 =	simm.s32 @p2 $0x1082  }
0x22: {  	[simem:s7], [sflag:s8] =	dma.local @!p0 [hbm:s6], $0xF7A  }
0x23: {  	s9 =	sor.u32 $0xD0000000, s2;
	s6 =	simm.s32 $0x108;
	_ =	swait.ge @!p0 [sflag:s8], $0x0  }
0x24: {  	s3 =	sadd.s32 $0x88, s3;
	s6 =	simm.s32 @!p1 $0x1082;
	[sflag:s4] =	ssyncset.s32 $0xFFFFF086  }
0x25: {  	[simem:s6], [sflag:s4] =	dma.local [hbm:s3], $0xF7A  }
0x26: {  	[smem:$0x3F8F] =	sst s1;
	(tag) =	ssettag s2;
	_ =	strace s9  }
0x27: {  	s1 =	sld [smem:$0x3F9F]  }
0x28: {  	s2 =	sld [smem:$0x3FA0]  }
0x29: {  	s4 =	sld [smem:$0x3FA2]  }
0x2a: {  	p0 =	seq.s32 s5, $0x0;
	s5 =	sld [smem:$0x3FA3]  }
0x2b: {  	s6 =	sld [smem:$0x3FA4]  }
0x2c: {  	s7 =	sld [smem:$0x3FA5]  }
0x2d: {  	s3 =	simm.s32 $0x108;
	s8 =	sld [smem:$0x3FA6]  }
0x2e: {  	s3 =	simm.s32 @!p0 $0x1082;
	s9 =	sld [smem:$0x3FA7]  }
0x2f: {  	lr =	sadd.s32 s0, s3;
	s0 =	sld [smem:$0x3F9E]  }
0x30: {  	s3 =	sld [smem:$0x3FA1]  }
0x31: {  	[smem:$0x3FAA] =	sst s10  }
0x32: {  	s10 =	sld [smem:$0x3FA8];
	_ =	sdelay $0x3  }
0x33: {  	p0 =	seq.s32 s10, $0x1;
	s10 =	sld [smem:$0x3FAA];
	_ =	sdelay $0x3  }
0x34: {  	[smem:$0x3FAA] =	sst s10  }
0x35: {  	s10 =	sld [smem:$0x3FA9];
	_ =	sdelay $0x3  }
0x36: {  	p1 =	seq.s32 s10, $0x1;
	s10 =	sld [smem:$0x3FAA];
	_ =	sdelay $0x3  }
0x37: {  	[smem:$0x3FAA] =	sst s10  }
0x38: {  	s10 =	sld [smem:$0x3FAB]  }
0x39: {  	_ = 	snop;
	(pc) =	sbr.ind lr, $3  }
0x3a: {  	_ = 	snop  }
0x3b: {  	_ = 	snop  }
0x3c: {  	p2 =	seq.s32 s10, $0x1;
	s10 =	sld [smem:$0x3FAA]  }
0x3d: {  	_ =	shalt  }
0x3e: {  	_ =	shalt  }
0x3f: {  	_ =	shalt  }
0x40: {  	_ =	shalt  }
0x41: {  	_ =	shalt  }
0x42: {  	_ =	shalt  }
0x43: {  	_ =	shalt  }
0x44: {  	_ =	shalt  }
0x45: {  	_ =	shalt  }
0x46: {  	_ =	shalt  }
0x47: {  	_ =	shalt  }
0x48: {  	_ =	shalt  }
0x49: {  	_ =	shalt  }
0x4a: {  	_ =	shalt  }
0x4b: {  	_ =	shalt  }
0x4c: {  	_ =	shalt  }
0x4d: {  	_ =	shalt  }
0x4e: {  	_ =	shalt  }
0x4f: {  	_ =	shalt  }
0x50: {  	_ =	shalt  }
0x51: {  	_ =	shalt  }
0x52: {  	_ =	shalt  }
0x53: {  	_ =	shalt  }
0x54: {  	_ =	shalt  }
0x55: {  	_ =	shalt  }
0x56: {  	_ =	shalt  }
0x57: {  	_ =	shalt  }
0x58: {  	_ =	shalt  }
0x59: {  	_ =	shalt  }
0x5a: {  	_ =	shalt  }
0x5b: {  	_ =	shalt  }
0x5c: {  	_ =	shalt  }
0x5d: {  	_ =	shalt  }
0x5e: {  	_ =	shalt  }
0x5f: {  	_ =	shalt  }
0x60: {  	_ =	shalt  }
0x61: {  	_ =	shalt  }
0x62: {  	_ =	shalt  }
0x63: {  	_ =	shalt  }
0x64: {  	_ =	shalt  }
0x65: {  	_ =	shalt  }
0x66: {  	_ =	shalt  }
0x67: {  	_ =	shalt  }
0x68: {  	_ =	shalt  }
0x69: {  	_ =	shalt  }
0x6a: {  	_ =	shalt  }
0x6b: {  	_ =	shalt  }
0x6c: {  	_ =	shalt  }
0x6d: {  	_ =	shalt  }
0x6e: {  	_ =	shalt  }
0x6f: {  	_ =	shalt  }
0x70: {  	_ =	shalt  }
0x71: {  	_ =	shalt  }
0x72: {  	_ =	shalt  }
0x73: {  	_ =	shalt  }
0x74: {  	_ =	shalt  }
0x75: {  	_ =	shalt  }
0x76: {  	_ =	shalt  }
0x77: {  	_ =	shalt  }
0x78: {  	_ =	shalt  }
0x79: {  	_ =	shalt  }
0x7a: {  	_ =	shalt  }
0x7b: {  	_ =	shalt  }
0x7c: {  	_ =	shalt  }
0x7d: {  	_ =	shalt  }
0x7e: {  	_ =	shalt  }
0x7f: {  	_ =	shalt  }
0x80: {  	_ =	shalt  }
0x81: {  	_ =	shalt  }
0x82: {  	_ =	shalt  }
0x83: {  	_ =	shalt  }
0x84: {  	_ =	shalt  }
0x85: {  	_ =	shalt  }
0x86: {  	_ =	shalt  }
0x87: {  	_ =	shalt  }
.Lfunc_end0:
.L_simem_size_0:
called_computation.2_lowered:
.L_overlay_start_0:
0x88: {  	s2 =	sld [smem:$0x3FD9]  }
0x89: {  	s3 =	sld [smem:$0x3FFE];
	_ =	sdelay $0x1  }
0x8a: {  	s1 =	srdreg.scid  }
0x8b: {  	s0 =	sand.u32 $0x1, s1  }
0x8c: {  	s17 =	sshll.u32 s0, $0xA;
	s2 =	sadd.s32 s3, s2  }
0x8d: {  	s2 =	sadd.s32 s2, s17  }
0x8e: {  	[smem:$0x3FB6] =	sst s2  }
0x8f: {  	_ = 	snop  }
0x90: {  	s2 =	sld [smem:$0x3FD0];
	(tm) =	ssettm $0x1  }
0x91: {  	s18 =	sld [smem:$0x3FFB];
	_ =	sdelay $0x3  }
0x92: {  	_ =	strace s18  }
0x93: {  	s3 =	sld [smem:$0x3FFC];
	_ =	sdelay $0x3  }
0x94: {  	_ =	strace s3  }
0x95: {  	s3 =	sld [smem:$0x3FFD];
	_ =	sdelay $0x3  }
0x96: {  	_ =	strace s3  }
0x97: {  	_ =	strace $0x8FFFFFFF  }
0x98: {  	s19 =	sld [smem:$0x3FDB];
	_ =	sdelay $0x1  }
0x99: {  	s4 =	simm.s32 $_scs_section_size  }
0x9a: {  	s5 =	simm.s32 $_size__tile_overlayer_lowered;
	s6 =	simm.s32 $_tile_overlayer_lowered  }
0x9b: {  	s22 =	simm.s32 $0x1BFF;
	s21 =	sshll.u32 s6, $0x1;
	s3 =	sadd.s32 s4, s19  }
0x9c: {  	s7 =	simm.s32 $0x0;
	s20 =	sshll.u32 s5, $0x1;
	s5 =	sadd.s32 s21, s3  }
0x9d: {  	[timem:s7], [sflag:s22] =	dma.local [hbm:s5], s20  }
0x9e: {  	_ =	swait.ge [sflag:s22], s20  }
0x9f: {  	s4 =	ssub.s32 $0x0, s20;
	[sflag:s22] =	ssyncset.done $0x0  }
0xa0: {  	[sflag:s22] =	ssyncadd.s32 s4;
	_ =	sdelay $0x1  }
0xa1: {  	s23 =	simm.s32 $0x1B8B  }
0xa2: {  	_ =	swait.ge [sflag:s23], $0x1  }
0xa3: {  	[sflag:s23] =	ssyncset.done $0x0  }
0xa4: {  	s25 =	simm.s32 $0x1B8E;
	s24 =	sld [smem:$0x3FFE];
	[sflag:s23] =	ssyncadd.s32 $0xFFFFFFFF  }
0xa5: {  	s26 =	simm.s32 $execute0_lowered;
	[smem:$0x3FD2] =	sst s25  }
0xa6: {  	s5 =	sshll.u32 s26, $0x1;
	_ =	strace $0x8000004C;
	[dreg:$0x1] =	wrdreg $0xFFFFFFFF  }
0xa7: {  	s28 =	simm.s32 $_size_execute0_lowered;
	s3 =	sadd.s32 s3, s5;
	[dreg:$0x0] =	wrdreg $0x0  }
0xa8: {  	s5 =	sshll.u32 s28, $0x1;
	[dreg:$0x2] =	wrdreg s3  }
0xa9: {  	[dreg:$0x3] =	wrdreg s5  }
0xaa: {  	[dreg:$0x4] =	wrdreg $0xC0  }
0xab: {  	_ =	task [dreg:s7], $0x5FFFF  }
0xac: {  	[dreg:$0x1] =	wrdreg $0xFFFFFFFF  }
0xad: {  	[dreg:$0x0] =	wrdreg $0x60  }
0xae: {  	[dreg:$0x2] =	wrdreg s24  }
0xaf: {  	[dreg:$0x3] =	wrdreg s2  }
0xb0: {  	[dreg:$0x4] =	wrdreg $0xA0000  }
0xb1: {  	[dreg:$0x5] =	wrdreg $0x9  }
0xb2: {  	_ =	task.clear_ibuf [dreg:s7], $0x6FFFF;
	_ =	strace $0x9000004C  }
0xb3: {  	s29 =	simm.s32 $0x9;
	_ =	strace $0x8000004E  }
0xb4: {  	_ =	swait.ge [sflag:s29], $0x1  }
0xb5: {  	[sflag:s29] =	ssyncadd.s32 $0xFFFFFFFF  }
0xb6: {  	_ =	strace $0x9000004E  }
0xb7: {  	_ =	sfence  }
0xb8: {  	s30 =	sld [smem:$0x0];
	_ =	sdelay $0x2  }
0xb9: {  	s31 =	sshll.u32 s1, $0xD;
	s1 =	sshrl.u32 s1, $0x2  }
0xba: {  	s3 =	sand.u32 $0x4000, s31;
	s1 =	sadd.s32 s1, s30  }
0xbb: {  	s0 =	sor.u32 s3, s0;
	s1 =	sshll.u32 s1, $0x11  }
0xbc: {  	s0 =	sor.u32 s1, s0  }
0xbd: {  	s0 =	sadd.s32 $0x8F2B, s0  }
0xbe: {  	[sflag:s0] =	ssyncadd.remote.s32 $0x1  }
0xbf: {  	_ =	sfence.sel $0xFFFF  }
0xc0: {  	[dreg:$0x0] =	wrdreg $0xFFFFFFFF;
	(pc) =	sbr.abs _section_cstart, $3  }
0xc1: {  	[dreg:$0x1] =	wrdreg $0xFFFFFFFF  }
0xc2: {  	_ =	task.clear_ibuf [dreg:s7], $0x2FFFF;
	_ =	strace $0x9FFFFFFF  }
0xc3: {  	(tm) =	ssettm $0x7FFFFFFF  }
tec
execute0_lowered:
.L_overlay_start_1:
0x0: {  	(tag) =	ssettag $0x1  }
0x1: {  	s8 =	rddreg [dreg:$0x0]  }
0x2: {  	s0 =	srdreg.scid;
	s2 =	rddreg [dreg:$0x1]  }
0x3: {  	s3 =	rddreg [dreg:$0x2];
	s1 =	stileid.u32;
	s4 =	simm.s32 $0x0  }
0x4: {  	s20 =	simm.s32 $0x1;
	s21 =	simm.s32 $0x6C00;
	s22 =	simm.s32 $0x2  }
0x5: {  	s23 =	simm.s32 $0x0;
	s10 =	sand.u32 $0x1, s0;
	[smem:$0x7FF] =	sst s4  }
0x6: {  	s6 =	sadd.s32 $0x90800, s8;
	s7 =	sadd.s32 $0xB8800, s8;
	s12 =	sadd.s32 $0x108800, s8  }
0x7: {  	s0 =	rddreg [dreg:$0x3];
	s13 =	sadd.s32 $0x130800, s8;
	s15 =	sadd.s32 $0x158800, s8  }
0x8: {  	s11 =	sadd.s32 $0xE0800, s8;
	s17 =	smul.u32 $0x50000, s1;
	s18 =	sadd.s32 $0x180800, s8  }
0x9: {  	s19 =	sadd.s32 $0x1A8800, s8;
	s30 =	smul.u32 $0x2800, s1;
	s31 =	sshll.u32 s1, $0x6  }
0xa: {  	s5 =	sshll.u32 s10, $0x4;
	_ =	strace $0x8000004D;
	s14 =	ssub.s32 $0x2, s10  }
0xb: {  	p0 =	seq.s32 s10, $0x0;
	s5 =	sor.u32 s1, s5;
	s16 =	sshrl.u32 s14, $0x1  }
0xc: {  	s29 =	sshrl.u32 s17, $0x2;
	s15 =	smov.u32 @p0 s11;
	s18 =	smov.u32 @p0 s12  }
0xd: {  	s19 =	smov.u32 @p0 s13;
	s9 =	smul.u32 $0x380, s5;
	s5 =	sadd.s32 $0x68800, s8  }
0xe: {  	s14 =	ssub.s32 s14, s16;
	s17 =	sadd.s32 s29, s3;
	s11 =	sadd.s32 s15, s30  }
0xf: {  	s12 =	sadd.s32 s18, s30;
	s13 =	sadd.s32 s19, s30;
	s15 =	simm.s32 $0x1C00  }
0x10: {  	s16 =	sor.u32 $0x1C03, s31;
	s18 =	simm.s32 $0x64;
	s19 =	simm.s32 $0x3800  }
0x11: {  	s10 =	smax.u32 s14, $0x1;
	s14 =	simm.s32 $0x3;
	s9 =	sadd.s32 s9, s8  }
0x12: {  	s17 =	sshrl.u32 s17, $0x3;
	s8 =	sadd.s32 $0x11800, s9;
	s9 =	sadd.s32 $0xA800, s9  }
.LBB2_1:
0x13: {  	[tilespmem:s4], [sflag:$0x3] =	stream.linear.gather [hbm4b:s8+s4], $0x1900, $0x38;
	[tilespmem:$0x1E000] =	vst v63  }
0x14: {  	_ =	swait.ge [sflag:s14], $0x1900  }
0x15: {  	[sflag:s14] =	ssyncset.done $0x0  }
0x16: {  	[sflag:s14] =	ssyncadd.s32 $0xFFFFE700  }
0x17: {  	[tilespmem:s15], [sflag:$0x3] =	stream.linear.gather [hbm4b:s9+s4], $0x1900, $0x38;
	[tilespmem:$0x1E000] =	vst v63  }
0x18: {  	_ =	swait.ge [sflag:s14], $0x1900  }
0x19: {  	[sflag:s14] =	ssyncset.done $0x0  }
0x1a: {  	[sflag:s14] =	ssyncadd.s32 $0xFFFFE700  }
0x1b: {  	[spmem:s17], [sflag:s16] =	dma.local [hbm:s2], $0x2800  }
0x1c: {  	_ =	swait.ge [sflag:s14], $0x2800  }
0x1d: {  	[sflag:s14] =	ssyncset.done $0x0  }
0x1e: {  	[sflag:s14] =	ssyncadd.s32 $0xFFFFD800  }
0x1f: {  	s24 =	simm.s32 $0x0;
	[bflag:$0x0] =	sbarrier.arrive $0xFFFF  }
0x20: {  	[tilespmem:s19], [sflag:$0x1] =	stream.indirect.gather [hbm4b:s5+s18], $0x80, s24, s18, $0xb8;
	[tilespmem:$0x1E000] =	vst v63  }
0x21: {  	_ =	swait.ge [sflag:s20], $0x3200  }
0x22: {  	[sflag:s20] =	ssyncset.done $0x0  }
0x23: {  	s29 =	simm.s32 $0x80;
	[sflag:s20] =	ssyncadd.s32 $0xFFFFCE00  }
0x24: {  	[tilespmem:s21], [sflag:$0x2] =	stream.indirect.gather [hbm4b:s5+s18], $0x80, s29, s18, $0xb8;
	[tilespmem:$0x1E000] =	vst v63  }
0x25: {  	s30 =	simm.s32 $0x1C00  }
0x26: {  	[spmem:s3] =	stream.indirect.scatter.add.f32 [tilespmem:s19], [sflag:$0x3], $0x80, s30, s18, $0xb8;
	[tilespmem:$0x1E000] =	vst v63  }
0x27: {  	_ =	swait.ge [sflag:s14], $0x3200  }
0x28: {  	[sflag:s14] =	ssyncset.done $0x0  }
0x29: {  	[sflag:s14] =	ssyncadd.s32 $0xFFFFCE00  }
0x2a: {  	_ =	swait.ge [sflag:s22], $0x3200  }
0x2b: {  	[sflag:s22] =	ssyncset.done $0x0  }
0x2c: {  	s31 =	simm.s32 $0x1C80;
	[sflag:s22] =	ssyncadd.s32 $0xFFFFCE00  }
0x2d: {  	[spmem:s3] =	stream.indirect.scatter.add.f32 [tilespmem:s21], [sflag:$0x3], $0x80, s31, s18, $0xb8;
	[tilespmem:$0x1E000] =	vst v63  }
0x2e: {  	_ =	swait.ge [sflag:s14], $0x3200  }
0x2f: {  	s25 =	simm.s32 $0x800;
	s24 =	simm.s32 $0x400;
	[sflag:s14] =	ssyncset.done $0x0  }
.LBB2_2:
0x30: {  	s26 =	sshra.s32 s24, $0x2  }
0x31: {  	[sflag:s14] =	ssyncadd.s32 $0xFFFFCE00;
	s24 =	smov.u32 s25;
	s28 =	sadd.s32 $0x400, s25  }
0x32: {  	[tilespmem:s19], [sflag:$0x1] =	stream.indirect.gather [hbm4b:s5+s18], $0x80, s26, s18, $0xb8;
	[tilespmem:$0x1E000] =	vst v63  }
0x33: {  	p0 =	sne.s32 s25, $0x6000;
	_ =	swait.ge [sflag:s20], $0x3200  }
0x34: {  	[sflag:s20] =	ssyncset.done $0x0  }
0x35: {  	s25 =	sadd.s32 $0x80, s26;
	[sflag:s20] =	ssyncadd.s32 $0xFFFFCE00  }
0x36: {  	[tilespmem:s21], [sflag:$0x2] =	stream.indirect.gather [hbm4b:s5+s18], $0x80, s25, s18, $0xb8;
	[tilespmem:$0x1E000] =	vst v63  }
0x37: {  	s25 =	sadd.s32 $0x1C00, s26  }
0x38: {  	[spmem:s3] =	stream.indirect.scatter.add.f32 [tilespmem:s19], [sflag:$0x3], $0x80, s25, s18, $0xb8;
	[tilespmem:$0x1E000] =	vst v63  }
0x39: {  	_ =	swait.ge [sflag:s14], $0x3200  }
0x3a: {  	[sflag:s14] =	ssyncset.done $0x0  }
0x3b: {  	[sflag:s14] =	ssyncadd.s32 $0xFFFFCE00  }
0x3c: {  	_ =	swait.ge [sflag:s22], $0x3200  }
.Ltmp0:
0x3d: {  	[sflag:s22] =	ssyncset.done $0x0;
	(pc) =	sbr.rel @p0 .LBB2_2-.Ltmp0, $4  }
0x3e: {  	s25 =	sadd.s32 $0x1C80, s26;
	[sflag:s22] =	ssyncadd.s32 $0xFFFFCE00  }
0x3f: {  	[spmem:s3] =	stream.indirect.scatter.add.f32 [tilespmem:s21], [sflag:$0x3], $0x80, s25, s18, $0xb8;
	[tilespmem:$0x1E000] =	vst v63  }
0x40: {  	_ =	swait.ge [sflag:s14], $0x3200  }
0x41: {  	s25 =	smov.u32 s28;
	[sflag:s14] =	ssyncset.done $0x0  }
0x42: {  	s24 =	sshra.s32 s24, $0x2;
	[sflag:s14] =	ssyncadd.s32 $0xFFFFCE00  }
0x43: {  	[tilespmem:s19], [sflag:$0x1] =	stream.indirect.gather [hbm4b:s5+s18], $0x80, s24, s18, $0xb8;
	[tilespmem:$0x1E000] =	vst v63  }
0x44: {  	_ =	swait.ge [sflag:s20], $0x3200  }
0x45: {  	[sflag:s20] =	ssyncset.done $0x0  }
0x46: {  	s25 =	sadd.s32 $0x80, s24;
	[sflag:s20] =	ssyncadd.s32 $0xFFFFCE00  }
0x47: {  	[tilespmem:s21], [sflag:$0x2] =	stream.indirect.gather [hbm4b:s5+s18], $0x80, s25, s18, $0xb8;
	[tilespmem:$0x1E000] =	vst v63  }
0x48: {  	s26 =	sadd.s32 $0x1C00, s24  }
0x49: {  	[spmem:s3] =	stream.indirect.scatter.add.f32 [tilespmem:s19], [sflag:$0x3], $0x80, s26, s18, $0xb8;
	[tilespmem:$0x1E000] =	vst v63  }
0x4a: {  	_ =	swait.ge [sflag:s14], $0x3200  }
0x4b: {  	[sflag:s14] =	ssyncset.done $0x0  }
0x4c: {  	[sflag:s14] =	ssyncadd.s32 $0xFFFFCE00  }
0x4d: {  	_ =	swait.ge [sflag:s22], $0x3200  }
0x4e: {  	[sflag:s22] =	ssyncset.done $0x0  }
0x4f: {  	s24 =	sadd.s32 $0x1C80, s24;
	[sflag:s22] =	ssyncadd.s32 $0xFFFFCE00  }
0x50: {  	[spmem:s3] =	stream.indirect.scatter.add.f32 [tilespmem:s21], [sflag:$0x3], $0x80, s24, s18, $0xb8;
	[tilespmem:$0x1E000] =	vst v63  }
0x51: {  	_ =	swait.ge [sflag:s14], $0x3200  }
0x52: {  	[sflag:s14] =	ssyncset.done $0x0  }
0x53: {  	[sflag:s14] =	ssyncadd.s32 $0xFFFFCE00  }
0x54: {  	[bflag:$0x0] =	sbarrier.arrive $0xFFFF  }
0x55: {  	[hbm:s11], [sflag:s16] =	dma.local [spmem:s17], $0x2800  }
0x56: {  	_ =	swait.ge [sflag:s14], $0x2800  }
0x57: {  	[sflag:s14] =	ssyncset.done $0x0  }
0x58: {  	[sflag:s14] =	ssyncadd.s32 $0xFFFFD800  }
0x59: {  	[spmem:s17], [sflag:s16] =	dma.local [hbm:s2], $0x2800  }
0x5a: {  	_ =	swait.ge [sflag:s14], $0x2800  }
0x5b: {  	[sflag:s14] =	ssyncset.done $0x0  }
0x5c: {  	[sflag:s14] =	ssyncadd.s32 $0xFFFFD800  }
0x5d: {  	s28 =	simm.s32 $0x0;
	[bflag:$0x0] =	sbarrier.arrive $0xFFFF  }
0x5e: {  	[tilespmem:s19], [sflag:$0x1] =	stream.indirect.gather [hbm4b:s6+s18], $0x80, s28, s18, $0xb8;
	[tilespmem:$0x1E000] =	vst v63  }
0x5f: {  	_ =	swait.ge [sflag:s20], $0x3200  }
0x60: {  	[sflag:s20] =	ssyncset.done $0x0  }
0x61: {  	s29 =	simm.s32 $0x80;
	[sflag:s20] =	ssyncadd.s32 $0xFFFFCE00  }
0x62: {  	[tilespmem:s21], [sflag:$0x2] =	stream.indirect.gather [hbm4b:s6+s18], $0x80, s29, s18, $0xb8;
	[tilespmem:$0x1E000] =	vst v63  }
0x63: {  	s30 =	simm.s32 $0x1C00  }
0x64: {  	[spmem:s3] =	stream.indirect.scatter.add.f32 [tilespmem:s19], [sflag:$0x3], $0x80, s30, s18, $0xb8;
	[tilespmem:$0x1E000] =	vst v63  }
0x65: {  	_ =	swait.ge [sflag:s14], $0x3200  }
0x66: {  	[sflag:s14] =	ssyncset.done $0x0  }
0x67: {  	[sflag:s14] =	ssyncadd.s32 $0xFFFFCE00  }
0x68: {  	_ =	swait.ge [sflag:s22], $0x3200  }
0x69: {  	[sflag:s22] =	ssyncset.done $0x0  }
0x6a: {  	s31 =	simm.s32 $0x1C80;
	[sflag:s22] =	ssyncadd.s32 $0xFFFFCE00  }
0x6b: {  	[spmem:s3] =	stream.indirect.scatter.add.f32 [tilespmem:s21], [sflag:$0x3], $0x80, s31, s18, $0xb8;
	[tilespmem:$0x1E000] =	vst v63  }
0x6c: {  	_ =	swait.ge [sflag:s14], $0x3200  }
0x6d: {  	s25 =	simm.s32 $0x800;
	s24 =	simm.s32 $0x400;
	[sflag:s14] =	ssyncset.done $0x0  }
.LBB2_4:
0x6e: {  	s26 =	sshra.s32 s24, $0x2  }
0x6f: {  	[sflag:s14] =	ssyncadd.s32 $0xFFFFCE00;
	s24 =	smov.u32 s25;
	s28 =	sadd.s32 $0x400, s25  }
0x70: {  	[tilespmem:s19], [sflag:$0x1] =	stream.indirect.gather [hbm4b:s6+s18], $0x80, s26, s18, $0xb8;
	[tilespmem:$0x1E000] =	vst v63  }
0x71: {  	p0 =	sne.s32 s25, $0x6000;
	_ =	swait.ge [sflag:s20], $0x3200  }
0x72: {  	[sflag:s20] =	ssyncset.done $0x0  }
0x73: {  	s25 =	sadd.s32 $0x80, s26;
	[sflag:s20] =	ssyncadd.s32 $0xFFFFCE00  }
0x74: {  	[tilespmem:s21], [sflag:$0x2] =	stream.indirect.gather [hbm4b:s6+s18], $0x80, s25, s18, $0xb8;
	[tilespmem:$0x1E000] =	vst v63  }
0x75: {  	s25 =	sadd.s32 $0x1C00, s26  }
0x76: {  	[spmem:s3] =	stream.indirect.scatter.add.f32 [tilespmem:s19], [sflag:$0x3], $0x80, s25, s18, $0xb8;
	[tilespmem:$0x1E000] =	vst v63  }
0x77: {  	_ =	swait.ge [sflag:s14], $0x3200  }
0x78: {  	[sflag:s14] =	ssyncset.done $0x0  }
0x79: {  	[sflag:s14] =	ssyncadd.s32 $0xFFFFCE00  }
0x7a: {  	_ =	swait.ge [sflag:s22], $0x3200  }
.Ltmp1:
0x7b: {  	[sflag:s22] =	ssyncset.done $0x0;
	(pc) =	sbr.rel @p0 .LBB2_4-.Ltmp1, $4  }
0x7c: {  	s25 =	sadd.s32 $0x1C80, s26;
	[sflag:s22] =	ssyncadd.s32 $0xFFFFCE00  }
0x7d: {  	[spmem:s3] =	stream.indirect.scatter.add.f32 [tilespmem:s21], [sflag:$0x3], $0x80, s25, s18, $0xb8;
	[tilespmem:$0x1E000] =	vst v63  }
0x7e: {  	_ =	swait.ge [sflag:s14], $0x3200  }
0x7f: {  	s25 =	smov.u32 s28;
	[sflag:s14] =	ssyncset.done $0x0  }
0x80: {  	s24 =	sshra.s32 s24, $0x2;
	[sflag:s14] =	ssyncadd.s32 $0xFFFFCE00  }
0x81: {  	[tilespmem:s19], [sflag:$0x1] =	stream.indirect.gather [hbm4b:s6+s18], $0x80, s24, s18, $0xb8;
	[tilespmem:$0x1E000] =	vst v63  }
0x82: {  	_ =	swait.ge [sflag:s20], $0x3200  }
0x83: {  	[sflag:s20] =	ssyncset.done $0x0  }
0x84: {  	s25 =	sadd.s32 $0x80, s24;
	[sflag:s20] =	ssyncadd.s32 $0xFFFFCE00  }
0x85: {  	[tilespmem:s21], [sflag:$0x2] =	stream.indirect.gather [hbm4b:s6+s18], $0x80, s25, s18, $0xb8;
	[tilespmem:$0x1E000] =	vst v63  }
0x86: {  	s26 =	sadd.s32 $0x1C00, s24  }
0x87: {  	[spmem:s3] =	stream.indirect.scatter.add.f32 [tilespmem:s19], [sflag:$0x3], $0x80, s26, s18, $0xb8;
	[tilespmem:$0x1E000] =	vst v63  }
0x88: {  	_ =	swait.ge [sflag:s14], $0x3200  }
0x89: {  	[sflag:s14] =	ssyncset.done $0x0  }
0x8a: {  	[sflag:s14] =	ssyncadd.s32 $0xFFFFCE00  }
0x8b: {  	_ =	swait.ge [sflag:s22], $0x3200  }
0x8c: {  	[sflag:s22] =	ssyncset.done $0x0  }
0x8d: {  	s24 =	sadd.s32 $0x1C80, s24;
	[sflag:s22] =	ssyncadd.s32 $0xFFFFCE00  }
0x8e: {  	[spmem:s3] =	stream.indirect.scatter.add.f32 [tilespmem:s21], [sflag:$0x3], $0x80, s24, s18, $0xb8;
	[tilespmem:$0x1E000] =	vst v63  }
0x8f: {  	_ =	swait.ge [sflag:s14], $0x3200  }
0x90: {  	[sflag:s14] =	ssyncset.done $0x0  }
0x91: {  	[sflag:s14] =	ssyncadd.s32 $0xFFFFCE00  }
0x92: {  	[bflag:$0x0] =	sbarrier.arrive $0xFFFF  }
0x93: {  	[hbm:s12], [sflag:s16] =	dma.local [spmem:s17], $0x2800  }
0x94: {  	_ =	swait.ge [sflag:s14], $0x2800  }
0x95: {  	[sflag:s14] =	ssyncset.done $0x0  }
0x96: {  	[sflag:s14] =	ssyncadd.s32 $0xFFFFD800  }
0x97: {  	[spmem:s17], [sflag:s16] =	dma.local [hbm:s2], $0x2800  }
0x98: {  	_ =	swait.ge [sflag:s14], $0x2800  }
0x99: {  	[sflag:s14] =	ssyncset.done $0x0  }
0x9a: {  	[sflag:s14] =	ssyncadd.s32 $0xFFFFD800  }
0x9b: {  	s28 =	simm.s32 $0x0;
	[bflag:$0x0] =	sbarrier.arrive $0xFFFF  }
0x9c: {  	[tilespmem:s19], [sflag:$0x1] =	stream.indirect.gather [hbm4b:s7+s18], $0x80, s28, s18, $0xb8;
	[tilespmem:$0x1E000] =	vst v63  }
0x9d: {  	_ =	swait.ge [sflag:s20], $0x3200  }
0x9e: {  	[sflag:s20] =	ssyncset.done $0x0  }
0x9f: {  	s29 =	simm.s32 $0x80;
	[sflag:s20] =	ssyncadd.s32 $0xFFFFCE00  }
0xa0: {  	[tilespmem:s21], [sflag:$0x2] =	stream.indirect.gather [hbm4b:s7+s18], $0x80, s29, s18, $0xb8;
	[tilespmem:$0x1E000] =	vst v63  }
0xa1: {  	s30 =	simm.s32 $0x1C00  }
0xa2: {  	[spmem:s3] =	stream.indirect.scatter.add.f32 [tilespmem:s19], [sflag:$0x3], $0x80, s30, s18, $0xb8;
	[tilespmem:$0x1E000] =	vst v63  }
0xa3: {  	_ =	swait.ge [sflag:s14], $0x3200  }
0xa4: {  	[sflag:s14] =	ssyncset.done $0x0  }
0xa5: {  	[sflag:s14] =	ssyncadd.s32 $0xFFFFCE00  }
0xa6: {  	_ =	swait.ge [sflag:s22], $0x3200  }
0xa7: {  	[sflag:s22] =	ssyncset.done $0x0  }
0xa8: {  	s31 =	simm.s32 $0x1C80;
	[sflag:s22] =	ssyncadd.s32 $0xFFFFCE00  }
0xa9: {  	[spmem:s3] =	stream.indirect.scatter.add.f32 [tilespmem:s21], [sflag:$0x3], $0x80, s31, s18, $0xb8;
	[tilespmem:$0x1E000] =	vst v63  }
0xaa: {  	_ =	swait.ge [sflag:s14], $0x3200  }
0xab: {  	s25 =	simm.s32 $0x800;
	s24 =	simm.s32 $0x400;
	[sflag:s14] =	ssyncset.done $0x0  }
.LBB2_6:
0xac: {  	s26 =	sshra.s32 s24, $0x2  }
0xad: {  	[sflag:s14] =	ssyncadd.s32 $0xFFFFCE00;
	s24 =	smov.u32 s25;
	s28 =	sadd.s32 $0x400, s25  }
0xae: {  	[tilespmem:s19], [sflag:$0x1] =	stream.indirect.gather [hbm4b:s7+s18], $0x80, s26, s18, $0xb8;
	[tilespmem:$0x1E000] =	vst v63  }
0xaf: {  	p0 =	sne.s32 s25, $0x6000;
	_ =	swait.ge [sflag:s20], $0x3200  }
0xb0: {  	[sflag:s20] =	ssyncset.done $0x0  }
0xb1: {  	s25 =	sadd.s32 $0x80, s26;
	[sflag:s20] =	ssyncadd.s32 $0xFFFFCE00  }
0xb2: {  	[tilespmem:s21], [sflag:$0x2] =	stream.indirect.gather [hbm4b:s7+s18], $0x80, s25, s18, $0xb8;
	[tilespmem:$0x1E000] =	vst v63  }
0xb3: {  	s25 =	sadd.s32 $0x1C00, s26  }
0xb4: {  	[spmem:s3] =	stream.indirect.scatter.add.f32 [tilespmem:s19], [sflag:$0x3], $0x80, s25, s18, $0xb8;
	[tilespmem:$0x1E000] =	vst v63  }
0xb5: {  	_ =	swait.ge [sflag:s14], $0x3200  }
0xb6: {  	[sflag:s14] =	ssyncset.done $0x0  }
0xb7: {  	[sflag:s14] =	ssyncadd.s32 $0xFFFFCE00  }
0xb8: {  	_ =	swait.ge [sflag:s22], $0x3200  }
.Ltmp2:
0xb9: {  	[sflag:s22] =	ssyncset.done $0x0;
	(pc) =	sbr.rel @p0 .LBB2_6-.Ltmp2, $4  }
0xba: {  	s25 =	sadd.s32 $0x1C80, s26;
	[sflag:s22] =	ssyncadd.s32 $0xFFFFCE00  }
0xbb: {  	[spmem:s3] =	stream.indirect.scatter.add.f32 [tilespmem:s21], [sflag:$0x3], $0x80, s25, s18, $0xb8;
	[tilespmem:$0x1E000] =	vst v63  }
0xbc: {  	_ =	swait.ge [sflag:s14], $0x3200  }
0xbd: {  	s25 =	smov.u32 s28;
	[sflag:s14] =	ssyncset.done $0x0  }
0xbe: {  	s24 =	sshra.s32 s24, $0x2;
	[sflag:s14] =	ssyncadd.s32 $0xFFFFCE00  }
0xbf: {  	[tilespmem:s19], [sflag:$0x1] =	stream.indirect.gather [hbm4b:s7+s18], $0x80, s24, s18, $0xb8;
	[tilespmem:$0x1E000] =	vst v63  }
0xc0: {  	_ =	swait.ge [sflag:s20], $0x3200  }
0xc1: {  	[sflag:s20] =	ssyncset.done $0x0  }
0xc2: {  	s25 =	sadd.s32 $0x80, s24;
	[sflag:s20] =	ssyncadd.s32 $0xFFFFCE00  }
0xc3: {  	[tilespmem:s21], [sflag:$0x2] =	stream.indirect.gather [hbm4b:s7+s18], $0x80, s25, s18, $0xb8;
	[tilespmem:$0x1E000] =	vst v63  }
0xc4: {  	s31 =	sadd.s32 $0x1C00, s24  }
0xc5: {  	[spmem:s3] =	stream.indirect.scatter.add.f32 [tilespmem:s19], [sflag:$0x3], $0x80, s31, s18, $0xb8;
	[tilespmem:$0x1E000] =	vst v63  }
0xc6: {  	_ =	swait.ge [sflag:s14], $0x3200  }
0xc7: {  	[sflag:s14] =	ssyncset.done $0x0  }
0xc8: {  	[sflag:s14] =	ssyncadd.s32 $0xFFFFCE00  }
0xc9: {  	_ =	swait.ge [sflag:s22], $0x3200  }
0xca: {  	[sflag:s22] =	ssyncset.done $0x0  }
0xcb: {  	s24 =	sadd.s32 $0x1C80, s24;
	[sflag:s22] =	ssyncadd.s32 $0xFFFFCE00  }
0xcc: {  	[spmem:s3] =	stream.indirect.scatter.add.f32 [tilespmem:s21], [sflag:$0x3], $0x80, s24, s18, $0xb8;
	[tilespmem:$0x1E000] =	vst v63  }
0xcd: {  	_ =	swait.ge [sflag:s14], $0x3200  }
0xce: {  	s23 =	sadd.s32 $0x1, s23;
	[sflag:s14] =	ssyncset.done $0x0  }
0xcf: {  	p0 =	sne.s32 s23, s10;
	[sflag:s14] =	ssyncadd.s32 $0xFFFFCE00  }
.Ltmp3:
0xd0: {  	[bflag:$0x0] =	sbarrier.arrive $0xFFFF;
	(pc) =	sbr.rel @p0 .LBB2_1-.Ltmp3, $4  }
0xd1: {  	[hbm:s13], [sflag:s16] =	dma.local [spmem:s17], $0x2800  }
0xd2: {  	_ =	swait.ge [sflag:s14], $0x2800  }
0xd3: {  	[sflag:s14] =	ssyncset.done $0x0  }
0xd4: {  	[sflag:s14] =	ssyncadd.s32 $0xFFFFD800  }
0xd5: {  	_ =	sfence.sel $0x180000  }
0xd6: {  	[bflag:$0x0] =	sbarrier.arrive $0xFFFF  }
0xd7: {  	p0 =	sne.s32 s1, $0x0;
	_ =	strace $0x9000004D  }
0xd8: {  	s0 =	sadd.s32 @!p0 $0x100000, s0;
	[bflag:$0x2] =	sbarrier.arrive $0xFFFF  }
0xd9: {  	[sflag:s0] =	ssyncadd.tile.s32 @!p0 $0x1;
	_ =	shalt  }
.Lfunc_end2:
_tile_overlayer_lowered:
.L_overlay_start_2:
0xda: {  	(tag) =	ssettag $0x2  }
0xdb: {  	s0 =	rddreg [dreg:$0x0];
	s2 =	stileid.u32  }
0xdc: {  	s1 =	rddreg [dreg:$0x1];
	p0 =	sne.s32 s2, $0x0  }
0xdd: {  	s3 =	rddreg [dreg:$0x2];
	[bflag:$0x3] =	sbarrier.arrive $0xFFFF;
	s2 =	simm.s32 @!p0 $0x1C03  }
0xde: {  	[timem:s3], [sflag:s2] =	dma.local @!p0 [hbm:s0], s1  }
0xdf: {  	s0 =	simm.s32 @!p0 $0x3  }
0xe0: {  	_ =	swait.ge @!p0 [sflag:s0], s1  }
0xe1: {  	s1 =	ssub.s32 @!p0 $0x0, s1;
	[sflag:s0] =	ssyncset.done @!p0 $0x0  }
0xe2: {  	[sflag:s0] =	ssyncadd.s32 @!p0 s1  }
0xe3: {  	[bflag:$0x3] =	sbarrier.arrive $0xFFFF  }
0xe4: {  	_ =	shalt  }

// kernel: kernel.9.cloned.1.call-start
scs
__scs_entry_jumppad:
0x0: {  	(pc) =	sbr.rel $0x88, $3  }
0x1: {  	(tag) =	ssettag $0x0;
	lr =	simm.s32 $0x1  }
0x2: {  	[smem:$0x3F8F] =	sst lr;
	_ =	strace $0xD0000000  }
0x3: {  	_ = 	snop  }
0x4: {  	_ = 	snop  }
0x5: {  	_ = 	snop  }
0x6: {  	_ = 	snop  }
0x7: {  	_ = 	snop  }
__scs_overlays_trampoline_lowered:
0x8: {  	[smem:$0x3F9E] =	sst s0  }
0x9: {  	[smem:$0x3F9F] =	sst s1  }
0xa: {  	[smem:$0x3FA0] =	sst s2  }
0xb: {  	[smem:$0x3FA1] =	sst s3  }
0xc: {  	[smem:$0x3FA2] =	sst s4  }
0xd: {  	[smem:$0x3FA3] =	sst s5  }
0xe: {  	[smem:$0x3FA4] =	sst s6  }
0xf: {  	[smem:$0x3FA5] =	sst s7  }
0x10: {  	[smem:$0x3FA6] =	sst s8  }
0x11: {  	[smem:$0x3FA7] =	sst s9;
	s0 =	simm.s32 @!p0 $0x0  }
0x12: {  	s1 =	sld [smem:$0x3F8D];
	s0 =	simm.s32 @p0 $0x1  }
0x13: {  	[smem:$0x3FA8] =	sst s0;
	s0 =	simm.s32 @!p1 $0x0  }
0x14: {  	s2 =	sld [smem:$0x3F8C];
	s0 =	simm.s32 @p1 $0x1  }
0x15: {  	[smem:$0x3FA9] =	sst s0;
	s0 =	simm.s32 @!p2 $0x0  }
0x16: {  	s3 =	sld [smem:$0x3FDB];
	s0 =	simm.s32 @p2 $0x1  }
0x17: {  	s4 =	simm.s32 $0x1BF5;
	[smem:$0x3FAB] =	sst s0  }
0x18: {  	s0 =	sld [smem:$0x3F8E];
	_ =	swait.ge [sflag:s4], $0x0  }
0x19: {  	s7 =	sld [smem:$0x3F8F]  }
0x1a: {  	s8 =	sadd.s32 $0xFFFFE003, lr  }
0x1b: {  	s9 =	sadd.s32 $0xFFFFFEF7, lr;
	s5 =	simm.s32 $0xFFFFFFFF;
	p2 =	slt.u32 s8, $0xFFFFF086  }
0x1c: {  	p1 =	slt.u32 s9, $0xF7A;
	s5 =	simm.s32 @!p2 $0x0  }
0x1d: {  	s5 =	simm.s32 @p1 $0x1;
	p0 =	seq.s32 s7, s2  }
0x1e: {  	s7 =	smul.u32 @!p0 $0xF7A, s2;
	p2 =	seq.s32 @!p0 s5, $0x0  }
0x1f: {  	s9 =	smul.u32 $0xF7A, s1;
	s8 =	simm.s32 @!p0 $0x1BF5;
	p2 =	por !p2, p0  }
0x20: {  	[sflag:s8] =	ssyncset.s32 @!p0 $0xFFFFF086;
	s6 =	sadd.s32 @!p0 s3, s7;
	s7 =	simm.s32 @!p0 $0x108  }
0x21: {  	s3 =	sadd.s32 s3, s9;
	s6 =	sadd.s32 @!p0 $0x88, s6;
	s7 =	simm.s32 @p2 $0x1082  }
0x22: {  	[simem:s7], [sflag:s8] =	dma.local @!p0 [hbm:s6], $0xF7A  }
0x23: {  	s9 =	sor.u32 $0xD0000000, s2;
	s6 =	simm.s32 $0x108;
	_ =	swait.ge @!p0 [sflag:s8], $0x0  }
0x24: {  	s3 =	sadd.s32 $0x88, s3;
	s6 =	simm.s32 @!p1 $0x1082;
	[sflag:s4] =	ssyncset.s32 $0xFFFFF086  }
0x25: {  	[simem:s6], [sflag:s4] =	dma.local [hbm:s3], $0xF7A  }
0x26: {  	[smem:$0x3F8F] =	sst s1;
	(tag) =	ssettag s2;
	_ =	strace s9  }
0x27: {  	s1 =	sld [smem:$0x3F9F]  }
0x28: {  	s2 =	sld [smem:$0x3FA0]  }
0x29: {  	s4 =	sld [smem:$0x3FA2]  }
0x2a: {  	p0 =	seq.s32 s5, $0x0;
	s5 =	sld [smem:$0x3FA3]  }
0x2b: {  	s6 =	sld [smem:$0x3FA4]  }
0x2c: {  	s7 =	sld [smem:$0x3FA5]  }
0x2d: {  	s3 =	simm.s32 $0x108;
	s8 =	sld [smem:$0x3FA6]  }
0x2e: {  	s3 =	simm.s32 @!p0 $0x1082;
	s9 =	sld [smem:$0x3FA7]  }
0x2f: {  	lr =	sadd.s32 s0, s3;
	s0 =	sld [smem:$0x3F9E]  }
0x30: {  	s3 =	sld [smem:$0x3FA1]  }
0x31: {  	[smem:$0x3FAA] =	sst s10  }
0x32: {  	s10 =	sld [smem:$0x3FA8];
	_ =	sdelay $0x3  }
0x33: {  	p0 =	seq.s32 s10, $0x1;
	s10 =	sld [smem:$0x3FAA];
	_ =	sdelay $0x3  }
0x34: {  	[smem:$0x3FAA] =	sst s10  }
0x35: {  	s10 =	sld [smem:$0x3FA9];
	_ =	sdelay $0x3  }
0x36: {  	p1 =	seq.s32 s10, $0x1;
	s10 =	sld [smem:$0x3FAA];
	_ =	sdelay $0x3  }
0x37: {  	[smem:$0x3FAA] =	sst s10  }
0x38: {  	s10 =	sld [smem:$0x3FAB]  }
0x39: {  	_ = 	snop;
	(pc) =	sbr.ind lr, $3  }
0x3a: {  	_ = 	snop  }
0x3b: {  	_ = 	snop  }
0x3c: {  	p2 =	seq.s32 s10, $0x1;
	s10 =	sld [smem:$0x3FAA]  }
0x3d: {  	_ =	shalt  }
0x3e: {  	_ =	shalt  }
0x3f: {  	_ =	shalt  }
0x40: {  	_ =	shalt  }
0x41: {  	_ =	shalt  }
0x42: {  	_ =	shalt  }
0x43: {  	_ =	shalt  }
0x44: {  	_ =	shalt  }
0x45: {  	_ =	shalt  }
0x46: {  	_ =	shalt  }
0x47: {  	_ =	shalt  }
0x48: {  	_ =	shalt  }
0x49: {  	_ =	shalt  }
0x4a: {  	_ =	shalt  }
0x4b: {  	_ =	shalt  }
0x4c: {  	_ =	shalt  }
0x4d: {  	_ =	shalt  }
0x4e: {  	_ =	shalt  }
0x4f: {  	_ =	shalt  }
0x50: {  	_ =	shalt  }
0x51: {  	_ =	shalt  }
0x52: {  	_ =	shalt  }
0x53: {  	_ =	shalt  }
0x54: {  	_ =	shalt  }
0x55: {  	_ =	shalt  }
0x56: {  	_ =	shalt  }
0x57: {  	_ =	shalt  }
0x58: {  	_ =	shalt  }
0x59: {  	_ =	shalt  }
0x5a: {  	_ =	shalt  }
0x5b: {  	_ =	shalt  }
0x5c: {  	_ =	shalt  }
0x5d: {  	_ =	shalt  }
0x5e: {  	_ =	shalt  }
0x5f: {  	_ =	shalt  }
0x60: {  	_ =	shalt  }
0x61: {  	_ =	shalt  }
0x62: {  	_ =	shalt  }
0x63: {  	_ =	shalt  }
0x64: {  	_ =	shalt  }
0x65: {  	_ =	shalt  }
0x66: {  	_ =	shalt  }
0x67: {  	_ =	shalt  }
0x68: {  	_ =	shalt  }
0x69: {  	_ =	shalt  }
0x6a: {  	_ =	shalt  }
0x6b: {  	_ =	shalt  }
0x6c: {  	_ =	shalt  }
0x6d: {  	_ =	shalt  }
0x6e: {  	_ =	shalt  }
0x6f: {  	_ =	shalt  }
0x70: {  	_ =	shalt  }
0x71: {  	_ =	shalt  }
0x72: {  	_ =	shalt  }
0x73: {  	_ =	shalt  }
0x74: {  	_ =	shalt  }
0x75: {  	_ =	shalt  }
0x76: {  	_ =	shalt  }
0x77: {  	_ =	shalt  }
0x78: {  	_ =	shalt  }
0x79: {  	_ =	shalt  }
0x7a: {  	_ =	shalt  }
0x7b: {  	_ =	shalt  }
0x7c: {  	_ =	shalt  }
0x7d: {  	_ =	shalt  }
0x7e: {  	_ =	shalt  }
0x7f: {  	_ =	shalt  }
0x80: {  	_ =	shalt  }
0x81: {  	_ =	shalt  }
0x82: {  	_ =	shalt  }
0x83: {  	_ =	shalt  }
0x84: {  	_ =	shalt  }
0x85: {  	_ =	shalt  }
0x86: {  	_ =	shalt  }
0x87: {  	_ =	shalt  }
.Lfunc_end0:
.L_simem_size_0:
called_computation_lowered:
.L_overlay_start_0:
0x88: {  	s2 =	sld [smem:$0x3FD9]  }
0x89: {  	s3 =	sld [smem:$0x3FFE];
	_ =	sdelay $0x1  }
0x8a: {  	s1 =	srdreg.scid  }
0x8b: {  	s0 =	sand.u32 $0x1, s1  }
0x8c: {  	s17 =	sshll.u32 s0, $0xA;
	s2 =	sadd.s32 s3, s2  }
0x8d: {  	s2 =	sadd.s32 s2, s17  }
0x8e: {  	[smem:$0x3FB6] =	sst s2  }
0x8f: {  	_ = 	snop  }
0x90: {  	s2 =	sld [smem:$0x3FD0];
	(tm) =	ssettm $0x1  }
0x91: {  	s18 =	sld [smem:$0x3FFB];
	_ =	sdelay $0x3  }
0x92: {  	_ =	strace s18  }
0x93: {  	s3 =	sld [smem:$0x3FFC];
	_ =	sdelay $0x3  }
0x94: {  	_ =	strace s3  }
0x95: {  	s3 =	sld [smem:$0x3FFD];
	_ =	sdelay $0x3  }
0x96: {  	_ =	strace s3  }
0x97: {  	_ =	strace $0x8FFFFFFF  }
0x98: {  	s19 =	sld [smem:$0x3FDB];
	_ =	sdelay $0x1  }
0x99: {  	s4 =	simm.s32 $_scs_section_size  }
0x9a: {  	s5 =	simm.s32 $_size__tile_overlayer_lowered;
	s6 =	simm.s32 $_tile_overlayer_lowered  }
0x9b: {  	s22 =	simm.s32 $0x1BFF;
	s21 =	sshll.u32 s6, $0x1;
	s3 =	sadd.s32 s4, s19  }
0x9c: {  	s7 =	simm.s32 $0x0;
	s20 =	sshll.u32 s5, $0x1;
	s5 =	sadd.s32 s21, s3  }
0x9d: {  	[timem:s7], [sflag:s22] =	dma.local [hbm:s5], s20  }
0x9e: {  	_ =	swait.ge [sflag:s22], s20  }
0x9f: {  	s4 =	ssub.s32 $0x0, s20;
	[sflag:s22] =	ssyncset.done $0x0  }
0xa0: {  	[sflag:s22] =	ssyncadd.s32 s4;
	_ =	sdelay $0x1  }
0xa1: {  	s23 =	simm.s32 $0x1B8B  }
0xa2: {  	_ =	swait.ge [sflag:s23], $0x1  }
0xa3: {  	[sflag:s23] =	ssyncset.done $0x0  }
0xa4: {  	s25 =	simm.s32 $0x1B8E;
	s24 =	sld [smem:$0x3FFE];
	[sflag:s23] =	ssyncadd.s32 $0xFFFFFFFF  }
0xa5: {  	s26 =	simm.s32 $execute0_lowered;
	[smem:$0x3FD2] =	sst s25  }
0xa6: {  	s5 =	sshll.u32 s26, $0x1;
	_ =	strace $0x80000046;
	[dreg:$0x1] =	wrdreg $0xFFFFFFFF  }
0xa7: {  	s28 =	simm.s32 $_size_execute0_lowered;
	s3 =	sadd.s32 s3, s5;
	[dreg:$0x0] =	wrdreg $0x0  }
0xa8: {  	s5 =	sshll.u32 s28, $0x1;
	[dreg:$0x2] =	wrdreg s3  }
0xa9: {  	[dreg:$0x3] =	wrdreg s5  }
0xaa: {  	[dreg:$0x4] =	wrdreg $0xC0  }
0xab: {  	_ =	task [dreg:s7], $0x5FFFF  }
0xac: {  	[dreg:$0x1] =	wrdreg $0xFFFFFFFF  }
0xad: {  	[dreg:$0x0] =	wrdreg $0x60  }
0xae: {  	[dreg:$0x2] =	wrdreg s24  }
0xaf: {  	[dreg:$0x3] =	wrdreg s2  }
0xb0: {  	[dreg:$0x4] =	wrdreg $0x66800  }
0xb1: {  	[dreg:$0x5] =	wrdreg $0x9  }
0xb2: {  	_ =	task.clear_ibuf [dreg:s7], $0x6FFFF;
	_ =	strace $0x90000046  }
0xb3: {  	s29 =	simm.s32 $0x9;
	_ =	strace $0x80000048  }
0xb4: {  	_ =	swait.ge [sflag:s29], $0x1  }
0xb5: {  	[sflag:s29] =	ssyncadd.s32 $0xFFFFFFFF  }
0xb6: {  	_ =	strace $0x90000048  }
0xb7: {  	_ =	sfence  }
0xb8: {  	s30 =	sld [smem:$0x0];
	_ =	sdelay $0x2  }
0xb9: {  	s31 =	sshll.u32 s1, $0xD;
	s1 =	sshrl.u32 s1, $0x2  }
0xba: {  	s3 =	sand.u32 $0x4000, s31;
	s1 =	sadd.s32 s1, s30  }
0xbb: {  	s0 =	sor.u32 s3, s0;
	s1 =	sshll.u32 s1, $0x11  }
0xbc: {  	s0 =	sor.u32 s1, s0  }
0xbd: {  	s0 =	sadd.s32 $0x8F2B, s0  }
0xbe: {  	[sflag:s0] =	ssyncadd.remote.s32 $0x1  }
0xbf: {  	_ =	sfence.sel $0xFFFF  }
0xc0: {  	[dreg:$0x0] =	wrdreg $0xFFFFFFFF;
	(pc) =	sbr.abs _section_cstart, $3  }
0xc1: {  	[dreg:$0x1] =	wrdreg $0xFFFFFFFF  }
0xc2: {  	_ =	task.clear_ibuf [dreg:s7], $0x2FFFF;
	_ =	strace $0x9FFFFFFF  }
0xc3: {  	(tm) =	ssettm $0x7FFFFFFF  }
tec
execute0_lowered:
.L_overlay_start_1:
0x0: {  	(tag) =	ssettag $0x1  }
0x1: {  	s8 =	rddreg [dreg:$0x0]  }
0x2: {  	s2 =	rddreg [dreg:$0x1]  }
0x3: {  	s0 =	srdreg.scid;
	s6 =	rddreg [dreg:$0x2]  }
0x4: {  	s3 =	simm.s32 $0x0;
	s11 =	simm.s32 $0xA200;
	s12 =	simm.s32 $0x400  }
0x5: {  	s13 =	simm.s32 $0x280;
	s14 =	simm.s32 $0x2800;
	s15 =	simm.s32 $0x6400  }
0x6: {  	s16 =	simm.s32 $0x0;
	s5 =	sand.u32 $0x1, s0;
	s0 =	stileid.u32  }
0x7: {  	[smem:$0x7FF] =	sst s3;
	s1 =	sshll.u32 s5, $0x4;
	s10 =	smul.u32 $0xA000, s0  }
0x8: {  	s7 =	sshll.u32 s0, $0x7;
	s30 =	ssub.s32 $0x2, s5;
	s31 =	smul.u32 $0x280, s0  }
0x9: {  	p0 =	seq.s32 s5, $0x1;
	s1 =	sor.u32 s0, s1;
	s7 =	sand.u32 $0x380, s7  }
0xa: {  	s9 =	sshrl.u32 s30, $0x1;
	s11 =	simm.s32 @!p0 $0x9C00;
	s1 =	sshrl.u32 s1, $0x3  }
0xb: {  	s10 =	sshrl.u32 s10, $0x2;
	s4 =	smul.u32 $0xA000, s1;
	s1 =	rddreg [dreg:$0x3]  }
0xc: {  	_ =	strace $0x80000047;
	s5 =	sadd.s32 s10, s6;
	s6 =	sadd.s32 s31, s6  }
0xd: {  	s10 =	simm.s32 $0x1;
	s4 =	sor.u32 s7, s4;
	s7 =	ssub.s32 s30, s9  }
0xe: {  	s9 =	sshrl.u32 s31, $0x3;
	s4 =	sshrl.u32 s4, $0x3;
	s7 =	smax.u32 s7, $0x1  }
0xf: {  	s4 =	sadd.s32 s4, s8;
	s8 =	sadd.s32 s11, s8;
	s11 =	simm.s32 $0x80  }
0x10: {  	v0 =	vimm.f32 $1.000000000e+00;
	s4 =	sadd.s32 $0x4C00, s4;
	s8 =	sadd.s32 s8, s9;
	s9 =	simm.s32 $0x1400  }
.LBB2_1:
0x11: {  	[tilespmem:s9], [sflag:$0x1] =	stream.linear.gather [hbm4b:s2+s3], $0x2800, $0x38;
	[tilespmem:$0x8E80] =	vst v63  }
0x12: {  	_ =	swait.ge [sflag:s10], $0x2800  }
0x13: {  	[sflag:s10] =	ssyncset.done $0x0  }
0x14: {  	[sflag:s10] =	ssyncadd.s32 $0xFFFFD800  }
0x15: {  	[tilespmem:s3], [sflag:$0x1] =	stream.strided.gather [hbm4b:s4+s11], $0x1400, s12, s11, $0x38;
	[tilespmem:$0x8E80] =	vst v63  }
0x16: {  	_ =	swait.ge [sflag:s10], $0x1400  }
0x17: {  	[sflag:s10] =	ssyncset.done $0x0  }
0x18: {  	s18 =	simm.s32 $0x0;
	s17 =	simm.s32 $0x40;
	[sflag:s10] =	ssyncadd.s32 $0xFFFFEC00  }
.LBB2_2:
0x19: {  	p0 =	sne.s32 s17, $0x4E00;
	v1 =	vld [tilespmem:s18+$0x0];
	_ =	sdelay $0x3  }
.Ltmp0:
0x1a: {  	(pc) =	sbr.rel @p0 .LBB2_2-.Ltmp0, $2  }
0x1b: {  	_ =	sdelay $0x2  }
0x1c: {  	s18 =	sshra.s32 s17, $0x2;
	s17 =	sadd.s32 $0x40, s17;
	[tilespmem:v1+s9+$0x0] =	vst.idx.add.f32.msk $0xffff, v0  }
0x1d: {  	v1 =	vld [tilespmem:s18+$0x0];
	_ =	sdelay $0x7  }
0x1e: {  	[tilespmem:v1+s9+$0x0] =	vst.idx.add.f32.msk $0xffff, v0  }
0x1f: {  	[spmem:s5] =	stream.linear.scatter [tilespmem:s9], [sflag:$0x1], $0x2800, $0x38;
	[tilespmem:$0x8E80] =	vst v63  }
0x20: {  	_ =	swait.ge [sflag:s10], $0x2800  }
0x21: {  	[sflag:s10] =	ssyncset.done $0x0  }
0x22: {  	[sflag:s10] =	ssyncadd.s32 $0xFFFFD800  }
0x23: {  	s17 =	simm.s32 $0x3C00;
	[bflag:$0x0] =	sbarrier.arrive $0xFFFF  }
0x24: {  	[tilespmem:s17], [sflag:$0x1] =	stream.strided.gather [spmem:s6], $0x2800, s14, s13, $0x38;
	[tilespmem:$0x8E80] =	vst v63  }
0x25: {  	_ =	swait.ge [sflag:s10], $0x2800  }
0x26: {  	s30 =	simm.s32 $0x0;
	[sflag:s10] =	ssyncset.done $0x0  }
0x27: {  	s18 =	sand.u32 $0x3F0, s30;
	[sflag:s10] =	ssyncadd.s32 $0xFFFFD800  }
0x28: {  	v1 =	vld [tilespmem:s18+$0x3E80]  }
0x29: {  	v2 =	vld [tilespmem:s17+$0x0];
	_ =	sdelay $0x1  }
0x2a: {  	v3 =	vld [tilespmem:s18+$0x4100];
	_ =	sdelay $0x1  }
0x2b: {  	v4 =	vld [tilespmem:s18+$0x4380]  }
0x2c: {  	v1 =	vadd.f32 v1, v2  }
0x2d: {  	v2 =	vld [tilespmem:s18+$0x4600]  }
0x2e: {  	v1 =	vadd.f32 v3, v1  }
0x2f: {  	v3 =	vld [tilespmem:s18+$0x4880]  }
0x30: {  	v1 =	vadd.f32 v4, v1  }
0x31: {  	v60 =	vld [tilespmem:s18+$0x4B00]  }
0x32: {  	v1 =	vadd.f32 v2, v1  }
0x33: {  	v2 =	vld [tilespmem:s18+$0x4D80]  }
0x34: {  	v1 =	vadd.f32 v3, v1  }
0x35: {  	v3 =	vld [tilespmem:s18+$0x5000]  }
0x36: {  	v1 =	vadd.f32 v60, v1  }
0x37: {  	v61 =	vld [tilespmem:s18+$0x5280]  }
0x38: {  	v1 =	vadd.f32 v2, v1  }
0x39: {  	v2 =	vld [tilespmem:s18+$0x5500]  }
0x3a: {  	v1 =	vadd.f32 v3, v1  }
0x3b: {  	v3 =	vld [tilespmem:s18+$0x5780]  }
0x3c: {  	v1 =	vadd.f32 v61, v1  }
0x3d: {  	v62 =	vld [tilespmem:s18+$0x5A00]  }
0x3e: {  	v1 =	vadd.f32 v2, v1  }
0x3f: {  	v2 =	vld [tilespmem:s18+$0x5C80]  }
0x40: {  	v1 =	vadd.f32 v3, v1  }
0x41: {  	v3 =	vld [tilespmem:s18+$0x5F00]  }
0x42: {  	v1 =	vadd.f32 v62, v1  }
0x43: {  	v63 =	vld [tilespmem:s18+$0x6180]  }
0x44: {  	v1 =	vadd.f32 v2, v1;
	_ =	sdelay $0x1  }
0x45: {  	v1 =	vadd.f32 v3, v1;
	_ =	sdelay $0x1  }
0x46: {  	v1 =	vadd.f32 v63, v1  }
0x47: {  	s31 =	simm.s32 $0x10;
	s17 =	simm.s32 $0x6400  }
0x48: {  	s18 =	sand.u32 $0x3F0, s31;
	[tilespmem:s17+$0x0] =	vst v1  }
0x49: {  	s20 =	simm.s32 $0x20;
	s19 =	simm.s32 $0x3C10;
	v1 =	vld [tilespmem:s18+$0x3E80]  }
.LBB2_4:
0x4a: {  	p0 =	sne.s32 s20, $0x270;
	v2 =	vld [tilespmem:s19+$0x0];
	_ =	sdelay $0x1  }
0x4b: {  	v3 =	vld [tilespmem:s18+$0x4100];
	_ =	sdelay $0x1  }
0x4c: {  	v4 =	vld [tilespmem:s18+$0x4380]  }
0x4d: {  	v1 =	vadd.f32 v1, v2  }
0x4e: {  	v2 =	vld [tilespmem:s18+$0x4600]  }
0x4f: {  	v1 =	vadd.f32 v3, v1  }
0x50: {  	v3 =	vld [tilespmem:s18+$0x4880]  }
0x51: {  	v1 =	vadd.f32 v4, v1  }
0x52: {  	v4 =	vld [tilespmem:s18+$0x4B00]  }
0x53: {  	v1 =	vadd.f32 v2, v1  }
0x54: {  	v2 =	vld [tilespmem:s18+$0x4D80]  }
0x55: {  	v1 =	vadd.f32 v3, v1  }
0x56: {  	v3 =	vld [tilespmem:s18+$0x5000]  }
0x57: {  	v1 =	vadd.f32 v4, v1  }
0x58: {  	v4 =	vld [tilespmem:s18+$0x5280]  }
0x59: {  	v1 =	vadd.f32 v2, v1  }
0x5a: {  	v2 =	vld [tilespmem:s18+$0x5500]  }
0x5b: {  	v1 =	vadd.f32 v3, v1  }
0x5c: {  	v3 =	vld [tilespmem:s18+$0x5780]  }
0x5d: {  	v1 =	vadd.f32 v4, v1  }
0x5e: {  	v4 =	vld [tilespmem:s18+$0x5A00]  }
0x5f: {  	v1 =	vadd.f32 v2, v1  }
0x60: {  	v2 =	vld [tilespmem:s18+$0x5C80]  }
0x61: {  	v1 =	vadd.f32 v3, v1  }
0x62: {  	v3 =	vld [tilespmem:s18+$0x5F00]  }
0x63: {  	v1 =	vadd.f32 v4, v1  }
0x64: {  	v4 =	vld [tilespmem:s18+$0x6180]  }
0x65: {  	v1 =	vadd.f32 v2, v1;
	_ =	sdelay $0x1  }
0x66: {  	v1 =	vadd.f32 v3, v1  }
.Ltmp1:
0x67: {  	(pc) =	sbr.rel @p0 .LBB2_4-.Ltmp1, $4  }
0x68: {  	v1 =	vadd.f32 v4, v1  }
0x69: {  	s17 =	sadd.s32 $0x10, s17  }
0x6a: {  	s18 =	sand.u32 $0x3F0, s20;
	[tilespmem:s17+$0x0] =	vst v1  }
0x6b: {  	s19 =	sadd.s32 $0x10, s19;
	s20 =	sadd.s32 $0x10, s20;
	v1 =	vld [tilespmem:s18+$0x3E80]  }
0x6c: {  	v2 =	vld [tilespmem:s19+$0x0];
	_ =	sdelay $0x1  }
0x6d: {  	v3 =	vld [tilespmem:s18+$0x4100];
	_ =	sdelay $0x1  }
0x6e: {  	v4 =	vld [tilespmem:s18+$0x4380]  }
0x6f: {  	v1 =	vadd.f32 v1, v2  }
0x70: {  	v2 =	vld [tilespmem:s18+$0x4600]  }
0x71: {  	v1 =	vadd.f32 v3, v1  }
0x72: {  	v3 =	vld [tilespmem:s18+$0x4880]  }
0x73: {  	v1 =	vadd.f32 v4, v1  }
0x74: {  	v60 =	vld [tilespmem:s18+$0x4B00]  }
0x75: {  	v1 =	vadd.f32 v2, v1  }
0x76: {  	v2 =	vld [tilespmem:s18+$0x4D80]  }
0x77: {  	v1 =	vadd.f32 v3, v1  }
0x78: {  	v3 =	vld [tilespmem:s18+$0x5000]  }
0x79: {  	v1 =	vadd.f32 v60, v1  }
0x7a: {  	v61 =	vld [tilespmem:s18+$0x5280]  }
0x7b: {  	v1 =	vadd.f32 v2, v1  }
0x7c: {  	v2 =	vld [tilespmem:s18+$0x5500]  }
0x7d: {  	v1 =	vadd.f32 v3, v1  }
0x7e: {  	v3 =	vld [tilespmem:s18+$0x5780]  }
0x7f: {  	v1 =	vadd.f32 v61, v1  }
0x80: {  	v62 =	vld [tilespmem:s18+$0x5A00]  }
0x81: {  	v1 =	vadd.f32 v2, v1  }
0x82: {  	v2 =	vld [tilespmem:s18+$0x5C80]  }
0x83: {  	v1 =	vadd.f32 v3, v1  }
0x84: {  	v3 =	vld [tilespmem:s18+$0x5F00]  }
0x85: {  	v1 =	vadd.f32 v62, v1  }
0x86: {  	v63 =	vld [tilespmem:s18+$0x6180]  }
0x87: {  	v1 =	vadd.f32 v2, v1;
	_ =	sdelay $0x1  }
0x88: {  	v1 =	vadd.f32 v3, v1;
	_ =	sdelay $0x1  }
0x89: {  	s16 =	sadd.s32 $0x1, s16;
	v1 =	vadd.f32 v63, v1  }
0x8a: {  	s17 =	sadd.s32 $0x10, s17;
	p0 =	sne.s32 s16, s7  }
.Ltmp2:
0x8b: {  	[tilespmem:s17+$0x0] =	vst v1;
	(pc) =	sbr.rel @p0 .LBB2_1-.Ltmp2, $4  }
0x8c: {  	[hbm4b:s8+s3] =	stream.linear.scatter [tilespmem:s15], [sflag:$0x1], $0x280, $0x38;
	[tilespmem:$0x8E80] =	vst v63  }
0x8d: {  	_ =	swait.ge [sflag:s10], $0x280  }
0x8e: {  	[sflag:s10] =	ssyncset.done $0x0  }
0x8f: {  	[sflag:s10] =	ssyncadd.s32 $0xFFFFFD80  }
0x90: {  	_ =	sfence.sel $0x180000  }
0x91: {  	[bflag:$0x0] =	sbarrier.arrive $0xFFFF  }
0x92: {  	p0 =	sne.s32 s0, $0x0;
	_ =	strace $0x90000047  }
0x93: {  	s0 =	sadd.s32 @!p0 $0x100000, s1;
	[bflag:$0x2] =	sbarrier.arrive $0xFFFF  }
0x94: {  	[sflag:s0] =	ssyncadd.tile.s32 @!p0 $0x1;
	_ =	shalt  }
.Lfunc_end2:
_tile_overlayer_lowered:
.L_overlay_start_2:
0x95: {  	(tag) =	ssettag $0x2  }
0x96: {  	s0 =	rddreg [dreg:$0x0];
	s2 =	stileid.u32  }
0x97: {  	s1 =	rddreg [dreg:$0x1];
	p0 =	sne.s32 s2, $0x0  }
0x98: {  	s3 =	rddreg [dreg:$0x2];
	[bflag:$0x3] =	sbarrier.arrive $0xFFFF;
	s2 =	simm.s32 @!p0 $0x1C01  }
0x99: {  	[timem:s3], [sflag:s2] =	dma.local @!p0 [hbm:s0], s1  }
0x9a: {  	s0 =	simm.s32 @!p0 $0x1  }
0x9b: {  	_ =	swait.ge @!p0 [sflag:s0], s1  }
0x9c: {  	s1 =	ssub.s32 @!p0 $0x0, s1;
	[sflag:s0] =	ssyncset.done @!p0 $0x0  }
0x9d: {  	[sflag:s0] =	ssyncadd.s32 @!p0 s1  }
0x9e: {  	[bflag:$0x3] =	sbarrier.arrive $0xFFFF  }
0x9f: {  	_ =	shalt  }

</sc_bundles>
